<compile_context>
chip_gen: v7x
topology: tpu7x:2x2x1
jax: 0.10.2.dev20260603
libtpu: 0.0.44.dev20260713+nightly
codegen_flags: <defaults>
</compile_context>

<pallas_src>
import functools

import jax
import jax.numpy as jnp
from jax import lax
from jax.experimental import pallas as pl
from jax.experimental.pallas import tpu as pltpu
from jax.experimental.pallas import tpu_sc as plsc

N = 10000
E = 320000
EH = E // 2
F = 64
NC = 2
NS = 16
NW = NC * NS
PPW = EH // NW
EPW = E // NW
GCH = 1000
SCH = 1000
NPT = N // NS

BN = 1000
BP = 6400



def _p0_body(x_ref, w_ref, a_ref, xn_ref):
    r = jnp.dot(x_ref[...], w_ref[...], preferred_element_type=jnp.float32)
    a_ref[...] = r[:, :F]
    xn_ref[...] = r[:, F:]


def _p0(x, w0):
    return pl.pallas_call(
        _p0_body,
        grid=(N // BN,),
        in_specs=[
            pl.BlockSpec((BN, 128), lambda i: (i, 0)),
            pl.BlockSpec((128, 128), lambda i: (0, 0)),
        ],
        out_specs=[
            pl.BlockSpec((BN, F), lambda i: (i, 0)),
            pl.BlockSpec((BN, F), lambda i: (i, 0)),
        ],
        out_shape=[
            jax.ShapeDtypeStruct((N, F), jnp.float32),
            jax.ShapeDtypeStruct((N, F), jnp.float32),
        ],
    )(x, w0)


def _p2_body(ag_ref, et_ref, w2_ref, ws_ref, hm_ref, c_ref, oe_ref, oo_ref):
    et = et_ref[...]
    bp = jax.lax.dot_general(
        et, w2_ref[...], (((0,), (0,)), ((), ())),
        preferred_element_type=jnp.float32)
    wfull = jax.lax.dot_general(
        et, ws_ref[...], (((0,), (0,)), ((), ())),
        preferred_element_type=jnp.float32)
    h = ag_ref[...] + bp + c_ref[0:1, :]
    hm = hm_ref[...]
    mu = jnp.dot(h, hm, preferred_element_type=jnp.float32)
    hc = h - mu
    var = jnp.dot(hc * hc, hm, preferred_element_type=jnp.float32)
    hn = hc * lax.rsqrt(var + 1e-5) * c_ref[1:2, :] + c_ref[2:3, :]
    rw = jnp.maximum(hn, 0.0) * wfull
    lane = lax.broadcasted_iota(jnp.int32, (1, 128), 1) % F
    wr = jnp.where(lane == 0, wfull, 0.0) + jnp.where(lane == 1, 1.0, 0.0)
    oe_ref[...] = jnp.concatenate([rw[:, :F], wr[:, :F]], axis=1)
    oo_ref[...] = jnp.concatenate([rw[:, F:], wr[:, F:]], axis=1)


def _p2(ag2, eawt, w2, wsel, hm, c8):
    return pl.pallas_call(
        _p2_body,
        grid=(EH // BP,),
        in_specs=[
            pl.BlockSpec((BP, 128), lambda i: (i, 0)),
            pl.BlockSpec((40, BP), lambda i: (0, i)),
            pl.BlockSpec((40, 128), lambda i: (0, 0)),
            pl.BlockSpec((40, 128), lambda i: (0, 0)),
            pl.BlockSpec((128, 128), lambda i: (0, 0)),
            pl.BlockSpec((8, 128), lambda i: (0, 0)),
        ],
        out_specs=[
            pl.BlockSpec((BP, 128), lambda i: (i, 0)),
            pl.BlockSpec((BP, 128), lambda i: (i, 0)),
        ],
        out_shape=[
            jax.ShapeDtypeStruct((EH, 128), jnp.float32),
            jax.ShapeDtypeStruct((EH, 128), jnp.float32),
        ],
    )(ag2, eawt, w2, wsel, hm, c8)


def _p4_body(s64_ref, s16_ref, xn_ref, oh_ref, up_ref, m_ref, v_ref,
             w2_ref, b2_ref, out_ref):
    sm = s64_ref[0] + s64_ref[1]
    wc = s16_ref[0] + s16_ref[1]
    wsum = wc[:, 0:1]
    cnt = wc[:, 1:2]
    recv = (
        jnp.dot(sm, m_ref[...], preferred_element_type=jnp.float32)
        + wsum * v_ref[0:1, :]
    ) / jnp.maximum(cnt, 1.0)
    h = (
        xn_ref[...] + recv
        + jnp.dot(oh_ref[...], up_ref[...], preferred_element_type=jnp.float32)
        + v_ref[1:2, :]
    )
    mu = jnp.mean(h, axis=-1, keepdims=True)
    var = jnp.mean((h - mu) ** 2, axis=-1, keepdims=True)
    hn = (h - mu) * lax.rsqrt(var + 1e-5) * v_ref[2:3, :] + v_ref[3:4, :]
    hr = jnp.maximum(hn, 0.0)
    out_ref[...] = (
        jnp.dot(hr, w2_ref[...], preferred_element_type=jnp.float32)
        + b2_ref[0:1, :]
    )


def _p4(s64, s16, xn, oh, up, m64, v8, nw2, b2r, node_out):
    return pl.pallas_call(
        _p4_body,
        grid=(N // BN,),
        in_specs=[
            pl.BlockSpec((NC, BN, F), lambda i: (0, i, 0)),
            pl.BlockSpec((NC, BN, 16), lambda i: (0, i, 0)),
            pl.BlockSpec((BN, F), lambda i: (i, 0)),
            pl.BlockSpec((BN, 16), lambda i: (i, 0)),
            pl.BlockSpec((16, F), lambda i: (0, 0)),
            pl.BlockSpec((F, F), lambda i: (0, 0)),
            pl.BlockSpec((8, F), lambda i: (0, 0)),
            pl.BlockSpec((F, node_out), lambda i: (0, 0)),
            pl.BlockSpec((8, node_out), lambda i: (0, 0)),
        ],
        out_specs=pl.BlockSpec((BN, node_out), lambda i: (i, 0)),
        out_shape=jax.ShapeDtypeStruct((N, node_out), jnp.float32),
    )(s64, s16, xn, oh, up, m64, v8, nw2, b2r)



@functools.lru_cache(maxsize=None)
def _make_sc_gather():
    mesh = plsc.VectorSubcoreMesh(core_axis_name="c", subcore_axis_name="s")

    @functools.partial(
        pl.kernel,
        mesh=mesh,
        out_type=jax.ShapeDtypeStruct((EH, 128), jnp.float32),
        scratch_types=[
            pltpu.VMEM((GCH,), jnp.int32),
            pltpu.VMEM((GCH,), jnp.int32),
            pltpu.VMEM((GCH, F), jnp.float32),
            pltpu.VMEM((GCH, F), jnp.float32),
            pltpu.SemaphoreType.DMA,
            pltpu.SemaphoreType.DMA,
            pltpu.SemaphoreType.DMA,
            pltpu.SemaphoreType.DMA,
        ],
        compiler_params=pltpu.CompilerParams(use_tc_tiling_on_sc=False),
    )
    def _sc_gather(a_hbm, row_hbm, out_hbm, idx0_v, idx1_v, rows0_v, rows1_v,
                   semg0, semg1, sems0, sems1):
        cid = lax.axis_index("c")
        sid = lax.axis_index("s")
        wid = cid * NS + sid
        idx = (idx0_v, idx1_v)
        rows = (rows0_v, rows1_v)
        semg = (semg0, semg1)
        sems = (sems0, sems1)
        steps = []
        for ch in range(PPW // GCH):
            for half in range(2):
                steps.append((wid * PPW + ch * GCH, half))
        nst = len(steps)
        g_h = [None, None]
        s_h = [None, None]
        for k in range(nst + 1):
            if k < nst:
                pbase, half = steps[k]
                b = k % 2
                if s_h[b] is not None:
                    s_h[b].wait()
                pltpu.sync_copy(row_hbm.at[pl.ds(half * EH + pbase, GCH)],
                                idx[b])
                g_h[b] = pltpu.async_copy(a_hbm.at[idx[b]], rows[b], semg[b])
            if k >= 1:
                ppbase, phalf = steps[k - 1]
                pb = (k - 1) % 2
                g_h[pb].wait()
                s_h[pb] = pltpu.async_copy(
                    rows[pb],
                    out_hbm.at[pl.ds(ppbase, GCH), pl.ds(phalf * F, F)],
                    sems[pb])
        s_h[(nst - 1) % 2].wait()

    return _sc_gather


@functools.lru_cache(maxsize=None)
def _make_sc_scatter():
    mesh = plsc.VectorSubcoreMesh(core_axis_name="c", subcore_axis_name="s")

    @functools.partial(
        pl.kernel,
        mesh=mesh,
        out_type=[
            jax.ShapeDtypeStruct((NC, N, F), jnp.float32),
            jax.ShapeDtypeStruct((NC, N, 16), jnp.float32),
        ],
        scratch_types=[
            pltpu.VMEM((SCH,), jnp.int32),
            pltpu.VMEM((SCH, F), jnp.float32),
            pltpu.VMEM((SCH, 16), jnp.float32),
            pltpu.VMEM_SHARED((N, F), jnp.float32),
            pltpu.VMEM_SHARED((N, 16), jnp.float32),
            pltpu.SemaphoreType.DMA,
        ],
        compiler_params=pltpu.CompilerParams(use_tc_tiling_on_sc=False),
    )
    def _sc_scatter(re_hbm, ro_hbm, col_hbm, o64_hbm, o16_hbm,
                    idx_v, rbuf_v, wbuf_v, a64_sh, a16_sh, sem):
        cid = lax.axis_index("c")
        sid = lax.axis_index("s")
        wid = cid * NS + sid

        def _zrow(i, _):
            for j in range(F // 16):
                rbuf_v[i, pl.ds(j * 16, 16)] = jnp.zeros((16,), jnp.float32)
            wbuf_v[i, pl.ds(0, 16)] = jnp.zeros((16,), jnp.float32)
            return 0

        lax.fori_loop(0, NPT, _zrow, 0)
        pltpu.sync_copy(rbuf_v.at[pl.ds(0, NPT)],
                        a64_sh.at[pl.ds(sid * NPT, NPT)])
        pltpu.sync_copy(wbuf_v.at[pl.ds(0, NPT)],
                        a16_sh.at[pl.ds(sid * NPT, NPT)])
        plsc.subcore_barrier()

        nch = PPW // SCH
        for half, r_hbm in ((0, re_hbm), (1, ro_hbm)):
            for ch in range(nch):
                pbase = wid * PPW + ch * SCH
                pltpu.sync_copy(col_hbm.at[pl.ds(half * EH + pbase, SCH)],
                                idx_v)
                pltpu.sync_copy(
                    r_hbm.at[pl.ds(pbase, SCH), pl.ds(0, F)], rbuf_v)
                pltpu.sync_copy(
                    r_hbm.at[pl.ds(pbase, SCH), pl.ds(F, 16)], wbuf_v)
                pltpu.sync_copy(rbuf_v, a64_sh.at[idx_v], add=True)
                pltpu.sync_copy(wbuf_v, a16_sh.at[idx_v], add=True)

        plsc.subcore_barrier()
        pltpu.sync_copy(
            a64_sh.at[pl.ds(sid * NPT, NPT)],
            o64_hbm.at[cid, pl.ds(sid * NPT, NPT)],
        )
        pltpu.sync_copy(
            a16_sh.at[pl.ds(sid * NPT, NPT)],
            o16_hbm.at[cid, pl.ds(sid * NPT, NPT)],
        )

    return _sc_scatter



def kernel(x, edge_index, edge_attr, u, node_batch, edge_batch, wts,
           mW1, mb1, mg1, mbe1, mW2, mb2,
           nW1, nb1, ng1, nbe1, nW2, nb2):
    node_out = nW2.shape[1]
    row = edge_index[0]
    col = edge_index[1]

    w0 = jnp.concatenate([mW1[:128], nW1[:128]], axis=1)
    m64 = mW2 @ nW1[128:384]
    vb = mb2 @ nW1[128:384]
    u_proj = u @ nW1[384:]
    w1e = mW1[128:]
    w2p = jnp.concatenate([
        jnp.concatenate([w1e, jnp.zeros((16, 64), jnp.float32)], axis=1),
        jnp.concatenate([jnp.zeros((16, 64), jnp.float32), w1e], axis=1),
        jnp.zeros((8, 128), jnp.float32),
    ], axis=0)
    wselp = jnp.zeros((40, 128), jnp.float32)
    wselp = wselp.at[32, :F].set(1.0).at[33, F:].set(1.0)
    half = (jnp.arange(128) // F)
    hmm = jnp.where(half[:, None] == half[None, :], 1.0 / F, 0.0)
    c8 = jnp.concatenate([
        jnp.tile(mb1, 2)[None, :], jnp.tile(mg1, 2)[None, :],
        jnp.tile(mbe1, 2)[None, :], jnp.zeros((5, 128), jnp.float32)], axis=0)
    z = jnp.zeros((1, F), jnp.float32)
    v8 = jnp.concatenate(
        [vb[None, :], nb1[None, :], ng1[None, :], nbe1[None, :]] + [z] * 4,
        axis=0)
    zb = jnp.zeros((1, node_out), jnp.float32)
    b2r = jnp.concatenate([nb2[None, :]] + [zb] * 7, axis=0)

    oh = (node_batch[:, None] == jnp.arange(16)[None, :]).astype(jnp.float32)

    ea_t = edge_attr.T
    w_t = wts.T
    eawt = jnp.concatenate([
        ea_t[:, :EH], ea_t[:, EH:], w_t[:, :EH], w_t[:, EH:],
        jnp.zeros((6, EH), jnp.float32)], axis=0)

    a, xn = _p0(x, w0)
    ag2 = _make_sc_gather()(a, row)
    r_e, r_o = _p2(ag2, eawt, w2p, wselp, hmm, c8)
    s64, s16 = _make_sc_scatter()(r_e, r_o, col)
    return _p4(s64, s16, xn, oh, u_proj, m64, v8, nW2, b2r, node_out)

# --- scband reference (transcript-rebuilt; emitter-appended) ---
"""Pipeline reference for scband-node-model-38113539784806 (READ-ONLY COPY).

The authoritative reference and input builder live on the scoring server;
editing this copy changes nothing except your own understanding.
"""

import jax, jax.numpy as jnp
import numpy as np

N, E, NODE_IN, EDGE_IN, H1, H2, U_DIM, NG = 10000, 320000, 128, 16, 64, 64, 64, 16
MSG_OUT = 256
NODE_OUT = 768 // 2


def _mlp(h, W1, b1, g1, be1, W2, b2):
    # Linear -> LayerNorm -> ReLU -> Linear (2-layer MLP, layer_norm=True, eval mode)
    h = h @ W1 + b1
    mu = jnp.mean(h, axis=-1, keepdims=True)
    var = jnp.var(h, axis=-1, keepdims=True)
    h = (h - mu) / jnp.sqrt(var + 1e-5) * g1 + be1
    h = jax.nn.relu(h)
    return h @ W2 + b2


def setup_inputs(seed: int = 0):
    key = jax.random.key(seed)
    ks = jax.random.split(key, 24)
    x = jax.random.normal(ks[0], (N, NODE_IN), dtype=jnp.float32)
    edge_index = jax.random.randint(ks[1], (2, E), 0, N)
    edge_attr = jax.random.normal(ks[2], (E, EDGE_IN), dtype=jnp.float32)
    u = jax.random.normal(ks[3], (NG, U_DIM), dtype=jnp.float32)
    node_batch = jnp.sort(jax.random.randint(ks[4], (N,), 0, NG))
    edge_batch = jnp.sort(jax.random.randint(ks[5], (E,), 0, NG))
    wts = jax.random.uniform(ks[6], (E, 1), dtype=jnp.float32)
    mlp1_in = NODE_IN + EDGE_IN
    mlp2_in = MSG_OUT + NODE_IN + U_DIM
    s = 0.02
    params = {
        'mW1': jax.random.normal(ks[7], (mlp1_in, H1), dtype=jnp.float32) * s,
        'mb1': jnp.zeros((H1,), dtype=jnp.float32),
        'mg1': jnp.ones((H1,), dtype=jnp.float32),
        'mbe1': jnp.zeros((H1,), dtype=jnp.float32),
        'mW2': jax.random.normal(ks[8], (H1, MSG_OUT), dtype=jnp.float32) * s,
        'mb2': jnp.zeros((MSG_OUT,), dtype=jnp.float32),
        'nW1': jax.random.normal(ks[9], (mlp2_in, H2), dtype=jnp.float32) * s,
        'nb1': jnp.zeros((H2,), dtype=jnp.float32),
        'ng1': jnp.ones((H2,), dtype=jnp.float32),
        'nbe1': jnp.zeros((H2,), dtype=jnp.float32),
        'nW2': jax.random.normal(ks[10], (H2, NODE_OUT), dtype=jnp.float32) * s,
        'nb2': jnp.zeros((NODE_OUT,), dtype=jnp.float32),
    }
    inp = {'x': x, 'edge_index': edge_index, 'edge_attr': edge_attr, 'u': u,
           'node_batch': node_batch, 'edge_batch': edge_batch, 'wts': wts}
    inp.update(params)
    return inp


def reference(x, edge_index, edge_attr, u, node_batch, edge_batch, wts,
              mW1, mb1, mg1, mbe1, mW2, mb2,
              nW1, nb1, ng1, nbe1, nW2, nb2):
    row = edge_index[0]
    col = edge_index[1]
    # gather src node features, concat edge attrs
    edge_message = jnp.concatenate([x[row], edge_attr], axis=1)
    edge_message = _mlp(edge_message, mW1, mb1, mg1, mbe1, mW2, mb2)
    # wts is not None ('edge_weight' path): scatter_mean(edge_message * wts, col)
    weighted = edge_message * wts
    n = x.shape[0]
    sums = jnp.zeros((n, weighted.shape[1]), dtype=weighted.dtype).at[col].add(weighted)
    cnt = jnp.zeros((n,), dtype=weighted.dtype).at[col].add(1.0)
    received_message = sums / jnp.clip(cnt, 1.0, None)[:, None]
    # 'no_vec' not in ablation -> include u[node_batch]
    out = jnp.concatenate([x, received_message, u[node_batch]], axis=1)
    return _mlp(out, nW1, nb1, ng1, nbe1, nW2, nb2)

if __name__ == "__main__":
    import jax
    _d = setup_inputs()
    print(jax.jit(kernel)(*tuple(_d.values())))

</pallas_src>

<mosaic_0001>
#map = affine_map<(d0, d1) -> (0, 0)>
#map1 = affine_map<(d0, d1) -> (0)>
#map2 = affine_map<(d0, d1) -> (0, 0, 0)>
module attributes {stable_mosaic.version = 14 : i64} {
  func.func @_sc_scatter(%arg0: i32, %arg1: i32, %arg2: memref<160000x128xf32, #tpu.memory_space<hbm>>, %arg3: memref<160000x128xf32, #tpu.memory_space<hbm>>, %arg4: memref<320000xi32, #tpu.memory_space<hbm>>, %arg5: memref<2x10000x64xf32, #tpu.memory_space<hbm>>, %arg6: memref<2x10000x16xf32, #tpu.memory_space<hbm>>, %arg7: memref<1000xi32, #tpu.memory_space<vmem>>, %arg8: memref<1000x64xf32, #tpu.memory_space<vmem>>, %arg9: memref<1000x16xf32, #tpu.memory_space<vmem>>, %arg10: memref<10000x64xf32, #tpu.memory_space<vmem_shared>>, %arg11: memref<10000x16xf32, #tpu.memory_space<vmem_shared>>, %arg12: memref<!tpu.dma_semaphore, #tpu.memory_space<semaphore_mem>>) attributes {dimension_semantics = [#tpu.dimension_semantics<core_parallel>, #tpu.dimension_semantics<subcore_parallel>], iteration_bounds = array<i64: 2, 16>, scalar_prefetch = 0 : i64, scratch_operands = 6 : i64, tpu.core_type = #tpu.core_type<sc_vector_subcore>, window_params = [{transform_indices = #map}, {transform_indices = #map}, {transform_indices = #map1}, {transform_indices = #map2}, {transform_indices = #map2}]} {
    %mul3A = arith.constant 16 : i32
    %mul3A_0 = arith.muli %arg0, %mul3A : i32
    %add3A = arith.addi %mul3A_0, %arg1 : i32
    %scan3A = arith.constant 0 : i32
    %scan3A_1 = arith.constant 0 : i32
    %scan3A_2 = arith.constant 625 : i32
    %scan3A_3 = arith.addi %scan3A_1, %scan3A_2 : i32
    %scan3A_4 = arith.constant 1 : i32
    %scan3A_5 = scf.for %scan3A_80 = %scan3A_1 to %scan3A_3 step %scan3A_4 iter_args(%scan3A_81 = %scan3A) -> (i32)  : i32 {
      %broadcast_in_dim3A = arith.constant 0.000000e+00 : f32
      %broadcast_in_dim3A_82 = vector.broadcast %broadcast_in_dim3A : f32 to vector<16xf32>
      %swap3A = arith.index_cast %scan3A_80 : i32 to index
      %swap3A_83 = arith.constant 0 : index
      %swap3A_84 = tpu.vector_load %arg8[%swap3A, %swap3A_83] {strides = array<i32>} : memref<1000x64xf32, #tpu.memory_space<vmem>>, vector<1x16xf32>,
      %swap3A_85 = vector.shape_cast %swap3A_84 : vector<1x16xf32> to vector<16xf32>
      %swap3A_86 = vector.shape_cast %broadcast_in_dim3A_82 : vector<16xf32> to vector<1x16xf32>
      tpu.vector_store %arg8[%swap3A, %swap3A_83], %swap3A_86 {strides = array<i32>} : memref<1000x64xf32, #tpu.memory_space<vmem>>, vector<1x16xf32>,
      %broadcast_in_dim3A_87 = arith.constant 0.000000e+00 : f32
      %broadcast_in_dim3A_88 = vector.broadcast %broadcast_in_dim3A_87 : f32 to vector<16xf32>
      %swap3A_89 = arith.index_cast %scan3A_80 : i32 to index
      %swap3A_90 = arith.constant 16 : index
      %swap3A_91 = tpu.vector_load %arg8[%swap3A_89, %swap3A_90] {strides = array<i32>} : memref<1000x64xf32, #tpu.memory_space<vmem>>, vector<1x16xf32>,
      %swap3A_92 = vector.shape_cast %swap3A_91 : vector<1x16xf32> to vector<16xf32>
      %swap3A_93 = vector.shape_cast %broadcast_in_dim3A_88 : vector<16xf32> to vector<1x16xf32>
      tpu.vector_store %arg8[%swap3A_89, %swap3A_90], %swap3A_93 {strides = array<i32>} : memref<1000x64xf32, #tpu.memory_space<vmem>>, vector<1x16xf32>,
      %broadcast_in_dim3A_94 = arith.constant 0.000000e+00 : f32
      %broadcast_in_dim3A_95 = vector.broadcast %broadcast_in_dim3A_94 : f32 to vector<16xf32>
      %swap3A_96 = arith.index_cast %scan3A_80 : i32 to index
      %swap3A_97 = arith.constant 32 : index
      %swap3A_98 = tpu.vector_load %arg8[%swap3A_96, %swap3A_97] {strides = array<i32>} : memref<1000x64xf32, #tpu.memory_space<vmem>>, vector<1x16xf32>,
      %swap3A_99 = vector.shape_cast %swap3A_98 : vector<1x16xf32> to vector<16xf32>
      %swap3A_100 = vector.shape_cast %broadcast_in_dim3A_95 : vector<16xf32> to vector<1x16xf32>
      tpu.vector_store %arg8[%swap3A_96, %swap3A_97], %swap3A_100 {strides = array<i32>} : memref<1000x64xf32, #tpu.memory_space<vmem>>, vector<1x16xf32>,
      %broadcast_in_dim3A_101 = arith.constant 0.000000e+00 : f32
      %broadcast_in_dim3A_102 = vector.broadcast %broadcast_in_dim3A_101 : f32 to vector<16xf32>
      %swap3A_103 = arith.index_cast %scan3A_80 : i32 to index
      %swap3A_104 = arith.constant 48 : index
      %swap3A_105 = tpu.vector_load %arg8[%swap3A_103, %swap3A_104] {strides = array<i32>} : memref<1000x64xf32, #tpu.memory_space<vmem>>, vector<1x16xf32>,
      %swap3A_106 = vector.shape_cast %swap3A_105 : vector<1x16xf32> to vector<16xf32>
      %swap3A_107 = vector.shape_cast %broadcast_in_dim3A_102 : vector<16xf32> to vector<1x16xf32>
      tpu.vector_store %arg8[%swap3A_103, %swap3A_104], %swap3A_107 {strides = array<i32>} : memref<1000x64xf32, #tpu.memory_space<vmem>>, vector<1x16xf32>,
      %broadcast_in_dim3A_108 = arith.constant 0.000000e+00 : f32
      %broadcast_in_dim3A_109 = vector.broadcast %broadcast_in_dim3A_108 : f32 to vector<16xf32>
      %swap3A_110 = arith.index_cast %scan3A_80 : i32 to index
      %swap3A_111 = arith.constant 0 : index
      %swap3A_112 = tpu.vector_load %arg9[%swap3A_110, %swap3A_111] {strides = array<i32>} : memref<1000x16xf32, #tpu.memory_space<vmem>>, vector<1x16xf32>,
      %swap3A_113 = vector.shape_cast %swap3A_112 : vector<1x16xf32> to vector<16xf32>
      %swap3A_114 = vector.shape_cast %broadcast_in_dim3A_109 : vector<16xf32> to vector<1x16xf32>
      tpu.vector_store %arg9[%swap3A_110, %swap3A_111], %swap3A_114 {strides = array<i32>} : memref<1000x16xf32, #tpu.memory_space<vmem>>, vector<1x16xf32>,
      %scan3A_115 = arith.constant 0 : i32
      scf.yield %scan3A_115 : i32
    }
    %scan3A_6 = arith.constant 625 : i32
    %mul3A_7 = arith.constant 625 : i32
    %mul3A_8 = arith.muli %arg1, %mul3A_7 : i32
    "tpu.region"() ({
      %run_scoped3A = tpu.sem_alloc : memref<!tpu.dma_semaphore, #tpu.memory_space<semaphore_mem>>
      %dma_start3A = arith.constant 0 : i32
      %dma_start3A_80 = arith.constant 0 : i32
      %dma_start3A_81 = tpu.memref_slice %arg8[%dma_start3A, %dma_start3A_80] : memref<1000x64xf32, #tpu.memory_space<vmem>> -> memref<625x64xf32, #tpu.memory_space<vmem>>
      %dma_start3A_82 = arith.constant 0 : i32
      %dma_start3A_83 = tpu.memref_slice %arg10[%mul3A_8, %dma_start3A_82] : memref<10000x64xf32, #tpu.memory_space<vmem_shared>> -> memref<625x64xf32, #tpu.memory_space<vmem_shared>>
      %dma_start3A_84 = arith.constant 0 : i32
      %dma_start3A_85 = tpu.memref_slice %arg10[%mul3A_8, %dma_start3A_84] : memref<10000x64xf32, #tpu.memory_space<vmem_shared>> -> memref<625x64xf32, #tpu.memory_space<vmem_shared>>
      %dma_start3A_86 = arith.constant 0 : i32
      %dma_start3A_87 = arith.constant 0 : i32
      %dma_start3A_88 = tpu.memref_slice %arg8[%dma_start3A_86, %dma_start3A_87] : memref<1000x64xf32, #tpu.memory_space<vmem>> -> memref<625x64xf32, #tpu.memory_space<vmem>>
      tpu.enqueue_dma source(%dma_start3A_88 : memref<625x64xf32, #tpu.memory_space<vmem>>) target(%dma_start3A_85 : memref<625x64xf32, #tpu.memory_space<vmem_shared>>) target_semaphore(%run_scoped3A : memref<!tpu.dma_semaphore, #tpu.memory_space<semaphore_mem>>)
      %dma_wait3A = arith.constant 0 : i32
      %dma_wait3A_89 = arith.constant 0 : i32
      %dma_wait3A_90 = tpu.memref_slice %arg8[%dma_wait3A, %dma_wait3A_89] : memref<1000x64xf32, #tpu.memory_space<vmem>> -> memref<625x64xf32, #tpu.memory_space<vmem>>
      %dma_wait3A_91 = arith.constant 0 : i32
      %dma_wait3A_92 = tpu.memref_slice %arg10[%mul3A_8, %dma_wait3A_91] : memref<10000x64xf32, #tpu.memory_space<vmem_shared>> -> memref<625x64xf32, #tpu.memory_space<vmem_shared>>
      %dma_wait3A_93 = arith.constant 0 : i32
      %dma_wait3A_94 = tpu.memref_slice %arg10[%mul3A_8, %dma_wait3A_93] : memref<10000x64xf32, #tpu.memory_space<vmem_shared>> -> memref<625x64xf32, #tpu.memory_space<vmem_shared>>
      %dma_wait3A_95 = arith.constant 0 : i32
      %dma_wait3A_96 = arith.constant 0 : i32
      %dma_wait3A_97 = tpu.memref_slice %arg8[%dma_wait3A_95, %dma_wait3A_96] : memref<1000x64xf32, #tpu.memory_space<vmem>> -> memref<625x64xf32, #tpu.memory_space<vmem>>
      tpu.wait_dma2 semaphore(%run_scoped3A : memref<!tpu.dma_semaphore, #tpu.memory_space<semaphore_mem>>) src(%dma_wait3A_97 : memref<625x64xf32, #tpu.memory_space<vmem>>) dst(%dma_wait3A_94 : memref<625x64xf32, #tpu.memory_space<vmem_shared>>)
      tpu.yield
    }) : () -> ()
    %mul3A_9 = arith.constant 625 : i32
    %mul3A_10 = arith.muli %arg1, %mul3A_9 : i32
    "tpu.region"() ({
      %run_scoped3A = tpu.sem_alloc : memref<!tpu.dma_semaphore, #tpu.memory_space<semaphore_mem>>
      %dma_start3A = arith.constant 0 : i32
      %dma_start3A_80 = arith.constant 0 : i32
      %dma_start3A_81 = tpu.memref_slice %arg9[%dma_start3A, %dma_start3A_80] : memref<1000x16xf32, #tpu.memory_space<vmem>> -> memref<625x16xf32, #tpu.memory_space<vmem>>
      %dma_start3A_82 = arith.constant 0 : i32
      %dma_start3A_83 = tpu.memref_slice %arg11[%mul3A_10, %dma_start3A_82] : memref<10000x16xf32, #tpu.memory_space<vmem_shared>> -> memref<625x16xf32, #tpu.memory_space<vmem_shared>>
      %dma_start3A_84 = arith.constant 0 : i32
      %dma_start3A_85 = tpu.memref_slice %arg11[%mul3A_10, %dma_start3A_84] : memref<10000x16xf32, #tpu.memory_space<vmem_shared>> -> memref<625x16xf32, #tpu.memory_space<vmem_shared>>
      %dma_start3A_86 = arith.constant 0 : i32
      %dma_start3A_87 = arith.constant 0 : i32
      %dma_start3A_88 = tpu.memref_slice %arg9[%dma_start3A_86, %dma_start3A_87] : memref<1000x16xf32, #tpu.memory_space<vmem>> -> memref<625x16xf32, #tpu.memory_space<vmem>>
      tpu.enqueue_dma source(%dma_start3A_88 : memref<625x16xf32, #tpu.memory_space<vmem>>) target(%dma_start3A_85 : memref<625x16xf32, #tpu.memory_space<vmem_shared>>) target_semaphore(%run_scoped3A : memref<!tpu.dma_semaphore, #tpu.memory_space<semaphore_mem>>)
      %dma_wait3A = arith.constant 0 : i32
      %dma_wait3A_89 = arith.constant 0 : i32
      %dma_wait3A_90 = tpu.memref_slice %arg9[%dma_wait3A, %dma_wait3A_89] : memref<1000x16xf32, #tpu.memory_space<vmem>> -> memref<625x16xf32, #tpu.memory_space<vmem>>
      %dma_wait3A_91 = arith.constant 0 : i32
      %dma_wait3A_92 = tpu.memref_slice %arg11[%mul3A_10, %dma_wait3A_91] : memref<10000x16xf32, #tpu.memory_space<vmem_shared>> -> memref<625x16xf32, #tpu.memory_space<vmem_shared>>
      %dma_wait3A_93 = arith.constant 0 : i32
      %dma_wait3A_94 = tpu.memref_slice %arg11[%mul3A_10, %dma_wait3A_93] : memref<10000x16xf32, #tpu.memory_space<vmem_shared>> -> memref<625x16xf32, #tpu.memory_space<vmem_shared>>
      %dma_wait3A_95 = arith.constant 0 : i32
      %dma_wait3A_96 = arith.constant 0 : i32
      %dma_wait3A_97 = tpu.memref_slice %arg9[%dma_wait3A_95, %dma_wait3A_96] : memref<1000x16xf32, #tpu.memory_space<vmem>> -> memref<625x16xf32, #tpu.memory_space<vmem>>
      tpu.wait_dma2 semaphore(%run_scoped3A : memref<!tpu.dma_semaphore, #tpu.memory_space<semaphore_mem>>) src(%dma_wait3A_97 : memref<625x16xf32, #tpu.memory_space<vmem>>) dst(%dma_wait3A_94 : memref<625x16xf32, #tpu.memory_space<vmem_shared>>)
      tpu.yield
    }) : () -> ()
    %barrier3A = arith.constant 0 : index
    tpu.barrier barrier_id(%barrier3A)
    %mul3A_11 = arith.constant 5000 : i32
    %mul3A_12 = arith.muli %add3A, %mul3A_11 : i32
    %add3A_13 = arith.constant 0 : i32
    %add3A_14 = arith.addi %mul3A_12, %add3A_13 : i32
    %add3A_15 = arith.constant 0 : i32
    %add3A_16 = arith.addi %add3A_15, %add3A_14 : i32
    "tpu.region"() ({
      %run_scoped3A = tpu.sem_alloc : memref<!tpu.dma_semaphore, #tpu.memory_space<semaphore_mem>>
      %dma_start3A = tpu.memref_slice %arg4[%add3A_16] : memref<320000xi32, #tpu.memory_space<hbm>> -> memref<1000xi32, #tpu.memory_space<hbm>>
      %dma_start3A_80 = tpu.memref_slice %arg4[%add3A_16] : memref<320000xi32, #tpu.memory_space<hbm>> -> memref<1000xi32, #tpu.memory_space<hbm>>
      tpu.enqueue_dma source(%dma_start3A_80 : memref<1000xi32, #tpu.memory_space<hbm>>) target(%arg7 : memref<1000xi32, #tpu.memory_space<vmem>>) target_semaphore(%run_scoped3A : memref<!tpu.dma_semaphore, #tpu.memory_space<semaphore_mem>>)
      %dma_wait3A = tpu.memref_slice %arg4[%add3A_16] : memref<320000xi32, #tpu.memory_space<hbm>> -> memref<1000xi32, #tpu.memory_space<hbm>>
      %dma_wait3A_81 = tpu.memref_slice %arg4[%add3A_16] : memref<320000xi32, #tpu.memory_space<hbm>> -> memref<1000xi32, #tpu.memory_space<hbm>>
      tpu.wait_dma2 semaphore(%run_scoped3A : memref<!tpu.dma_semaphore, #tpu.memory_space<semaphore_mem>>) src(%dma_wait3A_81 : memref<1000xi32, #tpu.memory_space<hbm>>) dst(%arg7 : memref<1000xi32, #tpu.memory_space<vmem>>)
      tpu.yield
    }) : () -> ()
    "tpu.region"() ({
      %run_scoped3A = tpu.sem_alloc : memref<!tpu.dma_semaphore, #tpu.memory_space<semaphore_mem>>
      %dma_start3A = arith.constant 0 : i32
      %dma_start3A_80 = tpu.memref_slice %arg2[%add3A_14, %dma_start3A] : memref<160000x128xf32, #tpu.memory_space<hbm>> -> memref<1000x64xf32, #tpu.memory_space<hbm>>
      %dma_start3A_81 = arith.constant 0 : i32
      %dma_start3A_82 = tpu.memref_slice %arg2[%add3A_14, %dma_start3A_81] : memref<160000x128xf32, #tpu.memory_space<hbm>> -> memref<1000x64xf32, #tpu.memory_space<hbm>>
      tpu.enqueue_dma source(%dma_start3A_82 : memref<1000x64xf32, #tpu.memory_space<hbm>>) target(%arg8 : memref<1000x64xf32, #tpu.memory_space<vmem>>) target_semaphore(%run_scoped3A : memref<!tpu.dma_semaphore, #tpu.memory_space<semaphore_mem>>)
      %dma_wait3A = arith.constant 0 : i32
      %dma_wait3A_83 = tpu.memref_slice %arg2[%add3A_14, %dma_wait3A] : memref<160000x128xf32, #tpu.memory_space<hbm>> -> memref<1000x64xf32, #tpu.memory_space<hbm>>
      %dma_wait3A_84 = arith.constant 0 : i32
      %dma_wait3A_85 = tpu.memref_slice %arg2[%add3A_14, %dma_wait3A_84] : memref<160000x128xf32, #tpu.memory_space<hbm>> -> memref<1000x64xf32, #tpu.memory_space<hbm>>
      tpu.wait_dma2 semaphore(%run_scoped3A : memref<!tpu.dma_semaphore, #tpu.memory_space<semaphore_mem>>) src(%dma_wait3A_85 : memref<1000x64xf32, #tpu.memory_space<hbm>>) dst(%arg8 : memref<1000x64xf32, #tpu.memory_space<vmem>>)
      tpu.yield
    }) : () -> ()
    "tpu.region"() ({
      %run_scoped3A = tpu.sem_alloc : memref<!tpu.dma_semaphore, #tpu.memory_space<semaphore_mem>>
      %dma_start3A = arith.constant 64 : i32
      %dma_start3A_80 = tpu.memref_slice %arg2[%add3A_14, %dma_start3A] : memref<160000x128xf32, #tpu.memory_space<hbm>> -> memref<1000x16xf32, #tpu.memory_space<hbm>>
      %dma_start3A_81 = arith.constant 64 : i32
      %dma_start3A_82 = tpu.memref_slice %arg2[%add3A_14, %dma_start3A_81] : memref<160000x128xf32, #tpu.memory_space<hbm>> -> memref<1000x16xf32, #tpu.memory_space<hbm>>
      tpu.enqueue_dma source(%dma_start3A_82 : memref<1000x16xf32, #tpu.memory_space<hbm>>) target(%arg9 : memref<1000x16xf32, #tpu.memory_space<vmem>>) target_semaphore(%run_scoped3A : memref<!tpu.dma_semaphore, #tpu.memory_space<semaphore_mem>>)
      %dma_wait3A = arith.constant 64 : i32
      %dma_wait3A_83 = tpu.memref_slice %arg2[%add3A_14, %dma_wait3A] : memref<160000x128xf32, #tpu.memory_space<hbm>> -> memref<1000x16xf32, #tpu.memory_space<hbm>>
      %dma_wait3A_84 = arith.constant 64 : i32
      %dma_wait3A_85 = tpu.memref_slice %arg2[%add3A_14, %dma_wait3A_84] : memref<160000x128xf32, #tpu.memory_space<hbm>> -> memref<1000x16xf32, #tpu.memory_space<hbm>>
      tpu.wait_dma2 semaphore(%run_scoped3A : memref<!tpu.dma_semaphore, #tpu.memory_space<semaphore_mem>>) src(%dma_wait3A_85 : memref<1000x16xf32, #tpu.memory_space<hbm>>) dst(%arg9 : memref<1000x16xf32, #tpu.memory_space<vmem>>)
      tpu.yield
    }) : () -> ()
    "tpu.region"() ({
      %run_scoped3A = tpu.sem_alloc : memref<!tpu.dma_semaphore, #tpu.memory_space<semaphore_mem>>
      %dma_start3A = arith.constant 0 : i32
      %dma_start3A_80 = arith.constant 0 : i32
      %dma_start3A_81 = tpu.memref_slice %arg10[%dma_start3A, %dma_start3A_80] : memref<10000x64xf32, #tpu.memory_space<vmem_shared>> -> memref<10000x64xf32, #tpu.memory_space<vmem_shared>>
      tpu.enqueue_indirect_dma source(%arg8 : memref<1000x64xf32, #tpu.memory_space<vmem>>) target(%dma_start3A_81 : memref<10000x64xf32, #tpu.memory_space<vmem_shared>>) offsets(%arg7 : memref<1000xi32, #tpu.memory_space<vmem>>) semaphore(%run_scoped3A : memref<!tpu.dma_semaphore, #tpu.memory_space<semaphore_mem>>) {add = true}
      %dma_wait3A = arith.constant 0 : i32
      %dma_wait3A_82 = arith.constant 0 : i32
      %dma_wait3A_83 = tpu.memref_slice %arg10[%dma_wait3A, %dma_wait3A_82] : memref<10000x64xf32, #tpu.memory_space<vmem_shared>> -> memref<10000x64xf32, #tpu.memory_space<vmem_shared>>
      tpu.wait_indirect_dma semaphore(%run_scoped3A : memref<!tpu.dma_semaphore, #tpu.memory_space<semaphore_mem>>) src(%arg8 : memref<1000x64xf32, #tpu.memory_space<vmem>>) dst(%dma_wait3A_83 : memref<10000x64xf32, #tpu.memory_space<vmem_shared>>)
      tpu.yield
    }) : () -> ()
    "tpu.region"() ({
      %run_scoped3A = tpu.sem_alloc : memref<!tpu.dma_semaphore, #tpu.memory_space<semaphore_mem>>
      %dma_start3A = arith.constant 0 : i32
      %dma_start3A_80 = arith.constant 0 : i32
      %dma_start3A_81 = tpu.memref_slice %arg11[%dma_start3A, %dma_start3A_80] : memref<10000x16xf32, #tpu.memory_space<vmem_shared>> -> memref<10000x16xf32, #tpu.memory_space<vmem_shared>>
      tpu.enqueue_indirect_dma source(%arg9 : memref<1000x16xf32, #tpu.memory_space<vmem>>) target(%dma_start3A_81 : memref<10000x16xf32, #tpu.memory_space<vmem_shared>>) offsets(%arg7 : memref<1000xi32, #tpu.memory_space<vmem>>) semaphore(%run_scoped3A : memref<!tpu.dma_semaphore, #tpu.memory_space<semaphore_mem>>) {add = true}
      %dma_wait3A = arith.constant 0 : i32
      %dma_wait3A_82 = arith.constant 0 : i32
      %dma_wait3A_83 = tpu.memref_slice %arg11[%dma_wait3A, %dma_wait3A_82] : memref<10000x16xf32, #tpu.memory_space<vmem_shared>> -> memref<10000x16xf32, #tpu.memory_space<vmem_shared>>
      tpu.wait_indirect_dma semaphore(%run_scoped3A : memref<!tpu.dma_semaphore, #tpu.memory_space<semaphore_mem>>) src(%arg9 : memref<1000x16xf32, #tpu.memory_space<vmem>>) dst(%dma_wait3A_83 : memref<10000x16xf32, #tpu.memory_space<vmem_shared>>)
      tpu.yield
    }) : () -> ()
    %mul3A_17 = arith.constant 5000 : i32
    %mul3A_18 = arith.muli %add3A, %mul3A_17 : i32
    %add3A_19 = arith.constant 1000 : i32
    %add3A_20 = arith.addi %mul3A_18, %add3A_19 : i32
    %add3A_21 = arith.constant 0 : i32
    %add3A_22 = arith.addi %add3A_21, %add3A_20 : i32
    "tpu.region"() ({
      %run_scoped3A = tpu.sem_alloc : memref<!tpu.dma_semaphore, #tpu.memory_space<semaphore_mem>>
      %dma_start3A = tpu.memref_slice %arg4[%add3A_22] : memref<320000xi32, #tpu.memory_space<hbm>> -> memref<1000xi32, #tpu.memory_space<hbm>>
      %dma_start3A_80 = tpu.memref_slice %arg4[%add3A_22] : memref<320000xi32, #tpu.memory_space<hbm>> -> memref<1000xi32, #tpu.memory_space<hbm>>
      tpu.enqueue_dma source(%dma_start3A_80 : memref<1000xi32, #tpu.memory_space<hbm>>) target(%arg7 : memref<1000xi32, #tpu.memory_space<vmem>>) target_semaphore(%run_scoped3A : memref<!tpu.dma_semaphore, #tpu.memory_space<semaphore_mem>>)
      %dma_wait3A = tpu.memref_slice %arg4[%add3A_22] : memref<320000xi32, #tpu.memory_space<hbm>> -> memref<1000xi32, #tpu.memory_space<hbm>>
      %dma_wait3A_81 = tpu.memref_slice %arg4[%add3A_22] : memref<320000xi32, #tpu.memory_space<hbm>> -> memref<1000xi32, #tpu.memory_space<hbm>>
      tpu.wait_dma2 semaphore(%run_scoped3A : memref<!tpu.dma_semaphore, #tpu.memory_space<semaphore_mem>>) src(%dma_wait3A_81 : memref<1000xi32, #tpu.memory_space<hbm>>) dst(%arg7 : memref<1000xi32, #tpu.memory_space<vmem>>)
      tpu.yield
    }) : () -> ()
    "tpu.region"() ({
      %run_scoped3A = tpu.sem_alloc : memref<!tpu.dma_semaphore, #tpu.memory_space<semaphore_mem>>
      %dma_start3A = arith.constant 0 : i32
      %dma_start3A_80 = tpu.memref_slice %arg2[%add3A_20, %dma_start3A] : memref<160000x128xf32, #tpu.memory_space<hbm>> -> memref<1000x64xf32, #tpu.memory_space<hbm>>
      %dma_start3A_81 = arith.constant 0 : i32
      %dma_start3A_82 = tpu.memref_slice %arg2[%add3A_20, %dma_start3A_81] : memref<160000x128xf32, #tpu.memory_space<hbm>> -> memref<1000x64xf32, #tpu.memory_space<hbm>>
      tpu.enqueue_dma source(%dma_start3A_82 : memref<1000x64xf32, #tpu.memory_space<hbm>>) target(%arg8 : memref<1000x64xf32, #tpu.memory_space<vmem>>) target_semaphore(%run_scoped3A : memref<!tpu.dma_semaphore, #tpu.memory_space<semaphore_mem>>)
      %dma_wait3A = arith.constant 0 : i32
      %dma_wait3A_83 = tpu.memref_slice %arg2[%add3A_20, %dma_wait3A] : memref<160000x128xf32, #tpu.memory_space<hbm>> -> memref<1000x64xf32, #tpu.memory_space<hbm>>
      %dma_wait3A_84 = arith.constant 0 : i32
      %dma_wait3A_85 = tpu.memref_slice %arg2[%add3A_20, %dma_wait3A_84] : memref<160000x128xf32, #tpu.memory_space<hbm>> -> memref<1000x64xf32, #tpu.memory_space<hbm>>
      tpu.wait_dma2 semaphore(%run_scoped3A : memref<!tpu.dma_semaphore, #tpu.memory_space<semaphore_mem>>) src(%dma_wait3A_85 : memref<1000x64xf32, #tpu.memory_space<hbm>>) dst(%arg8 : memref<1000x64xf32, #tpu.memory_space<vmem>>)
      tpu.yield
    }) : () -> ()
    "tpu.region"() ({
      %run_scoped3A = tpu.sem_alloc : memref<!tpu.dma_semaphore, #tpu.memory_space<semaphore_mem>>
      %dma_start3A = arith.constant 64 : i32
      %dma_start3A_80 = tpu.memref_slice %arg2[%add3A_20, %dma_start3A] : memref<160000x128xf32, #tpu.memory_space<hbm>> -> memref<1000x16xf32, #tpu.memory_space<hbm>>
      %dma_start3A_81 = arith.constant 64 : i32
      %dma_start3A_82 = tpu.memref_slice %arg2[%add3A_20, %dma_start3A_81] : memref<160000x128xf32, #tpu.memory_space<hbm>> -> memref<1000x16xf32, #tpu.memory_space<hbm>>
      tpu.enqueue_dma source(%dma_start3A_82 : memref<1000x16xf32, #tpu.memory_space<hbm>>) target(%arg9 : memref<1000x16xf32, #tpu.memory_space<vmem>>) target_semaphore(%run_scoped3A : memref<!tpu.dma_semaphore, #tpu.memory_space<semaphore_mem>>)
      %dma_wait3A = arith.constant 64 : i32
      %dma_wait3A_83 = tpu.memref_slice %arg2[%add3A_20, %dma_wait3A] : memref<160000x128xf32, #tpu.memory_space<hbm>> -> memref<1000x16xf32, #tpu.memory_space<hbm>>
      %dma_wait3A_84 = arith.constant 64 : i32
      %dma_wait3A_85 = tpu.memref_slice %arg2[%add3A_20, %dma_wait3A_84] : memref<160000x128xf32, #tpu.memory_space<hbm>> -> memref<1000x16xf32, #tpu.memory_space<hbm>>
      tpu.wait_dma2 semaphore(%run_scoped3A : memref<!tpu.dma_semaphore, #tpu.memory_space<semaphore_mem>>) src(%dma_wait3A_85 : memref<1000x16xf32, #tpu.memory_space<hbm>>) dst(%arg9 : memref<1000x16xf32, #tpu.memory_space<vmem>>)
      tpu.yield
    }) : () -> ()
    "tpu.region"() ({
      %run_scoped3A = tpu.sem_alloc : memref<!tpu.dma_semaphore, #tpu.memory_space<semaphore_mem>>
      %dma_start3A = arith.constant 0 : i32
      %dma_start3A_80 = arith.constant 0 : i32
      %dma_start3A_81 = tpu.memref_slice %arg10[%dma_start3A, %dma_start3A_80] : memref<10000x64xf32, #tpu.memory_space<vmem_shared>> -> memref<10000x64xf32, #tpu.memory_space<vmem_shared>>
      tpu.enqueue_indirect_dma source(%arg8 : memref<1000x64xf32, #tpu.memory_space<vmem>>) target(%dma_start3A_81 : memref<10000x64xf32, #tpu.memory_space<vmem_shared>>) offsets(%arg7 : memref<1000xi32, #tpu.memory_space<vmem>>) semaphore(%run_scoped3A : memref<!tpu.dma_semaphore, #tpu.memory_space<semaphore_mem>>) {add = true}
      %dma_wait3A = arith.constant 0 : i32
      %dma_wait3A_82 = arith.constant 0 : i32
      %dma_wait3A_83 = tpu.memref_slice %arg10[%dma_wait3A, %dma_wait3A_82] : memref<10000x64xf32, #tpu.memory_space<vmem_shared>> -> memref<10000x64xf32, #tpu.memory_space<vmem_shared>>
      tpu.wait_indirect_dma semaphore(%run_scoped3A : memref<!tpu.dma_semaphore, #tpu.memory_space<semaphore_mem>>) src(%arg8 : memref<1000x64xf32, #tpu.memory_space<vmem>>) dst(%dma_wait3A_83 : memref<10000x64xf32, #tpu.memory_space<vmem_shared>>)
      tpu.yield
    }) : () -> ()
    "tpu.region"() ({
      %run_scoped3A = tpu.sem_alloc : memref<!tpu.dma_semaphore, #tpu.memory_space<semaphore_mem>>
      %dma_start3A = arith.constant 0 : i32
      %dma_start3A_80 = arith.constant 0 : i32
      %dma_start3A_81 = tpu.memref_slice %arg11[%dma_start3A, %dma_start3A_80] : memref<10000x16xf32, #tpu.memory_space<vmem_shared>> -> memref<10000x16xf32, #tpu.memory_space<vmem_shared>>
      tpu.enqueue_indirect_dma source(%arg9 : memref<1000x16xf32, #tpu.memory_space<vmem>>) target(%dma_start3A_81 : memref<10000x16xf32, #tpu.memory_space<vmem_shared>>) offsets(%arg7 : memref<1000xi32, #tpu.memory_space<vmem>>) semaphore(%run_scoped3A : memref<!tpu.dma_semaphore, #tpu.memory_space<semaphore_mem>>) {add = true}
      %dma_wait3A = arith.constant 0 : i32
      %dma_wait3A_82 = arith.constant 0 : i32
      %dma_wait3A_83 = tpu.memref_slice %arg11[%dma_wait3A, %dma_wait3A_82] : memref<10000x16xf32, #tpu.memory_space<vmem_shared>> -> memref<10000x16xf32, #tpu.memory_space<vmem_shared>>
      tpu.wait_indirect_dma semaphore(%run_scoped3A : memref<!tpu.dma_semaphore, #tpu.memory_space<semaphore_mem>>) src(%arg9 : memref<1000x16xf32, #tpu.memory_space<vmem>>) dst(%dma_wait3A_83 : memref<10000x16xf32, #tpu.memory_space<vmem_shared>>)
      tpu.yield
    }) : () -> ()
    %mul3A_23 = arith.constant 5000 : i32
    %mul3A_24 = arith.muli %add3A, %mul3A_23 : i32
    %add3A_25 = arith.constant 2000 : i32
    %add3A_26 = arith.addi %mul3A_24, %add3A_25 : i32
    %add3A_27 = arith.constant 0 : i32
    %add3A_28 = arith.addi %add3A_27, %add3A_26 : i32
    "tpu.region"() ({
      %run_scoped3A = tpu.sem_alloc : memref<!tpu.dma_semaphore, #tpu.memory_space<semaphore_mem>>
      %dma_start3A = tpu.memref_slice %arg4[%add3A_28] : memref<320000xi32, #tpu.memory_space<hbm>> -> memref<1000xi32, #tpu.memory_space<hbm>>
      %dma_start3A_80 = tpu.memref_slice %arg4[%add3A_28] : memref<320000xi32, #tpu.memory_space<hbm>> -> memref<1000xi32, #tpu.memory_space<hbm>>
      tpu.enqueue_dma source(%dma_start3A_80 : memref<1000xi32, #tpu.memory_space<hbm>>) target(%arg7 : memref<1000xi32, #tpu.memory_space<vmem>>) target_semaphore(%run_scoped3A : memref<!tpu.dma_semaphore, #tpu.memory_space<semaphore_mem>>)
      %dma_wait3A = tpu.memref_slice %arg4[%add3A_28] : memref<320000xi32, #tpu.memory_space<hbm>> -> memref<1000xi32, #tpu.memory_space<hbm>>
      %dma_wait3A_81 = tpu.memref_slice %arg4[%add3A_28] : memref<320000xi32, #tpu.memory_space<hbm>> -> memref<1000xi32, #tpu.memory_space<hbm>>
      tpu.wait_dma2 semaphore(%run_scoped3A : memref<!tpu.dma_semaphore, #tpu.memory_space<semaphore_mem>>) src(%dma_wait3A_81 : memref<1000xi32, #tpu.memory_space<hbm>>) dst(%arg7 : memref<1000xi32, #tpu.memory_space<vmem>>)
      tpu.yield
    }) : () -> ()
    "tpu.region"() ({
      %run_scoped3A = tpu.sem_alloc : memref<!tpu.dma_semaphore, #tpu.memory_space<semaphore_mem>>
      %dma_start3A = arith.constant 0 : i32
      %dma_start3A_80 = tpu.memref_slice %arg2[%add3A_26, %dma_start3A] : memref<160000x128xf32, #tpu.memory_space<hbm>> -> memref<1000x64xf32, #tpu.memory_space<hbm>>
      %dma_start3A_81 = arith.constant 0 : i32
      %dma_start3A_82 = tpu.memref_slice %arg2[%add3A_26, %dma_start3A_81] : memref<160000x128xf32, #tpu.memory_space<hbm>> -> memref<1000x64xf32, #tpu.memory_space<hbm>>
      tpu.enqueue_dma source(%dma_start3A_82 : memref<1000x64xf32, #tpu.memory_space<hbm>>) target(%arg8 : memref<1000x64xf32, #tpu.memory_space<vmem>>) target_semaphore(%run_scoped3A : memref<!tpu.dma_semaphore, #tpu.memory_space<semaphore_mem>>)
      %dma_wait3A = arith.constant 0 : i32
      %dma_wait3A_83 = tpu.memref_slice %arg2[%add3A_26, %dma_wait3A] : memref<160000x128xf32, #tpu.memory_space<hbm>> -> memref<1000x64xf32, #tpu.memory_space<hbm>>
      %dma_wait3A_84 = arith.constant 0 : i32
      %dma_wait3A_85 = tpu.memref_slice %arg2[%add3A_26, %dma_wait3A_84] : memref<160000x128xf32, #tpu.memory_space<hbm>> -> memref<1000x64xf32, #tpu.memory_space<hbm>>
      tpu.wait_dma2 semaphore(%run_scoped3A : memref<!tpu.dma_semaphore, #tpu.memory_space<semaphore_mem>>) src(%dma_wait3A_85 : memref<1000x64xf32, #tpu.memory_space<hbm>>) dst(%arg8 : memref<1000x64xf32, #tpu.memory_space<vmem>>)
      tpu.yield
    }) : () -> ()
    "tpu.region"() ({
      %run_scoped3A = tpu.sem_alloc : memref<!tpu.dma_semaphore, #tpu.memory_space<semaphore_mem>>
      %dma_start3A = arith.constant 64 : i32
      %dma_start3A_80 = tpu.memref_slice %arg2[%add3A_26, %dma_start3A] : memref<160000x128xf32, #tpu.memory_space<hbm>> -> memref<1000x16xf32, #tpu.memory_space<hbm>>
      %dma_start3A_81 = arith.constant 64 : i32
      %dma_start3A_82 = tpu.memref_slice %arg2[%add3A_26, %dma_start3A_81] : memref<160000x128xf32, #tpu.memory_space<hbm>> -> memref<1000x16xf32, #tpu.memory_space<hbm>>
      tpu.enqueue_dma source(%dma_start3A_82 : memref<1000x16xf32, #tpu.memory_space<hbm>>) target(%arg9 : memref<1000x16xf32, #tpu.memory_space<vmem>>) target_semaphore(%run_scoped3A : memref<!tpu.dma_semaphore, #tpu.memory_space<semaphore_mem>>)
      %dma_wait3A = arith.constant 64 : i32
      %dma_wait3A_83 = tpu.memref_slice %arg2[%add3A_26, %dma_wait3A] : memref<160000x128xf32, #tpu.memory_space<hbm>> -> memref<1000x16xf32, #tpu.memory_space<hbm>>
      %dma_wait3A_84 = arith.constant 64 : i32
      %dma_wait3A_85 = tpu.memref_slice %arg2[%add3A_26, %dma_wait3A_84] : memref<160000x128xf32, #tpu.memory_space<hbm>> -> memref<1000x16xf32, #tpu.memory_space<hbm>>
      tpu.wait_dma2 semaphore(%run_scoped3A : memref<!tpu.dma_semaphore, #tpu.memory_space<semaphore_mem>>) src(%dma_wait3A_85 : memref<1000x16xf32, #tpu.memory_space<hbm>>) dst(%arg9 : memref<1000x16xf32, #tpu.memory_space<vmem>>)
      tpu.yield
    }) : () -> ()
    "tpu.region"() ({
      %run_scoped3A = tpu.sem_alloc : memref<!tpu.dma_semaphore, #tpu.memory_space<semaphore_mem>>
      %dma_start3A = arith.constant 0 : i32
      %dma_start3A_80 = arith.constant 0 : i32
      %dma_start3A_81 = tpu.memref_slice %arg10[%dma_start3A, %dma_start3A_80] : memref<10000x64xf32, #tpu.memory_space<vmem_shared>> -> memref<10000x64xf32, #tpu.memory_space<vmem_shared>>
      tpu.enqueue_indirect_dma source(%arg8 : memref<1000x64xf32, #tpu.memory_space<vmem>>) target(%dma_start3A_81 : memref<10000x64xf32, #tpu.memory_space<vmem_shared>>) offsets(%arg7 : memref<1000xi32, #tpu.memory_space<vmem>>) semaphore(%run_scoped3A : memref<!tpu.dma_semaphore, #tpu.memory_space<semaphore_mem>>) {add = true}
      %dma_wait3A = arith.constant 0 : i32
      %dma_wait3A_82 = arith.constant 0 : i32
      %dma_wait3A_83 = tpu.memref_slice %arg10[%dma_wait3A, %dma_wait3A_82] : memref<10000x64xf32, #tpu.memory_space<vmem_shared>> -> memref<10000x64xf32, #tpu.memory_space<vmem_shared>>
      tpu.wait_indirect_dma semaphore(%run_scoped3A : memref<!tpu.dma_semaphore, #tpu.memory_space<semaphore_mem>>) src(%arg8 : memref<1000x64xf32, #tpu.memory_space<vmem>>) dst(%dma_wait3A_83 : memref<10000x64xf32, #tpu.memory_space<vmem_shared>>)
      tpu.yield
    }) : () -> ()
    "tpu.region"() ({
      %run_scoped3A = tpu.sem_alloc : memref<!tpu.dma_semaphore, #tpu.memory_space<semaphore_mem>>
      %dma_start3A = arith.constant 0 : i32
      %dma_start3A_80 = arith.constant 0 : i32
      %dma_start3A_81 = tpu.memref_slice %arg11[%dma_start3A, %dma_start3A_80] : memref<10000x16xf32, #tpu.memory_space<vmem_shared>> -> memref<10000x16xf32, #tpu.memory_space<vmem_shared>>
      tpu.enqueue_indirect_dma source(%arg9 : memref<1000x16xf32, #tpu.memory_space<vmem>>) target(%dma_start3A_81 : memref<10000x16xf32, #tpu.memory_space<vmem_shared>>) offsets(%arg7 : memref<1000xi32, #tpu.memory_space<vmem>>) semaphore(%run_scoped3A : memref<!tpu.dma_semaphore, #tpu.memory_space<semaphore_mem>>) {add = true}
      %dma_wait3A = arith.constant 0 : i32
      %dma_wait3A_82 = arith.constant 0 : i32
      %dma_wait3A_83 = tpu.memref_slice %arg11[%dma_wait3A, %dma_wait3A_82] : memref<10000x16xf32, #tpu.memory_space<vmem_shared>> -> memref<10000x16xf32, #tpu.memory_space<vmem_shared>>
      tpu.wait_indirect_dma semaphore(%run_scoped3A : memref<!tpu.dma_semaphore, #tpu.memory_space<semaphore_mem>>) src(%arg9 : memref<1000x16xf32, #tpu.memory_space<vmem>>) dst(%dma_wait3A_83 : memref<10000x16xf32, #tpu.memory_space<vmem_shared>>)
      tpu.yield
    }) : () -> ()
    %mul3A_29 = arith.constant 5000 : i32
    %mul3A_30 = arith.muli %add3A, %mul3A_29 : i32
    %add3A_31 = arith.constant 3000 : i32
    %add3A_32 = arith.addi %mul3A_30, %add3A_31 : i32
    %add3A_33 = arith.constant 0 : i32
    %add3A_34 = arith.addi %add3A_33, %add3A_32 : i32
    "tpu.region"() ({
      %run_scoped3A = tpu.sem_alloc : memref<!tpu.dma_semaphore, #tpu.memory_space<semaphore_mem>>
      %dma_start3A = tpu.memref_slice %arg4[%add3A_34] : memref<320000xi32, #tpu.memory_space<hbm>> -> memref<1000xi32, #tpu.memory_space<hbm>>
      %dma_start3A_80 = tpu.memref_slice %arg4[%add3A_34] : memref<320000xi32, #tpu.memory_space<hbm>> -> memref<1000xi32, #tpu.memory_space<hbm>>
      tpu.enqueue_dma source(%dma_start3A_80 : memref<1000xi32, #tpu.memory_space<hbm>>) target(%arg7 : memref<1000xi32, #tpu.memory_space<vmem>>) target_semaphore(%run_scoped3A : memref<!tpu.dma_semaphore, #tpu.memory_space<semaphore_mem>>)
      %dma_wait3A = tpu.memref_slice %arg4[%add3A_34] : memref<320000xi32, #tpu.memory_space<hbm>> -> memref<1000xi32, #tpu.memory_space<hbm>>
      %dma_wait3A_81 = tpu.memref_slice %arg4[%add3A_34] : memref<320000xi32, #tpu.memory_space<hbm>> -> memref<1000xi32, #tpu.memory_space<hbm>>
      tpu.wait_dma2 semaphore(%run_scoped3A : memref<!tpu.dma_semaphore, #tpu.memory_space<semaphore_mem>>) src(%dma_wait3A_81 : memref<1000xi32, #tpu.memory_space<hbm>>) dst(%arg7 : memref<1000xi32, #tpu.memory_space<vmem>>)
      tpu.yield
    }) : () -> ()
    "tpu.region"() ({
      %run_scoped3A = tpu.sem_alloc : memref<!tpu.dma_semaphore, #tpu.memory_space<semaphore_mem>>
      %dma_start3A = arith.constant 0 : i32
      %dma_start3A_80 = tpu.memref_slice %arg2[%add3A_32, %dma_start3A] : memref<160000x128xf32, #tpu.memory_space<hbm>> -> memref<1000x64xf32, #tpu.memory_space<hbm>>
      %dma_start3A_81 = arith.constant 0 : i32
      %dma_start3A_82 = tpu.memref_slice %arg2[%add3A_32, %dma_start3A_81] : memref<160000x128xf32, #tpu.memory_space<hbm>> -> memref<1000x64xf32, #tpu.memory_space<hbm>>
      tpu.enqueue_dma source(%dma_start3A_82 : memref<1000x64xf32, #tpu.memory_space<hbm>>) target(%arg8 : memref<1000x64xf32, #tpu.memory_space<vmem>>) target_semaphore(%run_scoped3A : memref<!tpu.dma_semaphore, #tpu.memory_space<semaphore_mem>>)
      %dma_wait3A = arith.constant 0 : i32
      %dma_wait3A_83 = tpu.memref_slice %arg2[%add3A_32, %dma_wait3A] : memref<160000x128xf32, #tpu.memory_space<hbm>> -> memref<1000x64xf32, #tpu.memory_space<hbm>>
      %dma_wait3A_84 = arith.constant 0 : i32
      %dma_wait3A_85 = tpu.memref_slice %arg2[%add3A_32, %dma_wait3A_84] : memref<160000x128xf32, #tpu.memory_space<hbm>> -> memref<1000x64xf32, #tpu.memory_space<hbm>>
      tpu.wait_dma2 semaphore(%run_scoped3A : memref<!tpu.dma_semaphore, #tpu.memory_space<semaphore_mem>>) src(%dma_wait3A_85 : memref<1000x64xf32, #tpu.memory_space<hbm>>) dst(%arg8 : memref<1000x64xf32, #tpu.memory_space<vmem>>)
      tpu.yield
    }) : () -> ()
    "tpu.region"() ({
      %run_scoped3A = tpu.sem_alloc : memref<!tpu.dma_semaphore, #tpu.memory_space<semaphore_mem>>
      %dma_start3A = arith.constant 64 : i32
      %dma_start3A_80 = tpu.memref_slice %arg2[%add3A_32, %dma_start3A] : memref<160000x128xf32, #tpu.memory_space<hbm>> -> memref<1000x16xf32, #tpu.memory_space<hbm>>
      %dma_start3A_81 = arith.constant 64 : i32
      %dma_start3A_82 = tpu.memref_slice %arg2[%add3A_32, %dma_start3A_81] : memref<160000x128xf32, #tpu.memory_space<hbm>> -> memref<1000x16xf32, #tpu.memory_space<hbm>>
      tpu.enqueue_dma source(%dma_start3A_82 : memref<1000x16xf32, #tpu.memory_space<hbm>>) target(%arg9 : memref<1000x16xf32, #tpu.memory_space<vmem>>) target_semaphore(%run_scoped3A : memref<!tpu.dma_semaphore, #tpu.memory_space<semaphore_mem>>)
      %dma_wait3A = arith.constant 64 : i32
      %dma_wait3A_83 = tpu.memref_slice %arg2[%add3A_32, %dma_wait3A] : memref<160000x128xf32, #tpu.memory_space<hbm>> -> memref<1000x16xf32, #tpu.memory_space<hbm>>
      %dma_wait3A_84 = arith.constant 64 : i32
      %dma_wait3A_85 = tpu.memref_slice %arg2[%add3A_32, %dma_wait3A_84] : memref<160000x128xf32, #tpu.memory_space<hbm>> -> memref<1000x16xf32, #tpu.memory_space<hbm>>
      tpu.wait_dma2 semaphore(%run_scoped3A : memref<!tpu.dma_semaphore, #tpu.memory_space<semaphore_mem>>) src(%dma_wait3A_85 : memref<1000x16xf32, #tpu.memory_space<hbm>>) dst(%arg9 : memref<1000x16xf32, #tpu.memory_space<vmem>>)
      tpu.yield
    }) : () -> ()
    "tpu.region"() ({
      %run_scoped3A = tpu.sem_alloc : memref<!tpu.dma_semaphore, #tpu.memory_space<semaphore_mem>>
      %dma_start3A = arith.constant 0 : i32
      %dma_start3A_80 = arith.constant 0 : i32
      %dma_start3A_81 = tpu.memref_slice %arg10[%dma_start3A, %dma_start3A_80] : memref<10000x64xf32, #tpu.memory_space<vmem_shared>> -> memref<10000x64xf32, #tpu.memory_space<vmem_shared>>
      tpu.enqueue_indirect_dma source(%arg8 : memref<1000x64xf32, #tpu.memory_space<vmem>>) target(%dma_start3A_81 : memref<10000x64xf32, #tpu.memory_space<vmem_shared>>) offsets(%arg7 : memref<1000xi32, #tpu.memory_space<vmem>>) semaphore(%run_scoped3A : memref<!tpu.dma_semaphore, #tpu.memory_space<semaphore_mem>>) {add = true}
      %dma_wait3A = arith.constant 0 : i32
      %dma_wait3A_82 = arith.constant 0 : i32
      %dma_wait3A_83 = tpu.memref_slice %arg10[%dma_wait3A, %dma_wait3A_82] : memref<10000x64xf32, #tpu.memory_space<vmem_shared>> -> memref<10000x64xf32, #tpu.memory_space<vmem_shared>>
      tpu.wait_indirect_dma semaphore(%run_scoped3A : memref<!tpu.dma_semaphore, #tpu.memory_space<semaphore_mem>>) src(%arg8 : memref<1000x64xf32, #tpu.memory_space<vmem>>) dst(%dma_wait3A_83 : memref<10000x64xf32, #tpu.memory_space<vmem_shared>>)
      tpu.yield
    }) : () -> ()
    "tpu.region"() ({
      %run_scoped3A = tpu.sem_alloc : memref<!tpu.dma_semaphore, #tpu.memory_space<semaphore_mem>>
      %dma_start3A = arith.constant 0 : i32
      %dma_start3A_80 = arith.constant 0 : i32
      %dma_start3A_81 = tpu.memref_slice %arg11[%dma_start3A, %dma_start3A_80] : memref<10000x16xf32, #tpu.memory_space<vmem_shared>> -> memref<10000x16xf32, #tpu.memory_space<vmem_shared>>
      tpu.enqueue_indirect_dma source(%arg9 : memref<1000x16xf32, #tpu.memory_space<vmem>>) target(%dma_start3A_81 : memref<10000x16xf32, #tpu.memory_space<vmem_shared>>) offsets(%arg7 : memref<1000xi32, #tpu.memory_space<vmem>>) semaphore(%run_scoped3A : memref<!tpu.dma_semaphore, #tpu.memory_space<semaphore_mem>>) {add = true}
      %dma_wait3A = arith.constant 0 : i32
      %dma_wait3A_82 = arith.constant 0 : i32
      %dma_wait3A_83 = tpu.memref_slice %arg11[%dma_wait3A, %dma_wait3A_82] : memref<10000x16xf32, #tpu.memory_space<vmem_shared>> -> memref<10000x16xf32, #tpu.memory_space<vmem_shared>>
      tpu.wait_indirect_dma semaphore(%run_scoped3A : memref<!tpu.dma_semaphore, #tpu.memory_space<semaphore_mem>>) src(%arg9 : memref<1000x16xf32, #tpu.memory_space<vmem>>) dst(%dma_wait3A_83 : memref<10000x16xf32, #tpu.memory_space<vmem_shared>>)
      tpu.yield
    }) : () -> ()
    %mul3A_35 = arith.constant 5000 : i32
    %mul3A_36 = arith.muli %add3A, %mul3A_35 : i32
    %add3A_37 = arith.constant 4000 : i32
    %add3A_38 = arith.addi %mul3A_36, %add3A_37 : i32
    %add3A_39 = arith.constant 0 : i32
    %add3A_40 = arith.addi %add3A_39, %add3A_38 : i32
    "tpu.region"() ({
      %run_scoped3A = tpu.sem_alloc : memref<!tpu.dma_semaphore, #tpu.memory_space<semaphore_mem>>
      %dma_start3A = tpu.memref_slice %arg4[%add3A_40] : memref<320000xi32, #tpu.memory_space<hbm>> -> memref<1000xi32, #tpu.memory_space<hbm>>
      %dma_start3A_80 = tpu.memref_slice %arg4[%add3A_40] : memref<320000xi32, #tpu.memory_space<hbm>> -> memref<1000xi32, #tpu.memory_space<hbm>>
      tpu.enqueue_dma source(%dma_start3A_80 : memref<1000xi32, #tpu.memory_space<hbm>>) target(%arg7 : memref<1000xi32, #tpu.memory_space<vmem>>) target_semaphore(%run_scoped3A : memref<!tpu.dma_semaphore, #tpu.memory_space<semaphore_mem>>)
      %dma_wait3A = tpu.memref_slice %arg4[%add3A_40] : memref<320000xi32, #tpu.memory_space<hbm>> -> memref<1000xi32, #tpu.memory_space<hbm>>
      %dma_wait3A_81 = tpu.memref_slice %arg4[%add3A_40] : memref<320000xi32, #tpu.memory_space<hbm>> -> memref<1000xi32, #tpu.memory_space<hbm>>
      tpu.wait_dma2 semaphore(%run_scoped3A : memref<!tpu.dma_semaphore, #tpu.memory_space<semaphore_mem>>) src(%dma_wait3A_81 : memref<1000xi32, #tpu.memory_space<hbm>>) dst(%arg7 : memref<1000xi32, #tpu.memory_space<vmem>>)
      tpu.yield
    }) : () -> ()
    "tpu.region"() ({
      %run_scoped3A = tpu.sem_alloc : memref<!tpu.dma_semaphore, #tpu.memory_space<semaphore_mem>>
      %dma_start3A = arith.constant 0 : i32
      %dma_start3A_80 = tpu.memref_slice %arg2[%add3A_38, %dma_start3A] : memref<160000x128xf32, #tpu.memory_space<hbm>> -> memref<1000x64xf32, #tpu.memory_space<hbm>>
      %dma_start3A_81 = arith.constant 0 : i32
      %dma_start3A_82 = tpu.memref_slice %arg2[%add3A_38, %dma_start3A_81] : memref<160000x128xf32, #tpu.memory_space<hbm>> -> memref<1000x64xf32, #tpu.memory_space<hbm>>
      tpu.enqueue_dma source(%dma_start3A_82 : memref<1000x64xf32, #tpu.memory_space<hbm>>) target(%arg8 : memref<1000x64xf32, #tpu.memory_space<vmem>>) target_semaphore(%run_scoped3A : memref<!tpu.dma_semaphore, #tpu.memory_space<semaphore_mem>>)
      %dma_wait3A = arith.constant 0 : i32
      %dma_wait3A_83 = tpu.memref_slice %arg2[%add3A_38, %dma_wait3A] : memref<160000x128xf32, #tpu.memory_space<hbm>> -> memref<1000x64xf32, #tpu.memory_space<hbm>>
      %dma_wait3A_84 = arith.constant 0 : i32
      %dma_wait3A_85 = tpu.memref_slice %arg2[%add3A_38, %dma_wait3A_84] : memref<160000x128xf32, #tpu.memory_space<hbm>> -> memref<1000x64xf32, #tpu.memory_space<hbm>>
      tpu.wait_dma2 semaphore(%run_scoped3A : memref<!tpu.dma_semaphore, #tpu.memory_space<semaphore_mem>>) src(%dma_wait3A_85 : memref<1000x64xf32, #tpu.memory_space<hbm>>) dst(%arg8 : memref<1000x64xf32, #tpu.memory_space<vmem>>)
      tpu.yield
    }) : () -> ()
    "tpu.region"() ({
      %run_scoped3A = tpu.sem_alloc : memref<!tpu.dma_semaphore, #tpu.memory_space<semaphore_mem>>
      %dma_start3A = arith.constant 64 : i32
      %dma_start3A_80 = tpu.memref_slice %arg2[%add3A_38, %dma_start3A] : memref<160000x128xf32, #tpu.memory_space<hbm>> -> memref<1000x16xf32, #tpu.memory_space<hbm>>
      %dma_start3A_81 = arith.constant 64 : i32
      %dma_start3A_82 = tpu.memref_slice %arg2[%add3A_38, %dma_start3A_81] : memref<160000x128xf32, #tpu.memory_space<hbm>> -> memref<1000x16xf32, #tpu.memory_space<hbm>>
      tpu.enqueue_dma source(%dma_start3A_82 : memref<1000x16xf32, #tpu.memory_space<hbm>>) target(%arg9 : memref<1000x16xf32, #tpu.memory_space<vmem>>) target_semaphore(%run_scoped3A : memref<!tpu.dma_semaphore, #tpu.memory_space<semaphore_mem>>)
      %dma_wait3A = arith.constant 64 : i32
      %dma_wait3A_83 = tpu.memref_slice %arg2[%add3A_38, %dma_wait3A] : memref<160000x128xf32, #tpu.memory_space<hbm>> -> memref<1000x16xf32, #tpu.memory_space<hbm>>
      %dma_wait3A_84 = arith.constant 64 : i32
      %dma_wait3A_85 = tpu.memref_slice %arg2[%add3A_38, %dma_wait3A_84] : memref<160000x128xf32, #tpu.memory_space<hbm>> -> memref<1000x16xf32, #tpu.memory_space<hbm>>
      tpu.wait_dma2 semaphore(%run_scoped3A : memref<!tpu.dma_semaphore, #tpu.memory_space<semaphore_mem>>) src(%dma_wait3A_85 : memref<1000x16xf32, #tpu.memory_space<hbm>>) dst(%arg9 : memref<1000x16xf32, #tpu.memory_space<vmem>>)
      tpu.yield
    }) : () -> ()
    "tpu.region"() ({
      %run_scoped3A = tpu.sem_alloc : memref<!tpu.dma_semaphore, #tpu.memory_space<semaphore_mem>>
      %dma_start3A = arith.constant 0 : i32
      %dma_start3A_80 = arith.constant 0 : i32
      %dma_start3A_81 = tpu.memref_slice %arg10[%dma_start3A, %dma_start3A_80] : memref<10000x64xf32, #tpu.memory_space<vmem_shared>> -> memref<10000x64xf32, #tpu.memory_space<vmem_shared>>
      tpu.enqueue_indirect_dma source(%arg8 : memref<1000x64xf32, #tpu.memory_space<vmem>>) target(%dma_start3A_81 : memref<10000x64xf32, #tpu.memory_space<vmem_shared>>) offsets(%arg7 : memref<1000xi32, #tpu.memory_space<vmem>>) semaphore(%run_scoped3A : memref<!tpu.dma_semaphore, #tpu.memory_space<semaphore_mem>>) {add = true}
      %dma_wait3A = arith.constant 0 : i32
      %dma_wait3A_82 = arith.constant 0 : i32
      %dma_wait3A_83 = tpu.memref_slice %arg10[%dma_wait3A, %dma_wait3A_82] : memref<10000x64xf32, #tpu.memory_space<vmem_shared>> -> memref<10000x64xf32, #tpu.memory_space<vmem_shared>>
      tpu.wait_indirect_dma semaphore(%run_scoped3A : memref<!tpu.dma_semaphore, #tpu.memory_space<semaphore_mem>>) src(%arg8 : memref<1000x64xf32, #tpu.memory_space<vmem>>) dst(%dma_wait3A_83 : memref<10000x64xf32, #tpu.memory_space<vmem_shared>>)
      tpu.yield
    }) : () -> ()
    "tpu.region"() ({
      %run_scoped3A = tpu.sem_alloc : memref<!tpu.dma_semaphore, #tpu.memory_space<semaphore_mem>>
      %dma_start3A = arith.constant 0 : i32
      %dma_start3A_80 = arith.constant 0 : i32
      %dma_start3A_81 = tpu.memref_slice %arg11[%dma_start3A, %dma_start3A_80] : memref<10000x16xf32, #tpu.memory_space<vmem_shared>> -> memref<10000x16xf32, #tpu.memory_space<vmem_shared>>
      tpu.enqueue_indirect_dma source(%arg9 : memref<1000x16xf32, #tpu.memory_space<vmem>>) target(%dma_start3A_81 : memref<10000x16xf32, #tpu.memory_space<vmem_shared>>) offsets(%arg7 : memref<1000xi32, #tpu.memory_space<vmem>>) semaphore(%run_scoped3A : memref<!tpu.dma_semaphore, #tpu.memory_space<semaphore_mem>>) {add = true}
      %dma_wait3A = arith.constant 0 : i32
      %dma_wait3A_82 = arith.constant 0 : i32
      %dma_wait3A_83 = tpu.memref_slice %arg11[%dma_wait3A, %dma_wait3A_82] : memref<10000x16xf32, #tpu.memory_space<vmem_shared>> -> memref<10000x16xf32, #tpu.memory_space<vmem_shared>>
      tpu.wait_indirect_dma semaphore(%run_scoped3A : memref<!tpu.dma_semaphore, #tpu.memory_space<semaphore_mem>>) src(%arg9 : memref<1000x16xf32, #tpu.memory_space<vmem>>) dst(%dma_wait3A_83 : memref<10000x16xf32, #tpu.memory_space<vmem_shared>>)
      tpu.yield
    }) : () -> ()
    %mul3A_41 = arith.constant 5000 : i32
    %mul3A_42 = arith.muli %add3A, %mul3A_41 : i32
    %add3A_43 = arith.constant 0 : i32
    %add3A_44 = arith.addi %mul3A_42, %add3A_43 : i32
    %add3A_45 = arith.constant 160000 : i32
    %add3A_46 = arith.addi %add3A_45, %add3A_44 : i32
    "tpu.region"() ({
      %run_scoped3A = tpu.sem_alloc : memref<!tpu.dma_semaphore, #tpu.memory_space<semaphore_mem>>
      %dma_start3A = tpu.memref_slice %arg4[%add3A_46] : memref<320000xi32, #tpu.memory_space<hbm>> -> memref<1000xi32, #tpu.memory_space<hbm>>
      %dma_start3A_80 = tpu.memref_slice %arg4[%add3A_46] : memref<320000xi32, #tpu.memory_space<hbm>> -> memref<1000xi32, #tpu.memory_space<hbm>>
      tpu.enqueue_dma source(%dma_start3A_80 : memref<1000xi32, #tpu.memory_space<hbm>>) target(%arg7 : memref<1000xi32, #tpu.memory_space<vmem>>) target_semaphore(%run_scoped3A : memref<!tpu.dma_semaphore, #tpu.memory_space<semaphore_mem>>)
      %dma_wait3A = tpu.memref_slice %arg4[%add3A_46] : memref<320000xi32, #tpu.memory_space<hbm>> -> memref<1000xi32, #tpu.memory_space<hbm>>
      %dma_wait3A_81 = tpu.memref_slice %arg4[%add3A_46] : memref<320000xi32, #tpu.memory_space<hbm>> -> memref<1000xi32, #tpu.memory_space<hbm>>
      tpu.wait_dma2 semaphore(%run_scoped3A : memref<!tpu.dma_semaphore, #tpu.memory_space<semaphore_mem>>) src(%dma_wait3A_81 : memref<1000xi32, #tpu.memory_space<hbm>>) dst(%arg7 : memref<1000xi32, #tpu.memory_space<vmem>>)
      tpu.yield
    }) : () -> ()
    "tpu.region"() ({
      %run_scoped3A = tpu.sem_alloc : memref<!tpu.dma_semaphore, #tpu.memory_space<semaphore_mem>>
      %dma_start3A = arith.constant 0 : i32
      %dma_start3A_80 = tpu.memref_slice %arg3[%add3A_44, %dma_start3A] : memref<160000x128xf32, #tpu.memory_space<hbm>> -> memref<1000x64xf32, #tpu.memory_space<hbm>>
      %dma_start3A_81 = arith.constant 0 : i32
      %dma_start3A_82 = tpu.memref_slice %arg3[%add3A_44, %dma_start3A_81] : memref<160000x128xf32, #tpu.memory_space<hbm>> -> memref<1000x64xf32, #tpu.memory_space<hbm>>
      tpu.enqueue_dma source(%dma_start3A_82 : memref<1000x64xf32, #tpu.memory_space<hbm>>) target(%arg8 : memref<1000x64xf32, #tpu.memory_space<vmem>>) target_semaphore(%run_scoped3A : memref<!tpu.dma_semaphore, #tpu.memory_space<semaphore_mem>>)
      %dma_wait3A = arith.constant 0 : i32
      %dma_wait3A_83 = tpu.memref_slice %arg3[%add3A_44, %dma_wait3A] : memref<160000x128xf32, #tpu.memory_space<hbm>> -> memref<1000x64xf32, #tpu.memory_space<hbm>>
      %dma_wait3A_84 = arith.constant 0 : i32
      %dma_wait3A_85 = tpu.memref_slice %arg3[%add3A_44, %dma_wait3A_84] : memref<160000x128xf32, #tpu.memory_space<hbm>> -> memref<1000x64xf32, #tpu.memory_space<hbm>>
      tpu.wait_dma2 semaphore(%run_scoped3A : memref<!tpu.dma_semaphore, #tpu.memory_space<semaphore_mem>>) src(%dma_wait3A_85 : memref<1000x64xf32, #tpu.memory_space<hbm>>) dst(%arg8 : memref<1000x64xf32, #tpu.memory_space<vmem>>)
      tpu.yield
    }) : () -> ()
    "tpu.region"() ({
      %run_scoped3A = tpu.sem_alloc : memref<!tpu.dma_semaphore, #tpu.memory_space<semaphore_mem>>
      %dma_start3A = arith.constant 64 : i32
      %dma_start3A_80 = tpu.memref_slice %arg3[%add3A_44, %dma_start3A] : memref<160000x128xf32, #tpu.memory_space<hbm>> -> memref<1000x16xf32, #tpu.memory_space<hbm>>
      %dma_start3A_81 = arith.constant 64 : i32
      %dma_start3A_82 = tpu.memref_slice %arg3[%add3A_44, %dma_start3A_81] : memref<160000x128xf32, #tpu.memory_space<hbm>> -> memref<1000x16xf32, #tpu.memory_space<hbm>>
      tpu.enqueue_dma source(%dma_start3A_82 : memref<1000x16xf32, #tpu.memory_space<hbm>>) target(%arg9 : memref<1000x16xf32, #tpu.memory_space<vmem>>) target_semaphore(%run_scoped3A : memref<!tpu.dma_semaphore, #tpu.memory_space<semaphore_mem>>)
      %dma_wait3A = arith.constant 64 : i32
      %dma_wait3A_83 = tpu.memref_slice %arg3[%add3A_44, %dma_wait3A] : memref<160000x128xf32, #tpu.memory_space<hbm>> -> memref<1000x16xf32, #tpu.memory_space<hbm>>
      %dma_wait3A_84 = arith.constant 64 : i32
      %dma_wait3A_85 = tpu.memref_slice %arg3[%add3A_44, %dma_wait3A_84] : memref<160000x128xf32, #tpu.memory_space<hbm>> -> memref<1000x16xf32, #tpu.memory_space<hbm>>
      tpu.wait_dma2 semaphore(%run_scoped3A : memref<!tpu.dma_semaphore, #tpu.memory_space<semaphore_mem>>) src(%dma_wait3A_85 : memref<1000x16xf32, #tpu.memory_space<hbm>>) dst(%arg9 : memref<1000x16xf32, #tpu.memory_space<vmem>>)
      tpu.yield
    }) : () -> ()
    "tpu.region"() ({
      %run_scoped3A = tpu.sem_alloc : memref<!tpu.dma_semaphore, #tpu.memory_space<semaphore_mem>>
      %dma_start3A = arith.constant 0 : i32
      %dma_start3A_80 = arith.constant 0 : i32
      %dma_start3A_81 = tpu.memref_slice %arg10[%dma_start3A, %dma_start3A_80] : memref<10000x64xf32, #tpu.memory_space<vmem_shared>> -> memref<10000x64xf32, #tpu.memory_space<vmem_shared>>
      tpu.enqueue_indirect_dma source(%arg8 : memref<1000x64xf32, #tpu.memory_space<vmem>>) target(%dma_start3A_81 : memref<10000x64xf32, #tpu.memory_space<vmem_shared>>) offsets(%arg7 : memref<1000xi32, #tpu.memory_space<vmem>>) semaphore(%run_scoped3A : memref<!tpu.dma_semaphore, #tpu.memory_space<semaphore_mem>>) {add = true}
      %dma_wait3A = arith.constant 0 : i32
      %dma_wait3A_82 = arith.constant 0 : i32
      %dma_wait3A_83 = tpu.memref_slice %arg10[%dma_wait3A, %dma_wait3A_82] : memref<10000x64xf32, #tpu.memory_space<vmem_shared>> -> memref<10000x64xf32, #tpu.memory_space<vmem_shared>>
      tpu.wait_indirect_dma semaphore(%run_scoped3A : memref<!tpu.dma_semaphore, #tpu.memory_space<semaphore_mem>>) src(%arg8 : memref<1000x64xf32, #tpu.memory_space<vmem>>) dst(%dma_wait3A_83 : memref<10000x64xf32, #tpu.memory_space<vmem_shared>>)
      tpu.yield
    }) : () -> ()
    "tpu.region"() ({
      %run_scoped3A = tpu.sem_alloc : memref<!tpu.dma_semaphore, #tpu.memory_space<semaphore_mem>>
      %dma_start3A = arith.constant 0 : i32
      %dma_start3A_80 = arith.constant 0 : i32
      %dma_start3A_81 = tpu.memref_slice %arg11[%dma_start3A, %dma_start3A_80] : memref<10000x16xf32, #tpu.memory_space<vmem_shared>> -> memref<10000x16xf32, #tpu.memory_space<vmem_shared>>
      tpu.enqueue_indirect_dma source(%arg9 : memref<1000x16xf32, #tpu.memory_space<vmem>>) target(%dma_start3A_81 : memref<10000x16xf32, #tpu.memory_space<vmem_shared>>) offsets(%arg7 : memref<1000xi32, #tpu.memory_space<vmem>>) semaphore(%run_scoped3A : memref<!tpu.dma_semaphore, #tpu.memory_space<semaphore_mem>>) {add = true}
      %dma_wait3A = arith.constant 0 : i32
      %dma_wait3A_82 = arith.constant 0 : i32
      %dma_wait3A_83 = tpu.memref_slice %arg11[%dma_wait3A, %dma_wait3A_82] : memref<10000x16xf32, #tpu.memory_space<vmem_shared>> -> memref<10000x16xf32, #tpu.memory_space<vmem_shared>>
      tpu.wait_indirect_dma semaphore(%run_scoped3A : memref<!tpu.dma_semaphore, #tpu.memory_space<semaphore_mem>>) src(%arg9 : memref<1000x16xf32, #tpu.memory_space<vmem>>) dst(%dma_wait3A_83 : memref<10000x16xf32, #tpu.memory_space<vmem_shared>>)
      tpu.yield
    }) : () -> ()
    %mul3A_47 = arith.constant 5000 : i32
    %mul3A_48 = arith.muli %add3A, %mul3A_47 : i32
    %add3A_49 = arith.constant 1000 : i32
    %add3A_50 = arith.addi %mul3A_48, %add3A_49 : i32
    %add3A_51 = arith.constant 160000 : i32
    %add3A_52 = arith.addi %add3A_51, %add3A_50 : i32
    "tpu.region"() ({
      %run_scoped3A = tpu.sem_alloc : memref<!tpu.dma_semaphore, #tpu.memory_space<semaphore_mem>>
      %dma_start3A = tpu.memref_slice %arg4[%add3A_52] : memref<320000xi32, #tpu.memory_space<hbm>> -> memref<1000xi32, #tpu.memory_space<hbm>>
      %dma_start3A_80 = tpu.memref_slice %arg4[%add3A_52] : memref<320000xi32, #tpu.memory_space<hbm>> -> memref<1000xi32, #tpu.memory_space<hbm>>
      tpu.enqueue_dma source(%dma_start3A_80 : memref<1000xi32, #tpu.memory_space<hbm>>) target(%arg7 : memref<1000xi32, #tpu.memory_space<vmem>>) target_semaphore(%run_scoped3A : memref<!tpu.dma_semaphore, #tpu.memory_space<semaphore_mem>>)
      %dma_wait3A = tpu.memref_slice %arg4[%add3A_52] : memref<320000xi32, #tpu.memory_space<hbm>> -> memref<1000xi32, #tpu.memory_space<hbm>>
      %dma_wait3A_81 = tpu.memref_slice %arg4[%add3A_52] : memref<320000xi32, #tpu.memory_space<hbm>> -> memref<1000xi32, #tpu.memory_space<hbm>>
      tpu.wait_dma2 semaphore(%run_scoped3A : memref<!tpu.dma_semaphore, #tpu.memory_space<semaphore_mem>>) src(%dma_wait3A_81 : memref<1000xi32, #tpu.memory_space<hbm>>) dst(%arg7 : memref<1000xi32, #tpu.memory_space<vmem>>)
      tpu.yield
    }) : () -> ()
    "tpu.region"() ({
      %run_scoped3A = tpu.sem_alloc : memref<!tpu.dma_semaphore, #tpu.memory_space<semaphore_mem>>
      %dma_start3A = arith.constant 0 : i32
      %dma_start3A_80 = tpu.memref_slice %arg3[%add3A_50, %dma_start3A] : memref<160000x128xf32, #tpu.memory_space<hbm>> -> memref<1000x64xf32, #tpu.memory_space<hbm>>
      %dma_start3A_81 = arith.constant 0 : i32
      %dma_start3A_82 = tpu.memref_slice %arg3[%add3A_50, %dma_start3A_81] : memref<160000x128xf32, #tpu.memory_space<hbm>> -> memref<1000x64xf32, #tpu.memory_space<hbm>>
      tpu.enqueue_dma source(%dma_start3A_82 : memref<1000x64xf32, #tpu.memory_space<hbm>>) target(%arg8 : memref<1000x64xf32, #tpu.memory_space<vmem>>) target_semaphore(%run_scoped3A : memref<!tpu.dma_semaphore, #tpu.memory_space<semaphore_mem>>)
      %dma_wait3A = arith.constant 0 : i32
      %dma_wait3A_83 = tpu.memref_slice %arg3[%add3A_50, %dma_wait3A] : memref<160000x128xf32, #tpu.memory_space<hbm>> -> memref<1000x64xf32, #tpu.memory_space<hbm>>
      %dma_wait3A_84 = arith.constant 0 : i32
      %dma_wait3A_85 = tpu.memref_slice %arg3[%add3A_50, %dma_wait3A_84] : memref<160000x128xf32, #tpu.memory_space<hbm>> -> memref<1000x64xf32, #tpu.memory_space<hbm>>
      tpu.wait_dma2 semaphore(%run_scoped3A : memref<!tpu.dma_semaphore, #tpu.memory_space<semaphore_mem>>) src(%dma_wait3A_85 : memref<1000x64xf32, #tpu.memory_space<hbm>>) dst(%arg8 : memref<1000x64xf32, #tpu.memory_space<vmem>>)
      tpu.yield
    }) : () -> ()
    "tpu.region"() ({
      %run_scoped3A = tpu.sem_alloc : memref<!tpu.dma_semaphore, #tpu.memory_space<semaphore_mem>>
      %dma_start3A = arith.constant 64 : i32
      %dma_start3A_80 = tpu.memref_slice %arg3[%add3A_50, %dma_start3A] : memref<160000x128xf32, #tpu.memory_space<hbm>> -> memref<1000x16xf32, #tpu.memory_space<hbm>>
      %dma_start3A_81 = arith.constant 64 : i32
      %dma_start3A_82 = tpu.memref_slice %arg3[%add3A_50, %dma_start3A_81] : memref<160000x128xf32, #tpu.memory_space<hbm>> -> memref<1000x16xf32, #tpu.memory_space<hbm>>
      tpu.enqueue_dma source(%dma_start3A_82 : memref<1000x16xf32, #tpu.memory_space<hbm>>) target(%arg9 : memref<1000x16xf32, #tpu.memory_space<vmem>>) target_semaphore(%run_scoped3A : memref<!tpu.dma_semaphore, #tpu.memory_space<semaphore_mem>>)
      %dma_wait3A = arith.constant 64 : i32
      %dma_wait3A_83 = tpu.memref_slice %arg3[%add3A_50, %dma_wait3A] : memref<160000x128xf32, #tpu.memory_space<hbm>> -> memref<1000x16xf32, #tpu.memory_space<hbm>>
      %dma_wait3A_84 = arith.constant 64 : i32
      %dma_wait3A_85 = tpu.memref_slice %arg3[%add3A_50, %dma_wait3A_84] : memref<160000x128xf32, #tpu.memory_space<hbm>> -> memref<1000x16xf32, #tpu.memory_space<hbm>>
      tpu.wait_dma2 semaphore(%run_scoped3A : memref<!tpu.dma_semaphore, #tpu.memory_space<semaphore_mem>>) src(%dma_wait3A_85 : memref<1000x16xf32, #tpu.memory_space<hbm>>) dst(%arg9 : memref<1000x16xf32, #tpu.memory_space<vmem>>)
      tpu.yield
    }) : () -> ()
    "tpu.region"() ({
      %run_scoped3A = tpu.sem_alloc : memref<!tpu.dma_semaphore, #tpu.memory_space<semaphore_mem>>
      %dma_start3A = arith.constant 0 : i32
      %dma_start3A_80 = arith.constant 0 : i32
      %dma_start3A_81 = tpu.memref_slice %arg10[%dma_start3A, %dma_start3A_80] : memref<10000x64xf32, #tpu.memory_space<vmem_shared>> -> memref<10000x64xf32, #tpu.memory_space<vmem_shared>>
      tpu.enqueue_indirect_dma source(%arg8 : memref<1000x64xf32, #tpu.memory_space<vmem>>) target(%dma_start3A_81 : memref<10000x64xf32, #tpu.memory_space<vmem_shared>>) offsets(%arg7 : memref<1000xi32, #tpu.memory_space<vmem>>) semaphore(%run_scoped3A : memref<!tpu.dma_semaphore, #tpu.memory_space<semaphore_mem>>) {add = true}
      %dma_wait3A = arith.constant 0 : i32
      %dma_wait3A_82 = arith.constant 0 : i32
      %dma_wait3A_83 = tpu.memref_slice %arg10[%dma_wait3A, %dma_wait3A_82] : memref<10000x64xf32, #tpu.memory_space<vmem_shared>> -> memref<10000x64xf32, #tpu.memory_space<vmem_shared>>
      tpu.wait_indirect_dma semaphore(%run_scoped3A : memref<!tpu.dma_semaphore, #tpu.memory_space<semaphore_mem>>) src(%arg8 : memref<1000x64xf32, #tpu.memory_space<vmem>>) dst(%dma_wait3A_83 : memref<10000x64xf32, #tpu.memory_space<vmem_shared>>)
      tpu.yield
    }) : () -> ()
    "tpu.region"() ({
      %run_scoped3A = tpu.sem_alloc : memref<!tpu.dma_semaphore, #tpu.memory_space<semaphore_mem>>
      %dma_start3A = arith.constant 0 : i32
      %dma_start3A_80 = arith.constant 0 : i32
      %dma_start3A_81 = tpu.memref_slice %arg11[%dma_start3A, %dma_start3A_80] : memref<10000x16xf32, #tpu.memory_space<vmem_shared>> -> memref<10000x16xf32, #tpu.memory_space<vmem_shared>>
      tpu.enqueue_indirect_dma source(%arg9 : memref<1000x16xf32, #tpu.memory_space<vmem>>) target(%dma_start3A_81 : memref<10000x16xf32, #tpu.memory_space<vmem_shared>>) offsets(%arg7 : memref<1000xi32, #tpu.memory_space<vmem>>) semaphore(%run_scoped3A : memref<!tpu.dma_semaphore, #tpu.memory_space<semaphore_mem>>) {add = true}
      %dma_wait3A = arith.constant 0 : i32
      %dma_wait3A_82 = arith.constant 0 : i32
      %dma_wait3A_83 = tpu.memref_slice %arg11[%dma_wait3A, %dma_wait3A_82] : memref<10000x16xf32, #tpu.memory_space<vmem_shared>> -> memref<10000x16xf32, #tpu.memory_space<vmem_shared>>
      tpu.wait_indirect_dma semaphore(%run_scoped3A : memref<!tpu.dma_semaphore, #tpu.memory_space<semaphore_mem>>) src(%arg9 : memref<1000x16xf32, #tpu.memory_space<vmem>>) dst(%dma_wait3A_83 : memref<10000x16xf32, #tpu.memory_space<vmem_shared>>)
      tpu.yield
    }) : () -> ()
    %mul3A_53 = arith.constant 5000 : i32
    %mul3A_54 = arith.muli %add3A, %mul3A_53 : i32
    %add3A_55 = arith.constant 2000 : i32
    %add3A_56 = arith.addi %mul3A_54, %add3A_55 : i32
    %add3A_57 = arith.constant 160000 : i32
    %add3A_58 = arith.addi %add3A_57, %add3A_56 : i32
    "tpu.region"() ({
      %run_scoped3A = tpu.sem_alloc : memref<!tpu.dma_semaphore, #tpu.memory_space<semaphore_mem>>
      %dma_start3A = tpu.memref_slice %arg4[%add3A_58] : memref<320000xi32, #tpu.memory_space<hbm>> -> memref<1000xi32, #tpu.memory_space<hbm>>
      %dma_start3A_80 = tpu.memref_slice %arg4[%add3A_58] : memref<320000xi32, #tpu.memory_space<hbm>> -> memref<1000xi32, #tpu.memory_space<hbm>>
      tpu.enqueue_dma source(%dma_start3A_80 : memref<1000xi32, #tpu.memory_space<hbm>>) target(%arg7 : memref<1000xi32, #tpu.memory_space<vmem>>) target_semaphore(%run_scoped3A : memref<!tpu.dma_semaphore, #tpu.memory_space<semaphore_mem>>)
      %dma_wait3A = tpu.memref_slice %arg4[%add3A_58] : memref<320000xi32, #tpu.memory_space<hbm>> -> memref<1000xi32, #tpu.memory_space<hbm>>
      %dma_wait3A_81 = tpu.memref_slice %arg4[%add3A_58] : memref<320000xi32, #tpu.memory_space<hbm>> -> memref<1000xi32, #tpu.memory_space<hbm>>
      tpu.wait_dma2 semaphore(%run_scoped3A : memref<!tpu.dma_semaphore, #tpu.memory_space<semaphore_mem>>) src(%dma_wait3A_81 : memref<1000xi32, #tpu.memory_space<hbm>>) dst(%arg7 : memref<1000xi32, #tpu.memory_space<vmem>>)
      tpu.yield
    }) : () -> ()
    "tpu.region"() ({
      %run_scoped3A = tpu.sem_alloc : memref<!tpu.dma_semaphore, #tpu.memory_space<semaphore_mem>>
      %dma_start3A = arith.constant 0 : i32
      %dma_start3A_80 = tpu.memref_slice %arg3[%add3A_56, %dma_start3A] : memref<160000x128xf32, #tpu.memory_space<hbm>> -> memref<1000x64xf32, #tpu.memory_space<hbm>>
      %dma_start3A_81 = arith.constant 0 : i32
      %dma_start3A_82 = tpu.memref_slice %arg3[%add3A_56, %dma_start3A_81] : memref<160000x128xf32, #tpu.memory_space<hbm>> -> memref<1000x64xf32, #tpu.memory_space<hbm>>
      tpu.enqueue_dma source(%dma_start3A_82 : memref<1000x64xf32, #tpu.memory_space<hbm>>) target(%arg8 : memref<1000x64xf32, #tpu.memory_space<vmem>>) target_semaphore(%run_scoped3A : memref<!tpu.dma_semaphore, #tpu.memory_space<semaphore_mem>>)
      %dma_wait3A = arith.constant 0 : i32
      %dma_wait3A_83 = tpu.memref_slice %arg3[%add3A_56, %dma_wait3A] : memref<160000x128xf32, #tpu.memory_space<hbm>> -> memref<1000x64xf32, #tpu.memory_space<hbm>>
      %dma_wait3A_84 = arith.constant 0 : i32
      %dma_wait3A_85 = tpu.memref_slice %arg3[%add3A_56, %dma_wait3A_84] : memref<160000x128xf32, #tpu.memory_space<hbm>> -> memref<1000x64xf32, #tpu.memory_space<hbm>>
      tpu.wait_dma2 semaphore(%run_scoped3A : memref<!tpu.dma_semaphore, #tpu.memory_space<semaphore_mem>>) src(%dma_wait3A_85 : memref<1000x64xf32, #tpu.memory_space<hbm>>) dst(%arg8 : memref<1000x64xf32, #tpu.memory_space<vmem>>)
      tpu.yield
    }) : () -> ()
    "tpu.region"() ({
      %run_scoped3A = tpu.sem_alloc : memref<!tpu.dma_semaphore, #tpu.memory_space<semaphore_mem>>
      %dma_start3A = arith.constant 64 : i32
      %dma_start3A_80 = tpu.memref_slice %arg3[%add3A_56, %dma_start3A] : memref<160000x128xf32, #tpu.memory_space<hbm>> -> memref<1000x16xf32, #tpu.memory_space<hbm>>
      %dma_start3A_81 = arith.constant 64 : i32
      %dma_start3A_82 = tpu.memref_slice %arg3[%add3A_56, %dma_start3A_81] : memref<160000x128xf32, #tpu.memory_space<hbm>> -> memref<1000x16xf32, #tpu.memory_space<hbm>>
      tpu.enqueue_dma source(%dma_start3A_82 : memref<1000x16xf32, #tpu.memory_space<hbm>>) target(%arg9 : memref<1000x16xf32, #tpu.memory_space<vmem>>) target_semaphore(%run_scoped3A : memref<!tpu.dma_semaphore, #tpu.memory_space<semaphore_mem>>)
      %dma_wait3A = arith.constant 64 : i32
      %dma_wait3A_83 = tpu.memref_slice %arg3[%add3A_56, %dma_wait3A] : memref<160000x128xf32, #tpu.memory_space<hbm>> -> memref<1000x16xf32, #tpu.memory_space<hbm>>
      %dma_wait3A_84 = arith.constant 64 : i32
      %dma_wait3A_85 = tpu.memref_slice %arg3[%add3A_56, %dma_wait3A_84] : memref<160000x128xf32, #tpu.memory_space<hbm>> -> memref<1000x16xf32, #tpu.memory_space<hbm>>
      tpu.wait_dma2 semaphore(%run_scoped3A : memref<!tpu.dma_semaphore, #tpu.memory_space<semaphore_mem>>) src(%dma_wait3A_85 : memref<1000x16xf32, #tpu.memory_space<hbm>>) dst(%arg9 : memref<1000x16xf32, #tpu.memory_space<vmem>>)
      tpu.yield
    }) : () -> ()
    "tpu.region"() ({
      %run_scoped3A = tpu.sem_alloc : memref<!tpu.dma_semaphore, #tpu.memory_space<semaphore_mem>>
      %dma_start3A = arith.constant 0 : i32
      %dma_start3A_80 = arith.constant 0 : i32
      %dma_start3A_81 = tpu.memref_slice %arg10[%dma_start3A, %dma_start3A_80] : memref<10000x64xf32, #tpu.memory_space<vmem_shared>> -> memref<10000x64xf32, #tpu.memory_space<vmem_shared>>
      tpu.enqueue_indirect_dma source(%arg8 : memref<1000x64xf32, #tpu.memory_space<vmem>>) target(%dma_start3A_81 : memref<10000x64xf32, #tpu.memory_space<vmem_shared>>) offsets(%arg7 : memref<1000xi32, #tpu.memory_space<vmem>>) semaphore(%run_scoped3A : memref<!tpu.dma_semaphore, #tpu.memory_space<semaphore_mem>>) {add = true}
      %dma_wait3A = arith.constant 0 : i32
      %dma_wait3A_82 = arith.constant 0 : i32
      %dma_wait3A_83 = tpu.memref_slice %arg10[%dma_wait3A, %dma_wait3A_82] : memref<10000x64xf32, #tpu.memory_space<vmem_shared>> -> memref<10000x64xf32, #tpu.memory_space<vmem_shared>>
      tpu.wait_indirect_dma semaphore(%run_scoped3A : memref<!tpu.dma_semaphore, #tpu.memory_space<semaphore_mem>>) src(%arg8 : memref<1000x64xf32, #tpu.memory_space<vmem>>) dst(%dma_wait3A_83 : memref<10000x64xf32, #tpu.memory_space<vmem_shared>>)
      tpu.yield
    }) : () -> ()
    "tpu.region"() ({
      %run_scoped3A = tpu.sem_alloc : memref<!tpu.dma_semaphore, #tpu.memory_space<semaphore_mem>>
      %dma_start3A = arith.constant 0 : i32
      %dma_start3A_80 = arith.constant 0 : i32
      %dma_start3A_81 = tpu.memref_slice %arg11[%dma_start3A, %dma_start3A_80] : memref<10000x16xf32, #tpu.memory_space<vmem_shared>> -> memref<10000x16xf32, #tpu.memory_space<vmem_shared>>
      tpu.enqueue_indirect_dma source(%arg9 : memref<1000x16xf32, #tpu.memory_space<vmem>>) target(%dma_start3A_81 : memref<10000x16xf32, #tpu.memory_space<vmem_shared>>) offsets(%arg7 : memref<1000xi32, #tpu.memory_space<vmem>>) semaphore(%run_scoped3A : memref<!tpu.dma_semaphore, #tpu.memory_space<semaphore_mem>>) {add = true}
      %dma_wait3A = arith.constant 0 : i32
      %dma_wait3A_82 = arith.constant 0 : i32
      %dma_wait3A_83 = tpu.memref_slice %arg11[%dma_wait3A, %dma_wait3A_82] : memref<10000x16xf32, #tpu.memory_space<vmem_shared>> -> memref<10000x16xf32, #tpu.memory_space<vmem_shared>>
      tpu.wait_indirect_dma semaphore(%run_scoped3A : memref<!tpu.dma_semaphore, #tpu.memory_space<semaphore_mem>>) src(%arg9 : memref<1000x16xf32, #tpu.memory_space<vmem>>) dst(%dma_wait3A_83 : memref<10000x16xf32, #tpu.memory_space<vmem_shared>>)
      tpu.yield
    }) : () -> ()
    %mul3A_59 = arith.constant 5000 : i32
    %mul3A_60 = arith.muli %add3A, %mul3A_59 : i32
    %add3A_61 = arith.constant 3000 : i32
    %add3A_62 = arith.addi %mul3A_60, %add3A_61 : i32
    %add3A_63 = arith.constant 160000 : i32
    %add3A_64 = arith.addi %add3A_63, %add3A_62 : i32
    "tpu.region"() ({
      %run_scoped3A = tpu.sem_alloc : memref<!tpu.dma_semaphore, #tpu.memory_space<semaphore_mem>>
      %dma_start3A = tpu.memref_slice %arg4[%add3A_64] : memref<320000xi32, #tpu.memory_space<hbm>> -> memref<1000xi32, #tpu.memory_space<hbm>>
      %dma_start3A_80 = tpu.memref_slice %arg4[%add3A_64] : memref<320000xi32, #tpu.memory_space<hbm>> -> memref<1000xi32, #tpu.memory_space<hbm>>
      tpu.enqueue_dma source(%dma_start3A_80 : memref<1000xi32, #tpu.memory_space<hbm>>) target(%arg7 : memref<1000xi32, #tpu.memory_space<vmem>>) target_semaphore(%run_scoped3A : memref<!tpu.dma_semaphore, #tpu.memory_space<semaphore_mem>>)
      %dma_wait3A = tpu.memref_slice %arg4[%add3A_64] : memref<320000xi32, #tpu.memory_space<hbm>> -> memref<1000xi32, #tpu.memory_space<hbm>>
      %dma_wait3A_81 = tpu.memref_slice %arg4[%add3A_64] : memref<320000xi32, #tpu.memory_space<hbm>> -> memref<1000xi32, #tpu.memory_space<hbm>>
      tpu.wait_dma2 semaphore(%run_scoped3A : memref<!tpu.dma_semaphore, #tpu.memory_space<semaphore_mem>>) src(%dma_wait3A_81 : memref<1000xi32, #tpu.memory_space<hbm>>) dst(%arg7 : memref<1000xi32, #tpu.memory_space<vmem>>)
      tpu.yield
    }) : () -> ()
    "tpu.region"() ({
      %run_scoped3A = tpu.sem_alloc : memref<!tpu.dma_semaphore, #tpu.memory_space<semaphore_mem>>
      %dma_start3A = arith.constant 0 : i32
      %dma_start3A_80 = tpu.memref_slice %arg3[%add3A_62, %dma_start3A] : memref<160000x128xf32, #tpu.memory_space<hbm>> -> memref<1000x64xf32, #tpu.memory_space<hbm>>
      %dma_start3A_81 = arith.constant 0 : i32
      %dma_start3A_82 = tpu.memref_slice %arg3[%add3A_62, %dma_start3A_81] : memref<160000x128xf32, #tpu.memory_space<hbm>> -> memref<1000x64xf32, #tpu.memory_space<hbm>>
      tpu.enqueue_dma source(%dma_start3A_82 : memref<1000x64xf32, #tpu.memory_space<hbm>>) target(%arg8 : memref<1000x64xf32, #tpu.memory_space<vmem>>) target_semaphore(%run_scoped3A : memref<!tpu.dma_semaphore, #tpu.memory_space<semaphore_mem>>)
      %dma_wait3A = arith.constant 0 : i32
      %dma_wait3A_83 = tpu.memref_slice %arg3[%add3A_62, %dma_wait3A] : memref<160000x128xf32, #tpu.memory_space<hbm>> -> memref<1000x64xf32, #tpu.memory_space<hbm>>
      %dma_wait3A_84 = arith.constant 0 : i32
      %dma_wait3A_85 = tpu.memref_slice %arg3[%add3A_62, %dma_wait3A_84] : memref<160000x128xf32, #tpu.memory_space<hbm>> -> memref<1000x64xf32, #tpu.memory_space<hbm>>
      tpu.wait_dma2 semaphore(%run_scoped3A : memref<!tpu.dma_semaphore, #tpu.memory_space<semaphore_mem>>) src(%dma_wait3A_85 : memref<1000x64xf32, #tpu.memory_space<hbm>>) dst(%arg8 : memref<1000x64xf32, #tpu.memory_space<vmem>>)
      tpu.yield
    }) : () -> ()
    "tpu.region"() ({
      %run_scoped3A = tpu.sem_alloc : memref<!tpu.dma_semaphore, #tpu.memory_space<semaphore_mem>>
      %dma_start3A = arith.constant 64 : i32
      %dma_start3A_80 = tpu.memref_slice %arg3[%add3A_62, %dma_start3A] : memref<160000x128xf32, #tpu.memory_space<hbm>> -> memref<1000x16xf32, #tpu.memory_space<hbm>>
      %dma_start3A_81 = arith.constant 64 : i32
      %dma_start3A_82 = tpu.memref_slice %arg3[%add3A_62, %dma_start3A_81] : memref<160000x128xf32, #tpu.memory_space<hbm>> -> memref<1000x16xf32, #tpu.memory_space<hbm>>
      tpu.enqueue_dma source(%dma_start3A_82 : memref<1000x16xf32, #tpu.memory_space<hbm>>) target(%arg9 : memref<1000x16xf32, #tpu.memory_space<vmem>>) target_semaphore(%run_scoped3A : memref<!tpu.dma_semaphore, #tpu.memory_space<semaphore_mem>>)
      %dma_wait3A = arith.constant 64 : i32
      %dma_wait3A_83 = tpu.memref_slice %arg3[%add3A_62, %dma_wait3A] : memref<160000x128xf32, #tpu.memory_space<hbm>> -> memref<1000x16xf32, #tpu.memory_space<hbm>>
      %dma_wait3A_84 = arith.constant 64 : i32
      %dma_wait3A_85 = tpu.memref_slice %arg3[%add3A_62, %dma_wait3A_84] : memref<160000x128xf32, #tpu.memory_space<hbm>> -> memref<1000x16xf32, #tpu.memory_space<hbm>>
      tpu.wait_dma2 semaphore(%run_scoped3A : memref<!tpu.dma_semaphore, #tpu.memory_space<semaphore_mem>>) src(%dma_wait3A_85 : memref<1000x16xf32, #tpu.memory_space<hbm>>) dst(%arg9 : memref<1000x16xf32, #tpu.memory_space<vmem>>)
      tpu.yield
    }) : () -> ()
    "tpu.region"() ({
      %run_scoped3A = tpu.sem_alloc : memref<!tpu.dma_semaphore, #tpu.memory_space<semaphore_mem>>
      %dma_start3A = arith.constant 0 : i32
      %dma_start3A_80 = arith.constant 0 : i32
      %dma_start3A_81 = tpu.memref_slice %arg10[%dma_start3A, %dma_start3A_80] : memref<10000x64xf32, #tpu.memory_space<vmem_shared>> -> memref<10000x64xf32, #tpu.memory_space<vmem_shared>>
      tpu.enqueue_indirect_dma source(%arg8 : memref<1000x64xf32, #tpu.memory_space<vmem>>) target(%dma_start3A_81 : memref<10000x64xf32, #tpu.memory_space<vmem_shared>>) offsets(%arg7 : memref<1000xi32, #tpu.memory_space<vmem>>) semaphore(%run_scoped3A : memref<!tpu.dma_semaphore, #tpu.memory_space<semaphore_mem>>) {add = true}
      %dma_wait3A = arith.constant 0 : i32
      %dma_wait3A_82 = arith.constant 0 : i32
      %dma_wait3A_83 = tpu.memref_slice %arg10[%dma_wait3A, %dma_wait3A_82] : memref<10000x64xf32, #tpu.memory_space<vmem_shared>> -> memref<10000x64xf32, #tpu.memory_space<vmem_shared>>
      tpu.wait_indirect_dma semaphore(%run_scoped3A : memref<!tpu.dma_semaphore, #tpu.memory_space<semaphore_mem>>) src(%arg8 : memref<1000x64xf32, #tpu.memory_space<vmem>>) dst(%dma_wait3A_83 : memref<10000x64xf32, #tpu.memory_space<vmem_shared>>)
      tpu.yield
    }) : () -> ()
    "tpu.region"() ({
      %run_scoped3A = tpu.sem_alloc : memref<!tpu.dma_semaphore, #tpu.memory_space<semaphore_mem>>
      %dma_start3A = arith.constant 0 : i32
      %dma_start3A_80 = arith.constant 0 : i32
      %dma_start3A_81 = tpu.memref_slice %arg11[%dma_start3A, %dma_start3A_80] : memref<10000x16xf32, #tpu.memory_space<vmem_shared>> -> memref<10000x16xf32, #tpu.memory_space<vmem_shared>>
      tpu.enqueue_indirect_dma source(%arg9 : memref<1000x16xf32, #tpu.memory_space<vmem>>) target(%dma_start3A_81 : memref<10000x16xf32, #tpu.memory_space<vmem_shared>>) offsets(%arg7 : memref<1000xi32, #tpu.memory_space<vmem>>) semaphore(%run_scoped3A : memref<!tpu.dma_semaphore, #tpu.memory_space<semaphore_mem>>) {add = true}
      %dma_wait3A = arith.constant 0 : i32
      %dma_wait3A_82 = arith.constant 0 : i32
      %dma_wait3A_83 = tpu.memref_slice %arg11[%dma_wait3A, %dma_wait3A_82] : memref<10000x16xf32, #tpu.memory_space<vmem_shared>> -> memref<10000x16xf32, #tpu.memory_space<vmem_shared>>
      tpu.wait_indirect_dma semaphore(%run_scoped3A : memref<!tpu.dma_semaphore, #tpu.memory_space<semaphore_mem>>) src(%arg9 : memref<1000x16xf32, #tpu.memory_space<vmem>>) dst(%dma_wait3A_83 : memref<10000x16xf32, #tpu.memory_space<vmem_shared>>)
      tpu.yield
    }) : () -> ()
    %mul3A_65 = arith.constant 5000 : i32
    %mul3A_66 = arith.muli %add3A, %mul3A_65 : i32
    %add3A_67 = arith.constant 4000 : i32
    %add3A_68 = arith.addi %mul3A_66, %add3A_67 : i32
    %add3A_69 = arith.constant 160000 : i32
    %add3A_70 = arith.addi %add3A_69, %add3A_68 : i32
    "tpu.region"() ({
      %run_scoped3A = tpu.sem_alloc : memref<!tpu.dma_semaphore, #tpu.memory_space<semaphore_mem>>
      %dma_start3A = tpu.memref_slice %arg4[%add3A_70] : memref<320000xi32, #tpu.memory_space<hbm>> -> memref<1000xi32, #tpu.memory_space<hbm>>
      %dma_start3A_80 = tpu.memref_slice %arg4[%add3A_70] : memref<320000xi32, #tpu.memory_space<hbm>> -> memref<1000xi32, #tpu.memory_space<hbm>>
      tpu.enqueue_dma source(%dma_start3A_80 : memref<1000xi32, #tpu.memory_space<hbm>>) target(%arg7 : memref<1000xi32, #tpu.memory_space<vmem>>) target_semaphore(%run_scoped3A : memref<!tpu.dma_semaphore, #tpu.memory_space<semaphore_mem>>)
      %dma_wait3A = tpu.memref_slice %arg4[%add3A_70] : memref<320000xi32, #tpu.memory_space<hbm>> -> memref<1000xi32, #tpu.memory_space<hbm>>
      %dma_wait3A_81 = tpu.memref_slice %arg4[%add3A_70] : memref<320000xi32, #tpu.memory_space<hbm>> -> memref<1000xi32, #tpu.memory_space<hbm>>
      tpu.wait_dma2 semaphore(%run_scoped3A : memref<!tpu.dma_semaphore, #tpu.memory_space<semaphore_mem>>) src(%dma_wait3A_81 : memref<1000xi32, #tpu.memory_space<hbm>>) dst(%arg7 : memref<1000xi32, #tpu.memory_space<vmem>>)
      tpu.yield
    }) : () -> ()
    "tpu.region"() ({
      %run_scoped3A = tpu.sem_alloc : memref<!tpu.dma_semaphore, #tpu.memory_space<semaphore_mem>>
      %dma_start3A = arith.constant 0 : i32
      %dma_start3A_80 = tpu.memref_slice %arg3[%add3A_68, %dma_start3A] : memref<160000x128xf32, #tpu.memory_space<hbm>> -> memref<1000x64xf32, #tpu.memory_space<hbm>>
      %dma_start3A_81 = arith.constant 0 : i32
      %dma_start3A_82 = tpu.memref_slice %arg3[%add3A_68, %dma_start3A_81] : memref<160000x128xf32, #tpu.memory_space<hbm>> -> memref<1000x64xf32, #tpu.memory_space<hbm>>
      tpu.enqueue_dma source(%dma_start3A_82 : memref<1000x64xf32, #tpu.memory_space<hbm>>) target(%arg8 : memref<1000x64xf32, #tpu.memory_space<vmem>>) target_semaphore(%run_scoped3A : memref<!tpu.dma_semaphore, #tpu.memory_space<semaphore_mem>>)
      %dma_wait3A = arith.constant 0 : i32
      %dma_wait3A_83 = tpu.memref_slice %arg3[%add3A_68, %dma_wait3A] : memref<160000x128xf32, #tpu.memory_space<hbm>> -> memref<1000x64xf32, #tpu.memory_space<hbm>>
      %dma_wait3A_84 = arith.constant 0 : i32
      %dma_wait3A_85 = tpu.memref_slice %arg3[%add3A_68, %dma_wait3A_84] : memref<160000x128xf32, #tpu.memory_space<hbm>> -> memref<1000x64xf32, #tpu.memory_space<hbm>>
      tpu.wait_dma2 semaphore(%run_scoped3A : memref<!tpu.dma_semaphore, #tpu.memory_space<semaphore_mem>>) src(%dma_wait3A_85 : memref<1000x64xf32, #tpu.memory_space<hbm>>) dst(%arg8 : memref<1000x64xf32, #tpu.memory_space<vmem>>)
      tpu.yield
    }) : () -> ()
    "tpu.region"() ({
      %run_scoped3A = tpu.sem_alloc : memref<!tpu.dma_semaphore, #tpu.memory_space<semaphore_mem>>
      %dma_start3A = arith.constant 64 : i32
      %dma_start3A_80 = tpu.memref_slice %arg3[%add3A_68, %dma_start3A] : memref<160000x128xf32, #tpu.memory_space<hbm>> -> memref<1000x16xf32, #tpu.memory_space<hbm>>
      %dma_start3A_81 = arith.constant 64 : i32
      %dma_start3A_82 = tpu.memref_slice %arg3[%add3A_68, %dma_start3A_81] : memref<160000x128xf32, #tpu.memory_space<hbm>> -> memref<1000x16xf32, #tpu.memory_space<hbm>>
      tpu.enqueue_dma source(%dma_start3A_82 : memref<1000x16xf32, #tpu.memory_space<hbm>>) target(%arg9 : memref<1000x16xf32, #tpu.memory_space<vmem>>) target_semaphore(%run_scoped3A : memref<!tpu.dma_semaphore, #tpu.memory_space<semaphore_mem>>)
      %dma_wait3A = arith.constant 64 : i32
      %dma_wait3A_83 = tpu.memref_slice %arg3[%add3A_68, %dma_wait3A] : memref<160000x128xf32, #tpu.memory_space<hbm>> -> memref<1000x16xf32, #tpu.memory_space<hbm>>
      %dma_wait3A_84 = arith.constant 64 : i32
      %dma_wait3A_85 = tpu.memref_slice %arg3[%add3A_68, %dma_wait3A_84] : memref<160000x128xf32, #tpu.memory_space<hbm>> -> memref<1000x16xf32, #tpu.memory_space<hbm>>
      tpu.wait_dma2 semaphore(%run_scoped3A : memref<!tpu.dma_semaphore, #tpu.memory_space<semaphore_mem>>) src(%dma_wait3A_85 : memref<1000x16xf32, #tpu.memory_space<hbm>>) dst(%arg9 : memref<1000x16xf32, #tpu.memory_space<vmem>>)
      tpu.yield
    }) : () -> ()
    "tpu.region"() ({
      %run_scoped3A = tpu.sem_alloc : memref<!tpu.dma_semaphore, #tpu.memory_space<semaphore_mem>>
      %dma_start3A = arith.constant 0 : i32
      %dma_start3A_80 = arith.constant 0 : i32
      %dma_start3A_81 = tpu.memref_slice %arg10[%dma_start3A, %dma_start3A_80] : memref<10000x64xf32, #tpu.memory_space<vmem_shared>> -> memref<10000x64xf32, #tpu.memory_space<vmem_shared>>
      tpu.enqueue_indirect_dma source(%arg8 : memref<1000x64xf32, #tpu.memory_space<vmem>>) target(%dma_start3A_81 : memref<10000x64xf32, #tpu.memory_space<vmem_shared>>) offsets(%arg7 : memref<1000xi32, #tpu.memory_space<vmem>>) semaphore(%run_scoped3A : memref<!tpu.dma_semaphore, #tpu.memory_space<semaphore_mem>>) {add = true}
      %dma_wait3A = arith.constant 0 : i32
      %dma_wait3A_82 = arith.constant 0 : i32
      %dma_wait3A_83 = tpu.memref_slice %arg10[%dma_wait3A, %dma_wait3A_82] : memref<10000x64xf32, #tpu.memory_space<vmem_shared>> -> memref<10000x64xf32, #tpu.memory_space<vmem_shared>>
      tpu.wait_indirect_dma semaphore(%run_scoped3A : memref<!tpu.dma_semaphore, #tpu.memory_space<semaphore_mem>>) src(%arg8 : memref<1000x64xf32, #tpu.memory_space<vmem>>) dst(%dma_wait3A_83 : memref<10000x64xf32, #tpu.memory_space<vmem_shared>>)
      tpu.yield
    }) : () -> ()
    "tpu.region"() ({
      %run_scoped3A = tpu.sem_alloc : memref<!tpu.dma_semaphore, #tpu.memory_space<semaphore_mem>>
      %dma_start3A = arith.constant 0 : i32
      %dma_start3A_80 = arith.constant 0 : i32
      %dma_start3A_81 = tpu.memref_slice %arg11[%dma_start3A, %dma_start3A_80] : memref<10000x16xf32, #tpu.memory_space<vmem_shared>> -> memref<10000x16xf32, #tpu.memory_space<vmem_shared>>
      tpu.enqueue_indirect_dma source(%arg9 : memref<1000x16xf32, #tpu.memory_space<vmem>>) target(%dma_start3A_81 : memref<10000x16xf32, #tpu.memory_space<vmem_shared>>) offsets(%arg7 : memref<1000xi32, #tpu.memory_space<vmem>>) semaphore(%run_scoped3A : memref<!tpu.dma_semaphore, #tpu.memory_space<semaphore_mem>>) {add = true}
      %dma_wait3A = arith.constant 0 : i32
      %dma_wait3A_82 = arith.constant 0 : i32
      %dma_wait3A_83 = tpu.memref_slice %arg11[%dma_wait3A, %dma_wait3A_82] : memref<10000x16xf32, #tpu.memory_space<vmem_shared>> -> memref<10000x16xf32, #tpu.memory_space<vmem_shared>>
      tpu.wait_indirect_dma semaphore(%run_scoped3A : memref<!tpu.dma_semaphore, #tpu.memory_space<semaphore_mem>>) src(%arg9 : memref<1000x16xf32, #tpu.memory_space<vmem>>) dst(%dma_wait3A_83 : memref<10000x16xf32, #tpu.memory_space<vmem_shared>>)
      tpu.yield
    }) : () -> ()
    %barrier3A_71 = arith.constant 0 : index
    tpu.barrier barrier_id(%barrier3A_71)
    %mul3A_72 = arith.constant 625 : i32
    %mul3A_73 = arith.muli %arg1, %mul3A_72 : i32
    %mul3A_74 = arith.constant 625 : i32
    %mul3A_75 = arith.muli %arg1, %mul3A_74 : i32
    "tpu.region"() ({
      %run_scoped3A = tpu.sem_alloc : memref<!tpu.dma_semaphore, #tpu.memory_space<semaphore_mem>>
      %dma_start3A = arith.constant 0 : i32
      %dma_start3A_80 = tpu.memref_slice %arg5[%arg0, %mul3A_75, %dma_start3A] : memref<2x10000x64xf32, #tpu.memory_space<hbm>> -> memref<1x625x64xf32, #tpu.memory_space<hbm>>
      %dma_start3A_81 = tpu.memref_squeeze %dma_start3A_80 : memref<1x625x64xf32, #tpu.memory_space<hbm>> -> memref<625x64xf32, #tpu.memory_space<hbm>>
      %dma_start3A_82 = arith.constant 0 : i32
      %dma_start3A_83 = tpu.memref_slice %arg10[%mul3A_73, %dma_start3A_82] : memref<10000x64xf32, #tpu.memory_space<vmem_shared>> -> memref<625x64xf32, #tpu.memory_space<vmem_shared>>
      tpu.enqueue_dma source(%dma_start3A_83 : memref<625x64xf32, #tpu.memory_space<vmem_shared>>) target(%dma_start3A_81 : memref<625x64xf32, #tpu.memory_space<hbm>>) target_semaphore(%run_scoped3A : memref<!tpu.dma_semaphore, #tpu.memory_space<semaphore_mem>>)
      %dma_wait3A = arith.constant 0 : i32
      %dma_wait3A_84 = tpu.memref_slice %arg5[%arg0, %mul3A_75, %dma_wait3A] : memref<2x10000x64xf32, #tpu.memory_space<hbm>> -> memref<1x625x64xf32, #tpu.memory_space<hbm>>
      %dma_wait3A_85 = tpu.memref_squeeze %dma_wait3A_84 : memref<1x625x64xf32, #tpu.memory_space<hbm>> -> memref<625x64xf32, #tpu.memory_space<hbm>>
      %dma_wait3A_86 = arith.constant 0 : i32
      %dma_wait3A_87 = tpu.memref_slice %arg10[%mul3A_73, %dma_wait3A_86] : memref<10000x64xf32, #tpu.memory_space<vmem_shared>> -> memref<625x64xf32, #tpu.memory_space<vmem_shared>>
      tpu.wait_dma2 semaphore(%run_scoped3A : memref<!tpu.dma_semaphore, #tpu.memory_space<semaphore_mem>>) src(%dma_wait3A_87 : memref<625x64xf32, #tpu.memory_space<vmem_shared>>) dst(%dma_wait3A_85 : memref<625x64xf32, #tpu.memory_space<hbm>>)
      tpu.yield
    }) : () -> ()
    %mul3A_76 = arith.constant 625 : i32
    %mul3A_77 = arith.muli %arg1, %mul3A_76 : i32
    %mul3A_78 = arith.constant 625 : i32
    %mul3A_79 = arith.muli %arg1, %mul3A_78 : i32
    "tpu.region"() ({
      %run_scoped3A = tpu.sem_alloc : memref<!tpu.dma_semaphore, #tpu.memory_space<semaphore_mem>>
      %dma_start3A = arith.constant 0 : i32
      %dma_start3A_80 = tpu.memref_slice %arg6[%arg0, %mul3A_79, %dma_start3A] : memref<2x10000x16xf32, #tpu.memory_space<hbm>> -> memref<1x625x16xf32, #tpu.memory_space<hbm>>
      %dma_start3A_81 = tpu.memref_squeeze %dma_start3A_80 : memref<1x625x16xf32, #tpu.memory_space<hbm>> -> memref<625x16xf32, #tpu.memory_space<hbm>>
      %dma_start3A_82 = arith.constant 0 : i32
      %dma_start3A_83 = tpu.memref_slice %arg11[%mul3A_77, %dma_start3A_82] : memref<10000x16xf32, #tpu.memory_space<vmem_shared>> -> memref<625x16xf32, #tpu.memory_space<vmem_shared>>
      tpu.enqueue_dma source(%dma_start3A_83 : memref<625x16xf32, #tpu.memory_space<vmem_shared>>) target(%dma_start3A_81 : memref<625x16xf32, #tpu.memory_space<hbm>>) target_semaphore(%run_scoped3A : memref<!tpu.dma_semaphore, #tpu.memory_space<semaphore_mem>>)
      %dma_wait3A = arith.constant 0 : i32
      %dma_wait3A_84 = tpu.memref_slice %arg6[%arg0, %mul3A_79, %dma_wait3A] : memref<2x10000x16xf32, #tpu.memory_space<hbm>> -> memref<1x625x16xf32, #tpu.memory_space<hbm>>
      %dma_wait3A_85 = tpu.memref_squeeze %dma_wait3A_84 : memref<1x625x16xf32, #tpu.memory_space<hbm>> -> memref<625x16xf32, #tpu.memory_space<hbm>>
      %dma_wait3A_86 = arith.constant 0 : i32
      %dma_wait3A_87 = tpu.memref_slice %arg11[%mul3A_77, %dma_wait3A_86] : memref<10000x16xf32, #tpu.memory_space<vmem_shared>> -> memref<625x16xf32, #tpu.memory_space<vmem_shared>>
      tpu.wait_dma2 semaphore(%run_scoped3A : memref<!tpu.dma_semaphore, #tpu.memory_space<semaphore_mem>>) src(%dma_wait3A_87 : memref<625x16xf32, #tpu.memory_space<vmem_shared>>) dst(%dma_wait3A_85 : memref<625x16xf32, #tpu.memory_space<hbm>>)
      tpu.yield
    }) : () -> ()
    return
  }
}

#map = affine_map<(d0, d1) -> (0, 0)>
#map1 = affine_map<(d0, d1) -> (0)>
module attributes {stable_mosaic.version = 14 : i64} {
  func.func @_sc_gather(%arg0: i32, %arg1: i32, %arg2: memref<10000x64xf32, #tpu.memory_space<hbm>>, %arg3: memref<320000xi32, #tpu.memory_space<hbm>>, %arg4: memref<160000x128xf32, #tpu.memory_space<hbm>>, %arg5: memref<1000xi32, #tpu.memory_space<vmem>>, %arg6: memref<1000xi32, #tpu.memory_space<vmem>>, %arg7: memref<1000x64xf32, #tpu.memory_space<vmem>>, %arg8: memref<1000x64xf32, #tpu.memory_space<vmem>>, %arg9: memref<!tpu.dma_semaphore, #tpu.memory_space<semaphore_mem>>, %arg10: memref<!tpu.dma_semaphore, #tpu.memory_space<semaphore_mem>>, %arg11: memref<!tpu.dma_semaphore, #tpu.memory_space<semaphore_mem>>, %arg12: memref<!tpu.dma_semaphore, #tpu.memory_space<semaphore_mem>>) attributes {dimension_semantics = [#tpu.dimension_semantics<core_parallel>, #tpu.dimension_semantics<subcore_parallel>], iteration_bounds = array<i64: 2, 16>, scalar_prefetch = 0 : i64, scratch_operands = 8 : i64, tpu.core_type = #tpu.core_type<sc_vector_subcore>, window_params = [{transform_indices = #map}, {transform_indices = #map1}, {transform_indices = #map}]} {
    %mul3A = arith.constant 16 : i32
    %mul3A_0 = arith.muli %arg0, %mul3A : i32
    %add3A = arith.addi %mul3A_0, %arg1 : i32
    %mul3A_1 = arith.constant 5000 : i32
    %mul3A_2 = arith.muli %add3A, %mul3A_1 : i32
    %add3A_3 = arith.constant 0 : i32
    %add3A_4 = arith.addi %mul3A_2, %add3A_3 : i32
    %mul3A_5 = arith.constant 5000 : i32
    %mul3A_6 = arith.muli %add3A, %mul3A_5 : i32
    %add3A_7 = arith.constant 0 : i32
    %add3A_8 = arith.addi %mul3A_6, %add3A_7 : i32
    %mul3A_9 = arith.constant 5000 : i32
    %mul3A_10 = arith.muli %add3A, %mul3A_9 : i32
    %add3A_11 = arith.constant 1000 : i32
    %add3A_12 = arith.addi %mul3A_10, %add3A_11 : i32
    %mul3A_13 = arith.constant 5000 : i32
    %mul3A_14 = arith.muli %add3A, %mul3A_13 : i32
    %add3A_15 = arith.constant 1000 : i32
    %add3A_16 = arith.addi %mul3A_14, %add3A_15 : i32
    %mul3A_17 = arith.constant 5000 : i32
    %mul3A_18 = arith.muli %add3A, %mul3A_17 : i32
    %add3A_19 = arith.constant 2000 : i32
    %add3A_20 = arith.addi %mul3A_18, %add3A_19 : i32
    %mul3A_21 = arith.constant 5000 : i32
    %mul3A_22 = arith.muli %add3A, %mul3A_21 : i32
    %add3A_23 = arith.constant 2000 : i32
    %add3A_24 = arith.addi %mul3A_22, %add3A_23 : i32
    %mul3A_25 = arith.constant 5000 : i32
    %mul3A_26 = arith.muli %add3A, %mul3A_25 : i32
    %add3A_27 = arith.constant 3000 : i32
    %add3A_28 = arith.addi %mul3A_26, %add3A_27 : i32
    %mul3A_29 = arith.constant 5000 : i32
    %mul3A_30 = arith.muli %add3A, %mul3A_29 : i32
    %add3A_31 = arith.constant 3000 : i32
    %add3A_32 = arith.addi %mul3A_30, %add3A_31 : i32
    %mul3A_33 = arith.constant 5000 : i32
    %mul3A_34 = arith.muli %add3A, %mul3A_33 : i32
    %add3A_35 = arith.constant 4000 : i32
    %add3A_36 = arith.addi %mul3A_34, %add3A_35 : i32
    %mul3A_37 = arith.constant 5000 : i32
    %mul3A_38 = arith.muli %add3A, %mul3A_37 : i32
    %add3A_39 = arith.constant 4000 : i32
    %add3A_40 = arith.addi %mul3A_38, %add3A_39 : i32
    %add3A_41 = arith.constant 0 : i32
    %add3A_42 = arith.addi %add3A_41, %add3A_4 : i32
    "tpu.region"() ({
      %run_scoped3A = tpu.sem_alloc : memref<!tpu.dma_semaphore, #tpu.memory_space<semaphore_mem>>
      %dma_start3A_195 = tpu.memref_slice %arg3[%add3A_42] : memref<320000xi32, #tpu.memory_space<hbm>> -> memref<1000xi32, #tpu.memory_space<hbm>>
      %dma_start3A_196 = tpu.memref_slice %arg3[%add3A_42] : memref<320000xi32, #tpu.memory_space<hbm>> -> memref<1000xi32, #tpu.memory_space<hbm>>
      tpu.enqueue_dma source(%dma_start3A_196 : memref<1000xi32, #tpu.memory_space<hbm>>) target(%arg5 : memref<1000xi32, #tpu.memory_space<vmem>>) target_semaphore(%run_scoped3A : memref<!tpu.dma_semaphore, #tpu.memory_space<semaphore_mem>>)
      %dma_wait3A_197 = tpu.memref_slice %arg3[%add3A_42] : memref<320000xi32, #tpu.memory_space<hbm>> -> memref<1000xi32, #tpu.memory_space<hbm>>
      %dma_wait3A_198 = tpu.memref_slice %arg3[%add3A_42] : memref<320000xi32, #tpu.memory_space<hbm>> -> memref<1000xi32, #tpu.memory_space<hbm>>
      tpu.wait_dma2 semaphore(%run_scoped3A : memref<!tpu.dma_semaphore, #tpu.memory_space<semaphore_mem>>) src(%dma_wait3A_198 : memref<1000xi32, #tpu.memory_space<hbm>>) dst(%arg5 : memref<1000xi32, #tpu.memory_space<vmem>>)
      tpu.yield
    }) : () -> ()
    %dma_start3A = arith.constant 0 : i32
    %dma_start3A_43 = arith.constant 0 : i32
    %dma_start3A_44 = tpu.memref_slice %arg2[%dma_start3A, %dma_start3A_43] : memref<10000x64xf32, #tpu.memory_space<hbm>> -> memref<10000x64xf32, #tpu.memory_space<hbm>>
    tpu.enqueue_indirect_dma source(%dma_start3A_44 : memref<10000x64xf32, #tpu.memory_space<hbm>>) target(%arg7 : memref<1000x64xf32, #tpu.memory_space<vmem>>) offsets(%arg5 : memref<1000xi32, #tpu.memory_space<vmem>>) semaphore(%arg9 : memref<!tpu.dma_semaphore, #tpu.memory_space<semaphore_mem>>)
    %add3A_45 = arith.constant 160000 : i32
    %add3A_46 = arith.addi %add3A_45, %add3A_8 : i32
    "tpu.region"() ({
      %run_scoped3A = tpu.sem_alloc : memref<!tpu.dma_semaphore, #tpu.memory_space<semaphore_mem>>
      %dma_start3A_195 = tpu.memref_slice %arg3[%add3A_46] : memref<320000xi32, #tpu.memory_space<hbm>> -> memref<1000xi32, #tpu.memory_space<hbm>>
      %dma_start3A_196 = tpu.memref_slice %arg3[%add3A_46] : memref<320000xi32, #tpu.memory_space<hbm>> -> memref<1000xi32, #tpu.memory_space<hbm>>
      tpu.enqueue_dma source(%dma_start3A_196 : memref<1000xi32, #tpu.memory_space<hbm>>) target(%arg6 : memref<1000xi32, #tpu.memory_space<vmem>>) target_semaphore(%run_scoped3A : memref<!tpu.dma_semaphore, #tpu.memory_space<semaphore_mem>>)
      %dma_wait3A_197 = tpu.memref_slice %arg3[%add3A_46] : memref<320000xi32, #tpu.memory_space<hbm>> -> memref<1000xi32, #tpu.memory_space<hbm>>
      %dma_wait3A_198 = tpu.memref_slice %arg3[%add3A_46] : memref<320000xi32, #tpu.memory_space<hbm>> -> memref<1000xi32, #tpu.memory_space<hbm>>
      tpu.wait_dma2 semaphore(%run_scoped3A : memref<!tpu.dma_semaphore, #tpu.memory_space<semaphore_mem>>) src(%dma_wait3A_198 : memref<1000xi32, #tpu.memory_space<hbm>>) dst(%arg6 : memref<1000xi32, #tpu.memory_space<vmem>>)
      tpu.yield
    }) : () -> ()
    %dma_start3A_47 = arith.constant 0 : i32
    %dma_start3A_48 = arith.constant 0 : i32
    %dma_start3A_49 = tpu.memref_slice %arg2[%dma_start3A_47, %dma_start3A_48] : memref<10000x64xf32, #tpu.memory_space<hbm>> -> memref<10000x64xf32, #tpu.memory_space<hbm>>
    tpu.enqueue_indirect_dma source(%dma_start3A_49 : memref<10000x64xf32, #tpu.memory_space<hbm>>) target(%arg8 : memref<1000x64xf32, #tpu.memory_space<vmem>>) offsets(%arg6 : memref<1000xi32, #tpu.memory_space<vmem>>) semaphore(%arg10 : memref<!tpu.dma_semaphore, #tpu.memory_space<semaphore_mem>>)
    %dma_wait3A = arith.constant 0 : i32
    %dma_wait3A_50 = arith.constant 0 : i32
    %dma_wait3A_51 = tpu.memref_slice %arg2[%dma_wait3A, %dma_wait3A_50] : memref<10000x64xf32, #tpu.memory_space<hbm>> -> memref<10000x64xf32, #tpu.memory_space<hbm>>
    tpu.wait_indirect_dma semaphore(%arg9 : memref<!tpu.dma_semaphore, #tpu.memory_space<semaphore_mem>>) src(%dma_wait3A_51 : memref<10000x64xf32, #tpu.memory_space<hbm>>) dst(%arg7 : memref<1000x64xf32, #tpu.memory_space<vmem>>)
    %dma_start3A_52 = arith.constant 0 : i32
    %dma_start3A_53 = tpu.memref_slice %arg4[%add3A_4, %dma_start3A_52] : memref<160000x128xf32, #tpu.memory_space<hbm>> -> memref<1000x64xf32, #tpu.memory_space<hbm>>
    %dma_start3A_54 = arith.constant 0 : i32
    %dma_start3A_55 = tpu.memref_slice %arg4[%add3A_4, %dma_start3A_54] : memref<160000x128xf32, #tpu.memory_space<hbm>> -> memref<1000x64xf32, #tpu.memory_space<hbm>>
    tpu.enqueue_dma source(%arg7 : memref<1000x64xf32, #tpu.memory_space<vmem>>) target(%dma_start3A_55 : memref<1000x64xf32, #tpu.memory_space<hbm>>) target_semaphore(%arg11 : memref<!tpu.dma_semaphore, #tpu.memory_space<semaphore_mem>>)
    %dma_wait3A_56 = arith.constant 0 : i32
    %dma_wait3A_57 = tpu.memref_slice %arg4[%add3A_4, %dma_wait3A_56] : memref<160000x128xf32, #tpu.memory_space<hbm>> -> memref<1000x64xf32, #tpu.memory_space<hbm>>
    %dma_wait3A_58 = arith.constant 0 : i32
    %dma_wait3A_59 = tpu.memref_slice %arg4[%add3A_4, %dma_wait3A_58] : memref<160000x128xf32, #tpu.memory_space<hbm>> -> memref<1000x64xf32, #tpu.memory_space<hbm>>
    tpu.wait_dma2 semaphore(%arg11 : memref<!tpu.dma_semaphore, #tpu.memory_space<semaphore_mem>>) src(%arg7 : memref<1000x64xf32, #tpu.memory_space<vmem>>) dst(%dma_wait3A_59 : memref<1000x64xf32, #tpu.memory_space<hbm>>)
    %add3A_60 = arith.constant 0 : i32
    %add3A_61 = arith.addi %add3A_60, %add3A_12 : i32
    "tpu.region"() ({
      %run_scoped3A = tpu.sem_alloc : memref<!tpu.dma_semaphore, #tpu.memory_space<semaphore_mem>>
      %dma_start3A_195 = tpu.memref_slice %arg3[%add3A_61] : memref<320000xi32, #tpu.memory_space<hbm>> -> memref<1000xi32, #tpu.memory_space<hbm>>
      %dma_start3A_196 = tpu.memref_slice %arg3[%add3A_61] : memref<320000xi32, #tpu.memory_space<hbm>> -> memref<1000xi32, #tpu.memory_space<hbm>>
      tpu.enqueue_dma source(%dma_start3A_196 : memref<1000xi32, #tpu.memory_space<hbm>>) target(%arg5 : memref<1000xi32, #tpu.memory_space<vmem>>) target_semaphore(%run_scoped3A : memref<!tpu.dma_semaphore, #tpu.memory_space<semaphore_mem>>)
      %dma_wait3A_197 = tpu.memref_slice %arg3[%add3A_61] : memref<320000xi32, #tpu.memory_space<hbm>> -> memref<1000xi32, #tpu.memory_space<hbm>>
      %dma_wait3A_198 = tpu.memref_slice %arg3[%add3A_61] : memref<320000xi32, #tpu.memory_space<hbm>> -> memref<1000xi32, #tpu.memory_space<hbm>>
      tpu.wait_dma2 semaphore(%run_scoped3A : memref<!tpu.dma_semaphore, #tpu.memory_space<semaphore_mem>>) src(%dma_wait3A_198 : memref<1000xi32, #tpu.memory_space<hbm>>) dst(%arg5 : memref<1000xi32, #tpu.memory_space<vmem>>)
      tpu.yield
    }) : () -> ()
    %dma_start3A_62 = arith.constant 0 : i32
    %dma_start3A_63 = arith.constant 0 : i32
    %dma_start3A_64 = tpu.memref_slice %arg2[%dma_start3A_62, %dma_start3A_63] : memref<10000x64xf32, #tpu.memory_space<hbm>> -> memref<10000x64xf32, #tpu.memory_space<hbm>>
    tpu.enqueue_indirect_dma source(%dma_start3A_64 : memref<10000x64xf32, #tpu.memory_space<hbm>>) target(%arg7 : memref<1000x64xf32, #tpu.memory_space<vmem>>) offsets(%arg5 : memref<1000xi32, #tpu.memory_space<vmem>>) semaphore(%arg9 : memref<!tpu.dma_semaphore, #tpu.memory_space<semaphore_mem>>)
    %dma_wait3A_65 = arith.constant 0 : i32
    %dma_wait3A_66 = arith.constant 0 : i32
    %dma_wait3A_67 = tpu.memref_slice %arg2[%dma_wait3A_65, %dma_wait3A_66] : memref<10000x64xf32, #tpu.memory_space<hbm>> -> memref<10000x64xf32, #tpu.memory_space<hbm>>
    tpu.wait_indirect_dma semaphore(%arg10 : memref<!tpu.dma_semaphore, #tpu.memory_space<semaphore_mem>>) src(%dma_wait3A_67 : memref<10000x64xf32, #tpu.memory_space<hbm>>) dst(%arg8 : memref<1000x64xf32, #tpu.memory_space<vmem>>)
    %dma_start3A_68 = arith.constant 64 : i32
    %dma_start3A_69 = tpu.memref_slice %arg4[%add3A_8, %dma_start3A_68] : memref<160000x128xf32, #tpu.memory_space<hbm>> -> memref<1000x64xf32, #tpu.memory_space<hbm>>
    %dma_start3A_70 = arith.constant 64 : i32
    %dma_start3A_71 = tpu.memref_slice %arg4[%add3A_8, %dma_start3A_70] : memref<160000x128xf32, #tpu.memory_space<hbm>> -> memref<1000x64xf32, #tpu.memory_space<hbm>>
    tpu.enqueue_dma source(%arg8 : memref<1000x64xf32, #tpu.memory_space<vmem>>) target(%dma_start3A_71 : memref<1000x64xf32, #tpu.memory_space<hbm>>) target_semaphore(%arg12 : memref<!tpu.dma_semaphore, #tpu.memory_space<semaphore_mem>>)
    %dma_wait3A_72 = arith.constant 64 : i32
    %dma_wait3A_73 = tpu.memref_slice %arg4[%add3A_8, %dma_wait3A_72] : memref<160000x128xf32, #tpu.memory_space<hbm>> -> memref<1000x64xf32, #tpu.memory_space<hbm>>
    %dma_wait3A_74 = arith.constant 64 : i32
    %dma_wait3A_75 = tpu.memref_slice %arg4[%add3A_8, %dma_wait3A_74] : memref<160000x128xf32, #tpu.memory_space<hbm>> -> memref<1000x64xf32, #tpu.memory_space<hbm>>
    tpu.wait_dma2 semaphore(%arg12 : memref<!tpu.dma_semaphore, #tpu.memory_space<semaphore_mem>>) src(%arg8 : memref<1000x64xf32, #tpu.memory_space<vmem>>) dst(%dma_wait3A_75 : memref<1000x64xf32, #tpu.memory_space<hbm>>)
    %add3A_76 = arith.constant 160000 : i32
    %add3A_77 = arith.addi %add3A_76, %add3A_16 : i32
    "tpu.region"() ({
      %run_scoped3A = tpu.sem_alloc : memref<!tpu.dma_semaphore, #tpu.memory_space<semaphore_mem>>
      %dma_start3A_195 = tpu.memref_slice %arg3[%add3A_77] : memref<320000xi32, #tpu.memory_space<hbm>> -> memref<1000xi32, #tpu.memory_space<hbm>>
      %dma_start3A_196 = tpu.memref_slice %arg3[%add3A_77] : memref<320000xi32, #tpu.memory_space<hbm>> -> memref<1000xi32, #tpu.memory_space<hbm>>
      tpu.enqueue_dma source(%dma_start3A_196 : memref<1000xi32, #tpu.memory_space<hbm>>) target(%arg6 : memref<1000xi32, #tpu.memory_space<vmem>>) target_semaphore(%run_scoped3A : memref<!tpu.dma_semaphore, #tpu.memory_space<semaphore_mem>>)
      %dma_wait3A_197 = tpu.memref_slice %arg3[%add3A_77] : memref<320000xi32, #tpu.memory_space<hbm>> -> memref<1000xi32, #tpu.memory_space<hbm>>
      %dma_wait3A_198 = tpu.memref_slice %arg3[%add3A_77] : memref<320000xi32, #tpu.memory_space<hbm>> -> memref<1000xi32, #tpu.memory_space<hbm>>
      tpu.wait_dma2 semaphore(%run_scoped3A : memref<!tpu.dma_semaphore, #tpu.memory_space<semaphore_mem>>) src(%dma_wait3A_198 : memref<1000xi32, #tpu.memory_space<hbm>>) dst(%arg6 : memref<1000xi32, #tpu.memory_space<vmem>>)
      tpu.yield
    }) : () -> ()
    %dma_start3A_78 = arith.constant 0 : i32
    %dma_start3A_79 = arith.constant 0 : i32
    %dma_start3A_80 = tpu.memref_slice %arg2[%dma_start3A_78, %dma_start3A_79] : memref<10000x64xf32, #tpu.memory_space<hbm>> -> memref<10000x64xf32, #tpu.memory_space<hbm>>
    tpu.enqueue_indirect_dma source(%dma_start3A_80 : memref<10000x64xf32, #tpu.memory_space<hbm>>) target(%arg8 : memref<1000x64xf32, #tpu.memory_space<vmem>>) offsets(%arg6 : memref<1000xi32, #tpu.memory_space<vmem>>) semaphore(%arg10 : memref<!tpu.dma_semaphore, #tpu.memory_space<semaphore_mem>>)
    %dma_wait3A_81 = arith.constant 0 : i32
    %dma_wait3A_82 = arith.constant 0 : i32
    %dma_wait3A_83 = tpu.memref_slice %arg2[%dma_wait3A_81, %dma_wait3A_82] : memref<10000x64xf32, #tpu.memory_space<hbm>> -> memref<10000x64xf32, #tpu.memory_space<hbm>>
    tpu.wait_indirect_dma semaphore(%arg9 : memref<!tpu.dma_semaphore, #tpu.memory_space<semaphore_mem>>) src(%dma_wait3A_83 : memref<10000x64xf32, #tpu.memory_space<hbm>>) dst(%arg7 : memref<1000x64xf32, #tpu.memory_space<vmem>>)
    %dma_start3A_84 = arith.constant 0 : i32
    %dma_start3A_85 = tpu.memref_slice %arg4[%add3A_12, %dma_start3A_84] : memref<160000x128xf32, #tpu.memory_space<hbm>> -> memref<1000x64xf32, #tpu.memory_space<hbm>>
    %dma_start3A_86 = arith.constant 0 : i32
    %dma_start3A_87 = tpu.memref_slice %arg4[%add3A_12, %dma_start3A_86] : memref<160000x128xf32, #tpu.memory_space<hbm>> -> memref<1000x64xf32, #tpu.memory_space<hbm>>
    tpu.enqueue_dma source(%arg7 : memref<1000x64xf32, #tpu.memory_space<vmem>>) target(%dma_start3A_87 : memref<1000x64xf32, #tpu.memory_space<hbm>>) target_semaphore(%arg11 : memref<!tpu.dma_semaphore, #tpu.memory_space<semaphore_mem>>)
    %dma_wait3A_88 = arith.constant 0 : i32
    %dma_wait3A_89 = tpu.memref_slice %arg4[%add3A_12, %dma_wait3A_88] : memref<160000x128xf32, #tpu.memory_space<hbm>> -> memref<1000x64xf32, #tpu.memory_space<hbm>>
    %dma_wait3A_90 = arith.constant 0 : i32
    %dma_wait3A_91 = tpu.memref_slice %arg4[%add3A_12, %dma_wait3A_90] : memref<160000x128xf32, #tpu.memory_space<hbm>> -> memref<1000x64xf32, #tpu.memory_space<hbm>>
    tpu.wait_dma2 semaphore(%arg11 : memref<!tpu.dma_semaphore, #tpu.memory_space<semaphore_mem>>) src(%arg7 : memref<1000x64xf32, #tpu.memory_space<vmem>>) dst(%dma_wait3A_91 : memref<1000x64xf32, #tpu.memory_space<hbm>>)
    %add3A_92 = arith.constant 0 : i32
    %add3A_93 = arith.addi %add3A_92, %add3A_20 : i32
    "tpu.region"() ({
      %run_scoped3A = tpu.sem_alloc : memref<!tpu.dma_semaphore, #tpu.memory_space<semaphore_mem>>
      %dma_start3A_195 = tpu.memref_slice %arg3[%add3A_93] : memref<320000xi32, #tpu.memory_space<hbm>> -> memref<1000xi32, #tpu.memory_space<hbm>>
      %dma_start3A_196 = tpu.memref_slice %arg3[%add3A_93] : memref<320000xi32, #tpu.memory_space<hbm>> -> memref<1000xi32, #tpu.memory_space<hbm>>
      tpu.enqueue_dma source(%dma_start3A_196 : memref<1000xi32, #tpu.memory_space<hbm>>) target(%arg5 : memref<1000xi32, #tpu.memory_space<vmem>>) target_semaphore(%run_scoped3A : memref<!tpu.dma_semaphore, #tpu.memory_space<semaphore_mem>>)
      %dma_wait3A_197 = tpu.memref_slice %arg3[%add3A_93] : memref<320000xi32, #tpu.memory_space<hbm>> -> memref<1000xi32, #tpu.memory_space<hbm>>
      %dma_wait3A_198 = tpu.memref_slice %arg3[%add3A_93] : memref<320000xi32, #tpu.memory_space<hbm>> -> memref<1000xi32, #tpu.memory_space<hbm>>
      tpu.wait_dma2 semaphore(%run_scoped3A : memref<!tpu.dma_semaphore, #tpu.memory_space<semaphore_mem>>) src(%dma_wait3A_198 : memref<1000xi32, #tpu.memory_space<hbm>>) dst(%arg5 : memref<1000xi32, #tpu.memory_space<vmem>>)
      tpu.yield
    }) : () -> ()
    %dma_start3A_94 = arith.constant 0 : i32
    %dma_start3A_95 = arith.constant 0 : i32
    %dma_start3A_96 = tpu.memref_slice %arg2[%dma_start3A_94, %dma_start3A_95] : memref<10000x64xf32, #tpu.memory_space<hbm>> -> memref<10000x64xf32, #tpu.memory_space<hbm>>
    tpu.enqueue_indirect_dma source(%dma_start3A_96 : memref<10000x64xf32, #tpu.memory_space<hbm>>) target(%arg7 : memref<1000x64xf32, #tpu.memory_space<vmem>>) offsets(%arg5 : memref<1000xi32, #tpu.memory_space<vmem>>) semaphore(%arg9 : memref<!tpu.dma_semaphore, #tpu.memory_space<semaphore_mem>>)
    %dma_wait3A_97 = arith.constant 0 : i32
    %dma_wait3A_98 = arith.constant 0 : i32
    %dma_wait3A_99 = tpu.memref_slice %arg2[%dma_wait3A_97, %dma_wait3A_98] : memref<10000x64xf32, #tpu.memory_space<hbm>> -> memref<10000x64xf32, #tpu.memory_space<hbm>>
    tpu.wait_indirect_dma semaphore(%arg10 : memref<!tpu.dma_semaphore, #tpu.memory_space<semaphore_mem>>) src(%dma_wait3A_99 : memref<10000x64xf32, #tpu.memory_space<hbm>>) dst(%arg8 : memref<1000x64xf32, #tpu.memory_space<vmem>>)
    %dma_start3A_100 = arith.constant 64 : i32
    %dma_start3A_101 = tpu.memref_slice %arg4[%add3A_16, %dma_start3A_100] : memref<160000x128xf32, #tpu.memory_space<hbm>> -> memref<1000x64xf32, #tpu.memory_space<hbm>>
    %dma_start3A_102 = arith.constant 64 : i32
    %dma_start3A_103 = tpu.memref_slice %arg4[%add3A_16, %dma_start3A_102] : memref<160000x128xf32, #tpu.memory_space<hbm>> -> memref<1000x64xf32, #tpu.memory_space<hbm>>
    tpu.enqueue_dma source(%arg8 : memref<1000x64xf32, #tpu.memory_space<vmem>>) target(%dma_start3A_103 : memref<1000x64xf32, #tpu.memory_space<hbm>>) target_semaphore(%arg12 : memref<!tpu.dma_semaphore, #tpu.memory_space<semaphore_mem>>)
    %dma_wait3A_104 = arith.constant 64 : i32
    %dma_wait3A_105 = tpu.memref_slice %arg4[%add3A_16, %dma_wait3A_104] : memref<160000x128xf32, #tpu.memory_space<hbm>> -> memref<1000x64xf32, #tpu.memory_space<hbm>>
    %dma_wait3A_106 = arith.constant 64 : i32
    %dma_wait3A_107 = tpu.memref_slice %arg4[%add3A_16, %dma_wait3A_106] : memref<160000x128xf32, #tpu.memory_space<hbm>> -> memref<1000x64xf32, #tpu.memory_space<hbm>>
    tpu.wait_dma2 semaphore(%arg12 : memref<!tpu.dma_semaphore, #tpu.memory_space<semaphore_mem>>) src(%arg8 : memref<1000x64xf32, #tpu.memory_space<vmem>>) dst(%dma_wait3A_107 : memref<1000x64xf32, #tpu.memory_space<hbm>>)
    %add3A_108 = arith.constant 160000 : i32
    %add3A_109 = arith.addi %add3A_108, %add3A_24 : i32
    "tpu.region"() ({
      %run_scoped3A = tpu.sem_alloc : memref<!tpu.dma_semaphore, #tpu.memory_space<semaphore_mem>>
      %dma_start3A_195 = tpu.memref_slice %arg3[%add3A_109] : memref<320000xi32, #tpu.memory_space<hbm>> -> memref<1000xi32, #tpu.memory_space<hbm>>
      %dma_start3A_196 = tpu.memref_slice %arg3[%add3A_109] : memref<320000xi32, #tpu.memory_space<hbm>> -> memref<1000xi32, #tpu.memory_space<hbm>>
      tpu.enqueue_dma source(%dma_start3A_196 : memref<1000xi32, #tpu.memory_space<hbm>>) target(%arg6 : memref<1000xi32, #tpu.memory_space<vmem>>) target_semaphore(%run_scoped3A : memref<!tpu.dma_semaphore, #tpu.memory_space<semaphore_mem>>)
      %dma_wait3A_197 = tpu.memref_slice %arg3[%add3A_109] : memref<320000xi32, #tpu.memory_space<hbm>> -> memref<1000xi32, #tpu.memory_space<hbm>>
      %dma_wait3A_198 = tpu.memref_slice %arg3[%add3A_109] : memref<320000xi32, #tpu.memory_space<hbm>> -> memref<1000xi32, #tpu.memory_space<hbm>>
      tpu.wait_dma2 semaphore(%run_scoped3A : memref<!tpu.dma_semaphore, #tpu.memory_space<semaphore_mem>>) src(%dma_wait3A_198 : memref<1000xi32, #tpu.memory_space<hbm>>) dst(%arg6 : memref<1000xi32, #tpu.memory_space<vmem>>)
      tpu.yield
    }) : () -> ()
    %dma_start3A_110 = arith.constant 0 : i32
    %dma_start3A_111 = arith.constant 0 : i32
    %dma_start3A_112 = tpu.memref_slice %arg2[%dma_start3A_110, %dma_start3A_111] : memref<10000x64xf32, #tpu.memory_space<hbm>> -> memref<10000x64xf32, #tpu.memory_space<hbm>>
    tpu.enqueue_indirect_dma source(%dma_start3A_112 : memref<10000x64xf32, #tpu.memory_space<hbm>>) target(%arg8 : memref<1000x64xf32, #tpu.memory_space<vmem>>) offsets(%arg6 : memref<1000xi32, #tpu.memory_space<vmem>>) semaphore(%arg10 : memref<!tpu.dma_semaphore, #tpu.memory_space<semaphore_mem>>)
    %dma_wait3A_113 = arith.constant 0 : i32
    %dma_wait3A_114 = arith.constant 0 : i32
    %dma_wait3A_115 = tpu.memref_slice %arg2[%dma_wait3A_113, %dma_wait3A_114] : memref<10000x64xf32, #tpu.memory_space<hbm>> -> memref<10000x64xf32, #tpu.memory_space<hbm>>
    tpu.wait_indirect_dma semaphore(%arg9 : memref<!tpu.dma_semaphore, #tpu.memory_space<semaphore_mem>>) src(%dma_wait3A_115 : memref<10000x64xf32, #tpu.memory_space<hbm>>) dst(%arg7 : memref<1000x64xf32, #tpu.memory_space<vmem>>)
    %dma_start3A_116 = arith.constant 0 : i32
    %dma_start3A_117 = tpu.memref_slice %arg4[%add3A_20, %dma_start3A_116] : memref<160000x128xf32, #tpu.memory_space<hbm>> -> memref<1000x64xf32, #tpu.memory_space<hbm>>
    %dma_start3A_118 = arith.constant 0 : i32
    %dma_start3A_119 = tpu.memref_slice %arg4[%add3A_20, %dma_start3A_118] : memref<160000x128xf32, #tpu.memory_space<hbm>> -> memref<1000x64xf32, #tpu.memory_space<hbm>>
    tpu.enqueue_dma source(%arg7 : memref<1000x64xf32, #tpu.memory_space<vmem>>) target(%dma_start3A_119 : memref<1000x64xf32, #tpu.memory_space<hbm>>) target_semaphore(%arg11 : memref<!tpu.dma_semaphore, #tpu.memory_space<semaphore_mem>>)
    %dma_wait3A_120 = arith.constant 0 : i32
    %dma_wait3A_121 = tpu.memref_slice %arg4[%add3A_20, %dma_wait3A_120] : memref<160000x128xf32, #tpu.memory_space<hbm>> -> memref<1000x64xf32, #tpu.memory_space<hbm>>
    %dma_wait3A_122 = arith.constant 0 : i32
    %dma_wait3A_123 = tpu.memref_slice %arg4[%add3A_20, %dma_wait3A_122] : memref<160000x128xf32, #tpu.memory_space<hbm>> -> memref<1000x64xf32, #tpu.memory_space<hbm>>
    tpu.wait_dma2 semaphore(%arg11 : memref<!tpu.dma_semaphore, #tpu.memory_space<semaphore_mem>>) src(%arg7 : memref<1000x64xf32, #tpu.memory_space<vmem>>) dst(%dma_wait3A_123 : memref<1000x64xf32, #tpu.memory_space<hbm>>)
    %add3A_124 = arith.constant 0 : i32
    %add3A_125 = arith.addi %add3A_124, %add3A_28 : i32
    "tpu.region"() ({
      %run_scoped3A = tpu.sem_alloc : memref<!tpu.dma_semaphore, #tpu.memory_space<semaphore_mem>>
      %dma_start3A_195 = tpu.memref_slice %arg3[%add3A_125] : memref<320000xi32, #tpu.memory_space<hbm>> -> memref<1000xi32, #tpu.memory_space<hbm>>
      %dma_start3A_196 = tpu.memref_slice %arg3[%add3A_125] : memref<320000xi32, #tpu.memory_space<hbm>> -> memref<1000xi32, #tpu.memory_space<hbm>>
      tpu.enqueue_dma source(%dma_start3A_196 : memref<1000xi32, #tpu.memory_space<hbm>>) target(%arg5 : memref<1000xi32, #tpu.memory_space<vmem>>) target_semaphore(%run_scoped3A : memref<!tpu.dma_semaphore, #tpu.memory_space<semaphore_mem>>)
      %dma_wait3A_197 = tpu.memref_slice %arg3[%add3A_125] : memref<320000xi32, #tpu.memory_space<hbm>> -> memref<1000xi32, #tpu.memory_space<hbm>>
      %dma_wait3A_198 = tpu.memref_slice %arg3[%add3A_125] : memref<320000xi32, #tpu.memory_space<hbm>> -> memref<1000xi32, #tpu.memory_space<hbm>>
      tpu.wait_dma2 semaphore(%run_scoped3A : memref<!tpu.dma_semaphore, #tpu.memory_space<semaphore_mem>>) src(%dma_wait3A_198 : memref<1000xi32, #tpu.memory_space<hbm>>) dst(%arg5 : memref<1000xi32, #tpu.memory_space<vmem>>)
      tpu.yield
    }) : () -> ()
    %dma_start3A_126 = arith.constant 0 : i32
    %dma_start3A_127 = arith.constant 0 : i32
    %dma_start3A_128 = tpu.memref_slice %arg2[%dma_start3A_126, %dma_start3A_127] : memref<10000x64xf32, #tpu.memory_space<hbm>> -> memref<10000x64xf32, #tpu.memory_space<hbm>>
    tpu.enqueue_indirect_dma source(%dma_start3A_128 : memref<10000x64xf32, #tpu.memory_space<hbm>>) target(%arg7 : memref<1000x64xf32, #tpu.memory_space<vmem>>) offsets(%arg5 : memref<1000xi32, #tpu.memory_space<vmem>>) semaphore(%arg9 : memref<!tpu.dma_semaphore, #tpu.memory_space<semaphore_mem>>)
    %dma_wait3A_129 = arith.constant 0 : i32
    %dma_wait3A_130 = arith.constant 0 : i32
    %dma_wait3A_131 = tpu.memref_slice %arg2[%dma_wait3A_129, %dma_wait3A_130] : memref<10000x64xf32, #tpu.memory_space<hbm>> -> memref<10000x64xf32, #tpu.memory_space<hbm>>
    tpu.wait_indirect_dma semaphore(%arg10 : memref<!tpu.dma_semaphore, #tpu.memory_space<semaphore_mem>>) src(%dma_wait3A_131 : memref<10000x64xf32, #tpu.memory_space<hbm>>) dst(%arg8 : memref<1000x64xf32, #tpu.memory_space<vmem>>)
    %dma_start3A_132 = arith.constant 64 : i32
    %dma_start3A_133 = tpu.memref_slice %arg4[%add3A_24, %dma_start3A_132] : memref<160000x128xf32, #tpu.memory_space<hbm>> -> memref<1000x64xf32, #tpu.memory_space<hbm>>
    %dma_start3A_134 = arith.constant 64 : i32
    %dma_start3A_135 = tpu.memref_slice %arg4[%add3A_24, %dma_start3A_134] : memref<160000x128xf32, #tpu.memory_space<hbm>> -> memref<1000x64xf32, #tpu.memory_space<hbm>>
    tpu.enqueue_dma source(%arg8 : memref<1000x64xf32, #tpu.memory_space<vmem>>) target(%dma_start3A_135 : memref<1000x64xf32, #tpu.memory_space<hbm>>) target_semaphore(%arg12 : memref<!tpu.dma_semaphore, #tpu.memory_space<semaphore_mem>>)
    %dma_wait3A_136 = arith.constant 64 : i32
    %dma_wait3A_137 = tpu.memref_slice %arg4[%add3A_24, %dma_wait3A_136] : memref<160000x128xf32, #tpu.memory_space<hbm>> -> memref<1000x64xf32, #tpu.memory_space<hbm>>
    %dma_wait3A_138 = arith.constant 64 : i32
    %dma_wait3A_139 = tpu.memref_slice %arg4[%add3A_24, %dma_wait3A_138] : memref<160000x128xf32, #tpu.memory_space<hbm>> -> memref<1000x64xf32, #tpu.memory_space<hbm>>
    tpu.wait_dma2 semaphore(%arg12 : memref<!tpu.dma_semaphore, #tpu.memory_space<semaphore_mem>>) src(%arg8 : memref<1000x64xf32, #tpu.memory_space<vmem>>) dst(%dma_wait3A_139 : memref<1000x64xf32, #tpu.memory_space<hbm>>)
    %add3A_140 = arith.constant 160000 : i32
    %add3A_141 = arith.addi %add3A_140, %add3A_32 : i32
    "tpu.region"() ({
      %run_scoped3A = tpu.sem_alloc : memref<!tpu.dma_semaphore, #tpu.memory_space<semaphore_mem>>
      %dma_start3A_195 = tpu.memref_slice %arg3[%add3A_141] : memref<320000xi32, #tpu.memory_space<hbm>> -> memref<1000xi32, #tpu.memory_space<hbm>>
      %dma_start3A_196 = tpu.memref_slice %arg3[%add3A_141] : memref<320000xi32, #tpu.memory_space<hbm>> -> memref<1000xi32, #tpu.memory_space<hbm>>
      tpu.enqueue_dma source(%dma_start3A_196 : memref<1000xi32, #tpu.memory_space<hbm>>) target(%arg6 : memref<1000xi32, #tpu.memory_space<vmem>>) target_semaphore(%run_scoped3A : memref<!tpu.dma_semaphore, #tpu.memory_space<semaphore_mem>>)
      %dma_wait3A_197 = tpu.memref_slice %arg3[%add3A_141] : memref<320000xi32, #tpu.memory_space<hbm>> -> memref<1000xi32, #tpu.memory_space<hbm>>
      %dma_wait3A_198 = tpu.memref_slice %arg3[%add3A_141] : memref<320000xi32, #tpu.memory_space<hbm>> -> memref<1000xi32, #tpu.memory_space<hbm>>
      tpu.wait_dma2 semaphore(%run_scoped3A : memref<!tpu.dma_semaphore, #tpu.memory_space<semaphore_mem>>) src(%dma_wait3A_198 : memref<1000xi32, #tpu.memory_space<hbm>>) dst(%arg6 : memref<1000xi32, #tpu.memory_space<vmem>>)
      tpu.yield
    }) : () -> ()
    %dma_start3A_142 = arith.constant 0 : i32
    %dma_start3A_143 = arith.constant 0 : i32
    %dma_start3A_144 = tpu.memref_slice %arg2[%dma_start3A_142, %dma_start3A_143] : memref<10000x64xf32, #tpu.memory_space<hbm>> -> memref<10000x64xf32, #tpu.memory_space<hbm>>
    tpu.enqueue_indirect_dma source(%dma_start3A_144 : memref<10000x64xf32, #tpu.memory_space<hbm>>) target(%arg8 : memref<1000x64xf32, #tpu.memory_space<vmem>>) offsets(%arg6 : memref<1000xi32, #tpu.memory_space<vmem>>) semaphore(%arg10 : memref<!tpu.dma_semaphore, #tpu.memory_space<semaphore_mem>>)
    %dma_wait3A_145 = arith.constant 0 : i32
    %dma_wait3A_146 = arith.constant 0 : i32
    %dma_wait3A_147 = tpu.memref_slice %arg2[%dma_wait3A_145, %dma_wait3A_146] : memref<10000x64xf32, #tpu.memory_space<hbm>> -> memref<10000x64xf32, #tpu.memory_space<hbm>>
    tpu.wait_indirect_dma semaphore(%arg9 : memref<!tpu.dma_semaphore, #tpu.memory_space<semaphore_mem>>) src(%dma_wait3A_147 : memref<10000x64xf32, #tpu.memory_space<hbm>>) dst(%arg7 : memref<1000x64xf32, #tpu.memory_space<vmem>>)
    %dma_start3A_148 = arith.constant 0 : i32
    %dma_start3A_149 = tpu.memref_slice %arg4[%add3A_28, %dma_start3A_148] : memref<160000x128xf32, #tpu.memory_space<hbm>> -> memref<1000x64xf32, #tpu.memory_space<hbm>>
    %dma_start3A_150 = arith.constant 0 : i32
    %dma_start3A_151 = tpu.memref_slice %arg4[%add3A_28, %dma_start3A_150] : memref<160000x128xf32, #tpu.memory_space<hbm>> -> memref<1000x64xf32, #tpu.memory_space<hbm>>
    tpu.enqueue_dma source(%arg7 : memref<1000x64xf32, #tpu.memory_space<vmem>>) target(%dma_start3A_151 : memref<1000x64xf32, #tpu.memory_space<hbm>>) target_semaphore(%arg11 : memref<!tpu.dma_semaphore, #tpu.memory_space<semaphore_mem>>)
    %dma_wait3A_152 = arith.constant 0 : i32
    %dma_wait3A_153 = tpu.memref_slice %arg4[%add3A_28, %dma_wait3A_152] : memref<160000x128xf32, #tpu.memory_space<hbm>> -> memref<1000x64xf32, #tpu.memory_space<hbm>>
    %dma_wait3A_154 = arith.constant 0 : i32
    %dma_wait3A_155 = tpu.memref_slice %arg4[%add3A_28, %dma_wait3A_154] : memref<160000x128xf32, #tpu.memory_space<hbm>> -> memref<1000x64xf32, #tpu.memory_space<hbm>>
    tpu.wait_dma2 semaphore(%arg11 : memref<!tpu.dma_semaphore, #tpu.memory_space<semaphore_mem>>) src(%arg7 : memref<1000x64xf32, #tpu.memory_space<vmem>>) dst(%dma_wait3A_155 : memref<1000x64xf32, #tpu.memory_space<hbm>>)
    %add3A_156 = arith.constant 0 : i32
    %add3A_157 = arith.addi %add3A_156, %add3A_36 : i32
    "tpu.region"() ({
      %run_scoped3A = tpu.sem_alloc : memref<!tpu.dma_semaphore, #tpu.memory_space<semaphore_mem>>
      %dma_start3A_195 = tpu.memref_slice %arg3[%add3A_157] : memref<320000xi32, #tpu.memory_space<hbm>> -> memref<1000xi32, #tpu.memory_space<hbm>>
      %dma_start3A_196 = tpu.memref_slice %arg3[%add3A_157] : memref<320000xi32, #tpu.memory_space<hbm>> -> memref<1000xi32, #tpu.memory_space<hbm>>
      tpu.enqueue_dma source(%dma_start3A_196 : memref<1000xi32, #tpu.memory_space<hbm>>) target(%arg5 : memref<1000xi32, #tpu.memory_space<vmem>>) target_semaphore(%run_scoped3A : memref<!tpu.dma_semaphore, #tpu.memory_space<semaphore_mem>>)
      %dma_wait3A_197 = tpu.memref_slice %arg3[%add3A_157] : memref<320000xi32, #tpu.memory_space<hbm>> -> memref<1000xi32, #tpu.memory_space<hbm>>
      %dma_wait3A_198 = tpu.memref_slice %arg3[%add3A_157] : memref<320000xi32, #tpu.memory_space<hbm>> -> memref<1000xi32, #tpu.memory_space<hbm>>
      tpu.wait_dma2 semaphore(%run_scoped3A : memref<!tpu.dma_semaphore, #tpu.memory_space<semaphore_mem>>) src(%dma_wait3A_198 : memref<1000xi32, #tpu.memory_space<hbm>>) dst(%arg5 : memref<1000xi32, #tpu.memory_space<vmem>>)
      tpu.yield
    }) : () -> ()
    %dma_start3A_158 = arith.constant 0 : i32
    %dma_start3A_159 = arith.constant 0 : i32
    %dma_start3A_160 = tpu.memref_slice %arg2[%dma_start3A_158, %dma_start3A_159] : memref<10000x64xf32, #tpu.memory_space<hbm>> -> memref<10000x64xf32, #tpu.memory_space<hbm>>
    tpu.enqueue_indirect_dma source(%dma_start3A_160 : memref<10000x64xf32, #tpu.memory_space<hbm>>) target(%arg7 : memref<1000x64xf32, #tpu.memory_space<vmem>>) offsets(%arg5 : memref<1000xi32, #tpu.memory_space<vmem>>) semaphore(%arg9 : memref<!tpu.dma_semaphore, #tpu.memory_space<semaphore_mem>>)
    %dma_wait3A_161 = arith.constant 0 : i32
    %dma_wait3A_162 = arith.constant 0 : i32
    %dma_wait3A_163 = tpu.memref_slice %arg2[%dma_wait3A_161, %dma_wait3A_162] : memref<10000x64xf32, #tpu.memory_space<hbm>> -> memref<10000x64xf32, #tpu.memory_space<hbm>>
    tpu.wait_indirect_dma semaphore(%arg10 : memref<!tpu.dma_semaphore, #tpu.memory_space<semaphore_mem>>) src(%dma_wait3A_163 : memref<10000x64xf32, #tpu.memory_space<hbm>>) dst(%arg8 : memref<1000x64xf32, #tpu.memory_space<vmem>>)
    %dma_start3A_164 = arith.constant 64 : i32
    %dma_start3A_165 = tpu.memref_slice %arg4[%add3A_32, %dma_start3A_164] : memref<160000x128xf32, #tpu.memory_space<hbm>> -> memref<1000x64xf32, #tpu.memory_space<hbm>>
    %dma_start3A_166 = arith.constant 64 : i32
    %dma_start3A_167 = tpu.memref_slice %arg4[%add3A_32, %dma_start3A_166] : memref<160000x128xf32, #tpu.memory_space<hbm>> -> memref<1000x64xf32, #tpu.memory_space<hbm>>
    tpu.enqueue_dma source(%arg8 : memref<1000x64xf32, #tpu.memory_space<vmem>>) target(%dma_start3A_167 : memref<1000x64xf32, #tpu.memory_space<hbm>>) target_semaphore(%arg12 : memref<!tpu.dma_semaphore, #tpu.memory_space<semaphore_mem>>)
    %dma_wait3A_168 = arith.constant 64 : i32
    %dma_wait3A_169 = tpu.memref_slice %arg4[%add3A_32, %dma_wait3A_168] : memref<160000x128xf32, #tpu.memory_space<hbm>> -> memref<1000x64xf32, #tpu.memory_space<hbm>>
    %dma_wait3A_170 = arith.constant 64 : i32
    %dma_wait3A_171 = tpu.memref_slice %arg4[%add3A_32, %dma_wait3A_170] : memref<160000x128xf32, #tpu.memory_space<hbm>> -> memref<1000x64xf32, #tpu.memory_space<hbm>>
    tpu.wait_dma2 semaphore(%arg12 : memref<!tpu.dma_semaphore, #tpu.memory_space<semaphore_mem>>) src(%arg8 : memref<1000x64xf32, #tpu.memory_space<vmem>>) dst(%dma_wait3A_171 : memref<1000x64xf32, #tpu.memory_space<hbm>>)
    %add3A_172 = arith.constant 160000 : i32
    %add3A_173 = arith.addi %add3A_172, %add3A_40 : i32
    "tpu.region"() ({
      %run_scoped3A = tpu.sem_alloc : memref<!tpu.dma_semaphore, #tpu.memory_space<semaphore_mem>>
      %dma_start3A_195 = tpu.memref_slice %arg3[%add3A_173] : memref<320000xi32, #tpu.memory_space<hbm>> -> memref<1000xi32, #tpu.memory_space<hbm>>
      %dma_start3A_196 = tpu.memref_slice %arg3[%add3A_173] : memref<320000xi32, #tpu.memory_space<hbm>> -> memref<1000xi32, #tpu.memory_space<hbm>>
      tpu.enqueue_dma source(%dma_start3A_196 : memref<1000xi32, #tpu.memory_space<hbm>>) target(%arg6 : memref<1000xi32, #tpu.memory_space<vmem>>) target_semaphore(%run_scoped3A : memref<!tpu.dma_semaphore, #tpu.memory_space<semaphore_mem>>)
      %dma_wait3A_197 = tpu.memref_slice %arg3[%add3A_173] : memref<320000xi32, #tpu.memory_space<hbm>> -> memref<1000xi32, #tpu.memory_space<hbm>>
      %dma_wait3A_198 = tpu.memref_slice %arg3[%add3A_173] : memref<320000xi32, #tpu.memory_space<hbm>> -> memref<1000xi32, #tpu.memory_space<hbm>>
      tpu.wait_dma2 semaphore(%run_scoped3A : memref<!tpu.dma_semaphore, #tpu.memory_space<semaphore_mem>>) src(%dma_wait3A_198 : memref<1000xi32, #tpu.memory_space<hbm>>) dst(%arg6 : memref<1000xi32, #tpu.memory_space<vmem>>)
      tpu.yield
    }) : () -> ()
    %dma_start3A_174 = arith.constant 0 : i32
    %dma_start3A_175 = arith.constant 0 : i32
    %dma_start3A_176 = tpu.memref_slice %arg2[%dma_start3A_174, %dma_start3A_175] : memref<10000x64xf32, #tpu.memory_space<hbm>> -> memref<10000x64xf32, #tpu.memory_space<hbm>>
    tpu.enqueue_indirect_dma source(%dma_start3A_176 : memref<10000x64xf32, #tpu.memory_space<hbm>>) target(%arg8 : memref<1000x64xf32, #tpu.memory_space<vmem>>) offsets(%arg6 : memref<1000xi32, #tpu.memory_space<vmem>>) semaphore(%arg10 : memref<!tpu.dma_semaphore, #tpu.memory_space<semaphore_mem>>)
    %dma_wait3A_177 = arith.constant 0 : i32
    %dma_wait3A_178 = arith.constant 0 : i32
    %dma_wait3A_179 = tpu.memref_slice %arg2[%dma_wait3A_177, %dma_wait3A_178] : memref<10000x64xf32, #tpu.memory_space<hbm>> -> memref<10000x64xf32, #tpu.memory_space<hbm>>
    tpu.wait_indirect_dma semaphore(%arg9 : memref<!tpu.dma_semaphore, #tpu.memory_space<semaphore_mem>>) src(%dma_wait3A_179 : memref<10000x64xf32, #tpu.memory_space<hbm>>) dst(%arg7 : memref<1000x64xf32, #tpu.memory_space<vmem>>)
    %dma_start3A_180 = arith.constant 0 : i32
    %dma_start3A_181 = tpu.memref_slice %arg4[%add3A_36, %dma_start3A_180] : memref<160000x128xf32, #tpu.memory_space<hbm>> -> memref<1000x64xf32, #tpu.memory_space<hbm>>
    %dma_start3A_182 = arith.constant 0 : i32
    %dma_start3A_183 = tpu.memref_slice %arg4[%add3A_36, %dma_start3A_182] : memref<160000x128xf32, #tpu.memory_space<hbm>> -> memref<1000x64xf32, #tpu.memory_space<hbm>>
    tpu.enqueue_dma source(%arg7 : memref<1000x64xf32, #tpu.memory_space<vmem>>) target(%dma_start3A_183 : memref<1000x64xf32, #tpu.memory_space<hbm>>) target_semaphore(%arg11 : memref<!tpu.dma_semaphore, #tpu.memory_space<semaphore_mem>>)
    %dma_wait3A_184 = arith.constant 0 : i32
    %dma_wait3A_185 = arith.constant 0 : i32
    %dma_wait3A_186 = tpu.memref_slice %arg2[%dma_wait3A_184, %dma_wait3A_185] : memref<10000x64xf32, #tpu.memory_space<hbm>> -> memref<10000x64xf32, #tpu.memory_space<hbm>>
    tpu.wait_indirect_dma semaphore(%arg10 : memref<!tpu.dma_semaphore, #tpu.memory_space<semaphore_mem>>) src(%dma_wait3A_186 : memref<10000x64xf32, #tpu.memory_space<hbm>>) dst(%arg8 : memref<1000x64xf32, #tpu.memory_space<vmem>>)
    %dma_start3A_187 = arith.constant 64 : i32
    %dma_start3A_188 = tpu.memref_slice %arg4[%add3A_40, %dma_start3A_187] : memref<160000x128xf32, #tpu.memory_space<hbm>> -> memref<1000x64xf32, #tpu.memory_space<hbm>>
    %dma_start3A_189 = arith.constant 64 : i32
    %dma_start3A_190 = tpu.memref_slice %arg4[%add3A_40, %dma_start3A_189] : memref<160000x128xf32, #tpu.memory_space<hbm>> -> memref<1000x64xf32, #tpu.memory_space<hbm>>
    tpu.enqueue_dma source(%arg8 : memref<1000x64xf32, #tpu.memory_space<vmem>>) target(%dma_start3A_190 : memref<1000x64xf32, #tpu.memory_space<hbm>>) target_semaphore(%arg12 : memref<!tpu.dma_semaphore, #tpu.memory_space<semaphore_mem>>)
    %dma_wait3A_191 = arith.constant 64 : i32
    %dma_wait3A_192 = tpu.memref_slice %arg4[%add3A_40, %dma_wait3A_191] : memref<160000x128xf32, #tpu.memory_space<hbm>> -> memref<1000x64xf32, #tpu.memory_space<hbm>>
    %dma_wait3A_193 = arith.constant 64 : i32
    %dma_wait3A_194 = tpu.memref_slice %arg4[%add3A_40, %dma_wait3A_193] : memref<160000x128xf32, #tpu.memory_space<hbm>> -> memref<1000x64xf32, #tpu.memory_space<hbm>>
    tpu.wait_dma2 semaphore(%arg12 : memref<!tpu.dma_semaphore, #tpu.memory_space<semaphore_mem>>) src(%arg8 : memref<1000x64xf32, #tpu.memory_space<vmem>>) dst(%dma_wait3A_194 : memref<1000x64xf32, #tpu.memory_space<hbm>>)
    return
  }
}

module attributes {stable_mosaic.version = 14 : i64} {
  func.func @_p0_body(%arg0: i32, %arg1: memref<1000x128xf32, #tpu.memory_space<vmem>>, %arg2: memref<128x128xf32, #tpu.memory_space<vmem>>, %arg3: memref<1000x64xf32, #tpu.memory_space<vmem>>, %arg4: memref<1000x64xf32, #tpu.memory_space<vmem>>) attributes {dimension_semantics = [#tpu.dimension_semantics<arbitrary>], iteration_bounds = array<i64: 10>, scalar_prefetch = 0 : i64, scratch_operands = 0 : i64, tpu.core_type = #tpu.core_type<tc>, window_params = [{transform_indices = @transform_0, window_bounds = array<i64: 1000, 128>}, {pipeline_mode = #tpu.pipeline_mode<synchronous>, transform_indices = @transform_1, window_bounds = array<i64: 128, 128>}, {transform_indices = @transform_2, window_bounds = array<i64: 1000, 64>}, {transform_indices = @transform_3, window_bounds = array<i64: 1000, 64>}]} {
    %get3A = arith.constant 0 : index
    %get3A_0 = arith.constant 0 : index
    %get3A_1 = vector.load %arg1[%get3A, %get3A_0] : memref<1000x128xf32, #tpu.memory_space<vmem>>, vector<1000x128xf32>
    %get3A_2 = arith.constant 0 : index
    %get3A_3 = arith.constant 0 : index
    %get3A_4 = vector.load %arg2[%get3A_2, %get3A_3] : memref<128x128xf32, #tpu.memory_space<vmem>>, vector<128x128xf32>
    %dot_general3A = arith.constant dense<0.000000e+00> : vector<1000x128xf32>
    %dot_general3A_5 = tpu.matmul %get3A_1, %get3A_4, %dot_general3A {dimension_numbers = #tpu.dot_dimension_numbers<[1], [0], [0], [1], [0, 0, 1, 1], [], []>, transpose_lhs_hint = false} : vector<1000x128xf32>, vector<128x128xf32>, vector<1000x128xf32> -> vector<1000x128xf32>
    %slice3A = vector.extract_strided_slice %dot_general3A_5 {offsets = [0, 0], sizes = [1000, 64], strides = [1, 1]} : vector<1000x128xf32> to vector<1000x64xf32>
    %swap3A = arith.constant 0 : index
    %swap3A_6 = arith.constant 0 : index
    %swap3A_7 = vector.load %arg3[%swap3A, %swap3A_6] : memref<1000x64xf32, #tpu.memory_space<vmem>>, vector<1000x64xf32>
    tpu.vector_store %arg3[%swap3A, %swap3A_6], %slice3A {strides = array<i32>} : memref<1000x64xf32, #tpu.memory_space<vmem>>, vector<1000x64xf32>,
    %slice3A_8 = vector.extract_strided_slice %dot_general3A_5 {offsets = [0, 64], sizes = [1000, 64], strides = [1, 1]} : vector<1000x128xf32> to vector<1000x64xf32>
    %swap3A_9 = arith.constant 0 : index
    %swap3A_10 = arith.constant 0 : index
    %swap3A_11 = vector.load %arg4[%swap3A_9, %swap3A_10] : memref<1000x64xf32, #tpu.memory_space<vmem>>, vector<1000x64xf32>
    tpu.vector_store %arg4[%swap3A_9, %swap3A_10], %slice3A_8 {strides = array<i32>} : memref<1000x64xf32, #tpu.memory_space<vmem>>, vector<1000x64xf32>,
    return
  }
  func.func @transform_0(%arg0: i32) -> (i32, i32) {
    %c0_i32 = arith.constant 0 : i32
    %c0_i32_0 = arith.constant 0 : i32
    return %arg0, %c0_i32 : i32, i32
  }
  func.func @transform_1(%arg0: i32) -> (i32, i32) {
    %c0_i32 = arith.constant 0 : i32
    %c0_i32_0 = arith.constant 0 : i32
    %c0_i32_1 = arith.constant 0 : i32
    return %c0_i32, %c0_i32_0 : i32, i32
  }
  func.func @transform_2(%arg0: i32) -> (i32, i32) {
    %c0_i32 = arith.constant 0 : i32
    %c0_i32_0 = arith.constant 0 : i32
    return %arg0, %c0_i32 : i32, i32
  }
  func.func @transform_3(%arg0: i32) -> (i32, i32) {
    %c0_i32 = arith.constant 0 : i32
    %c0_i32_0 = arith.constant 0 : i32
    return %arg0, %c0_i32 : i32, i32
  }
}

module attributes {stable_mosaic.version = 14 : i64} {
  func.func @_p2_body(%arg0: i32, %arg1: memref<6400x128xf32, #tpu.memory_space<vmem>>, %arg2: memref<40x6400xf32, #tpu.memory_space<vmem>>, %arg3: memref<40x128xf32, #tpu.memory_space<vmem>>, %arg4: memref<40x128xf32, #tpu.memory_space<vmem>>, %arg5: memref<128x128xf32, #tpu.memory_space<vmem>>, %arg6: memref<8x128xf32, #tpu.memory_space<vmem>>, %arg7: memref<6400x128xf32, #tpu.memory_space<vmem>>, %arg8: memref<6400x128xf32, #tpu.memory_space<vmem>>) attributes {dimension_semantics = [#tpu.dimension_semantics<arbitrary>], iteration_bounds = array<i64: 25>, scalar_prefetch = 0 : i64, scratch_operands = 0 : i64, tpu.core_type = #tpu.core_type<tc>, window_params = [{transform_indices = @transform_0, window_bounds = array<i64: 6400, 128>}, {transform_indices = @transform_1, window_bounds = array<i64: 40, 6400>}, {pipeline_mode = #tpu.pipeline_mode<synchronous>, transform_indices = @transform_2, window_bounds = array<i64: 40, 128>}, {pipeline_mode = #tpu.pipeline_mode<synchronous>, transform_indices = @transform_3, window_bounds = array<i64: 40, 128>}, {pipeline_mode = #tpu.pipeline_mode<synchronous>, transform_indices = @transform_4, window_bounds = array<i64: 128, 128>}, {pipeline_mode = #tpu.pipeline_mode<synchronous>, transform_indices = @transform_5, window_bounds = array<i64: 8, 128>}, {transform_indices = @transform_6, window_bounds = array<i64: 6400, 128>}, {transform_indices = @transform_7, window_bounds = array<i64: 6400, 128>}]} {
    %get3A = arith.constant 0 : index
    %get3A_0 = arith.constant 0 : index
    %get3A_1 = vector.load %arg2[%get3A, %get3A_0] : memref<40x6400xf32, #tpu.memory_space<vmem>>, vector<40x6400xf32>
    %get3A_2 = arith.constant 0 : index
    %get3A_3 = arith.constant 0 : index
    %get3A_4 = vector.load %arg3[%get3A_2, %get3A_3] : memref<40x128xf32, #tpu.memory_space<vmem>>, vector<40x128xf32>
    %dot_general3A = arith.constant dense<0.000000e+00> : vector<6400x128xf32>
    %dot_general3A_5 = tpu.matmul %get3A_1, %get3A_4, %dot_general3A {dimension_numbers = #tpu.dot_dimension_numbers<[0], [0], [1], [1], [0, 1, 1, 1], [], []>, transpose_lhs_hint = false} : vector<40x6400xf32>, vector<40x128xf32>, vector<6400x128xf32> -> vector<6400x128xf32>
    %get3A_6 = arith.constant 0 : index
    %get3A_7 = arith.constant 0 : index
    %get3A_8 = vector.load %arg4[%get3A_6, %get3A_7] : memref<40x128xf32, #tpu.memory_space<vmem>>, vector<40x128xf32>
    %dot_general3A_9 = arith.constant dense<0.000000e+00> : vector<6400x128xf32>
    %dot_general3A_10 = tpu.matmul %get3A_1, %get3A_8, %dot_general3A_9 {dimension_numbers = #tpu.dot_dimension_numbers<[0], [0], [1], [1], [0, 1, 1, 1], [], []>, transpose_lhs_hint = false} : vector<40x6400xf32>, vector<40x128xf32>, vector<6400x128xf32> -> vector<6400x128xf32>
    %get3A_11 = arith.constant 0 : index
    %get3A_12 = arith.constant 0 : index
    %get3A_13 = vector.load %arg1[%get3A_11, %get3A_12] : memref<6400x128xf32, #tpu.memory_space<vmem>>, vector<6400x128xf32>
    %add3A = arith.addf %get3A_13, %dot_general3A_5 : vector<6400x128xf32>
    %get3A_14 = arith.constant 0 : index
    %get3A_15 = arith.constant 0 : index
    %get3A_16 = vector.load %arg6[%get3A_14, %get3A_15] : memref<8x128xf32, #tpu.memory_space<vmem>>, vector<1x128xf32>
    %add3A_17 = vector.broadcast %get3A_16 : vector<1x128xf32> to vector<6400x128xf32>
    %add3A_18 = arith.addf %add3A, %add3A_17 : vector<6400x128xf32>
    %get3A_19 = arith.constant 0 : index
    %get3A_20 = arith.constant 0 : index
    %get3A_21 = vector.load %arg5[%get3A_19, %get3A_20] : memref<128x128xf32, #tpu.memory_space<vmem>>, vector<128x128xf32>
    %get3A_22 = vector.shape_cast %get3A_21 : vector<128x128xf32> to vector<128x128xf32>
    %dot_general3A_23 = arith.constant dense<0.000000e+00> : vector<6400x128xf32>
    %dot_general3A_24 = tpu.matmul %add3A_18, %get3A_22, %dot_general3A_23 {dimension_numbers = #tpu.dot_dimension_numbers<[1], [0], [0], [1], [0, 0, 1, 1], [], []>, transpose_lhs_hint = false} : vector<6400x128xf32>, vector<128x128xf32>, vector<6400x128xf32> -> vector<6400x128xf32>
    %sub3A = arith.subf %add3A_18, %dot_general3A_24 : vector<6400x128xf32>
    %mul3A = arith.mulf %sub3A, %sub3A : vector<6400x128xf32>
    %dot_general3A_25 = arith.constant dense<0.000000e+00> : vector<6400x128xf32>
    %dot_general3A_26 = tpu.matmul %mul3A, %get3A_22, %dot_general3A_25 {dimension_numbers = #tpu.dot_dimension_numbers<[1], [0], [0], [1], [0, 0, 1, 1], [], []>, transpose_lhs_hint = false} : vector<6400x128xf32>, vector<128x128xf32>, vector<6400x128xf32> -> vector<6400x128xf32>
    %add3A_27 = arith.constant 9.99999974E-6 : f32
    %add3A_28 = vector.broadcast %add3A_27 : f32 to vector<6400x128xf32>
    %add3A_29 = arith.addf %dot_general3A_26, %add3A_28 : vector<6400x128xf32>
    %rsqrt3A = math.rsqrt %add3A_29 : vector<6400x128xf32>
    %mul3A_30 = arith.mulf %sub3A, %rsqrt3A : vector<6400x128xf32>
    %get3A_31 = arith.constant 1 : index
    %get3A_32 = arith.constant 0 : index
    %get3A_33 = vector.load %arg6[%get3A_31, %get3A_32] : memref<8x128xf32, #tpu.memory_space<vmem>>, vector<1x128xf32>
    %mul3A_34 = vector.broadcast %get3A_33 : vector<1x128xf32> to vector<6400x128xf32>
    %mul3A_35 = arith.mulf %mul3A_30, %mul3A_34 : vector<6400x128xf32>
    %get3A_36 = arith.constant 2 : index
    %get3A_37 = arith.constant 0 : index
    %get3A_38 = vector.load %arg6[%get3A_36, %get3A_37] : memref<8x128xf32, #tpu.memory_space<vmem>>, vector<1x128xf32>
    %add3A_39 = vector.broadcast %get3A_38 : vector<1x128xf32> to vector<6400x128xf32>
    %add3A_40 = arith.addf %mul3A_35, %add3A_39 : vector<6400x128xf32>
    %max3A = arith.constant 0.000000e+00 : f32
    %max3A_41 = vector.broadcast %max3A : f32 to vector<6400x128xf32>
    %max3A_42 = arith.maximumf %add3A_40, %max3A_41 : vector<6400x128xf32>
    %mul3A_43 = arith.mulf %max3A_42, %dot_general3A_10 : vector<6400x128xf32>
    %iota3A = tpu.iota {dimensions = array<i32: 1>} : vector<1x128xi32>
    %jit3A = arith.constant 64 : i32
    %eq3A = arith.constant 0 : i32
    %eq3A_44 = arith.cmpi eq, %jit3A, %eq3A : i32
    %jit3A_45 = arith.constant 1 : i32
    %select_n3A = arith.select %eq3A_44, %jit3A_45, %jit3A : i32
    %rem3A = vector.broadcast %select_n3A : i32 to vector<1x128xi32>
    %rem3A_46 = arith.remsi %iota3A, %rem3A : vector<1x128xi32>
    %ne3A = arith.constant 0 : i32
    %ne3A_47 = vector.broadcast %ne3A : i32 to vector<1x128xi32>
    %ne3A_48 = arith.cmpi ne, %rem3A_46, %ne3A_47 : vector<1x128xi32>
    %lt3A = arith.constant 0 : i32
    %lt3A_49 = vector.broadcast %lt3A : i32 to vector<1x128xi32>
    %lt3A_50 = arith.cmpi slt, %rem3A_46, %lt3A_49 : vector<1x128xi32>
    %lt3A_51 = arith.constant 0 : i32
    %lt3A_52 = arith.cmpi slt, %select_n3A, %lt3A_51 : i32
    %ne3A_53 = vector.broadcast %lt3A_52 : i1 to vector<1x128xi1>
    %ne3A_54 = vector.broadcast %ne3A_53 : vector<1x128xi1> to vector<1x128xi1>
    %ne3A_55 = arith.xori %lt3A_50, %ne3A_54 : vector<1x128xi1>
    %and3A = arith.andi %ne3A_55, %ne3A_48 : vector<1x128xi1>
    %add3A_56 = vector.broadcast %select_n3A : i32 to vector<1x128xi32>
    %add3A_57 = arith.addi %rem3A_46, %add3A_56 : vector<1x128xi32>
    %select_n3A_58 = arith.select %and3A, %add3A_57, %rem3A_46 : vector<1x128xi1>, vector<1x128xi32>
    %eq3A_59 = arith.constant 0 : i32
    %eq3A_60 = vector.broadcast %eq3A_59 : i32 to vector<1x128xi32>
    %eq3A_61 = arith.cmpi eq, %select_n3A_58, %eq3A_60 : vector<1x128xi32>
    %jit3A_62 = arith.constant 0.000000e+00 : f32
    %broadcast_in_dim3A = vector.shape_cast %eq3A_61 : vector<1x128xi1> to vector<1x128xi1>
    %broadcast_in_dim3A_63 = vector.broadcast %broadcast_in_dim3A : vector<1x128xi1> to vector<6400x128xi1>
    %broadcast_in_dim3A_64 = vector.broadcast %jit3A_62 : f32 to vector<6400x128xf32>
    %select_n3A_65 = arith.select %broadcast_in_dim3A_63, %dot_general3A_10, %broadcast_in_dim3A_64 : vector<6400x128xi1>, vector<6400x128xf32>
    %eq3A_66 = arith.constant 1 : i32
    %eq3A_67 = vector.broadcast %eq3A_66 : i32 to vector<1x128xi32>
    %eq3A_68 = arith.cmpi eq, %select_n3A_58, %eq3A_67 : vector<1x128xi32>
    %jit3A_69 = arith.constant 1.000000e+00 : f32
    %jit3A_70 = arith.constant 0.000000e+00 : f32
    %broadcast_in_dim3A_71 = vector.broadcast %jit3A_69 : f32 to vector<1x128xf32>
    %broadcast_in_dim3A_72 = vector.broadcast %jit3A_70 : f32 to vector<1x128xf32>
    %select_n3A_73 = arith.select %eq3A_68, %broadcast_in_dim3A_71, %broadcast_in_dim3A_72 : vector<1x128xi1>, vector<1x128xf32>
    %add3A_74 = vector.broadcast %select_n3A_73 : vector<1x128xf32> to vector<6400x128xf32>
    %add3A_75 = arith.addf %select_n3A_65, %add3A_74 : vector<6400x128xf32>
    %slice3A = vector.extract_strided_slice %mul3A_43 {offsets = [0, 0], sizes = [6400, 64], strides = [1, 1]} : vector<6400x128xf32> to vector<6400x64xf32>
    %slice3A_76 = vector.extract_strided_slice %add3A_75 {offsets = [0, 0], sizes = [6400, 64], strides = [1, 1]} : vector<6400x128xf32> to vector<6400x64xf32>
    %concatenate3A = tpu.concatenate %slice3A, %slice3A_76 in 1 : vector<6400x64xf32>, vector<6400x64xf32> -> vector<6400x128xf32>
    %swap3A = arith.constant 0 : index
    %swap3A_77 = arith.constant 0 : index
    %swap3A_78 = vector.load %arg7[%swap3A, %swap3A_77] : memref<6400x128xf32, #tpu.memory_space<vmem>>, vector<6400x128xf32>
    tpu.vector_store %arg7[%swap3A, %swap3A_77], %concatenate3A {strides = array<i32>} : memref<6400x128xf32, #tpu.memory_space<vmem>>, vector<6400x128xf32>,
    %slice3A_79 = vector.extract_strided_slice %mul3A_43 {offsets = [0, 64], sizes = [6400, 64], strides = [1, 1]} : vector<6400x128xf32> to vector<6400x64xf32>
    %slice3A_80 = vector.extract_strided_slice %add3A_75 {offsets = [0, 64], sizes = [6400, 64], strides = [1, 1]} : vector<6400x128xf32> to vector<6400x64xf32>
    %concatenate3A_81 = tpu.concatenate %slice3A_79, %slice3A_80 in 1 : vector<6400x64xf32>, vector<6400x64xf32> -> vector<6400x128xf32>
    %swap3A_82 = arith.constant 0 : index
    %swap3A_83 = arith.constant 0 : index
    %swap3A_84 = vector.load %arg8[%swap3A_82, %swap3A_83] : memref<6400x128xf32, #tpu.memory_space<vmem>>, vector<6400x128xf32>
    tpu.vector_store %arg8[%swap3A_82, %swap3A_83], %concatenate3A_81 {strides = array<i32>} : memref<6400x128xf32, #tpu.memory_space<vmem>>, vector<6400x128xf32>,
    return
  }
  func.func @transform_0(%arg0: i32) -> (i32, i32) {
    %c0_i32 = arith.constant 0 : i32
    %c0_i32_0 = arith.constant 0 : i32
    return %arg0, %c0_i32 : i32, i32
  }
  func.func @transform_1(%arg0: i32) -> (i32, i32) {
    %c0_i32 = arith.constant 0 : i32
    %c0_i32_0 = arith.constant 0 : i32
    return %c0_i32, %arg0 : i32, i32
  }
  func.func @transform_2(%arg0: i32) -> (i32, i32) {
    %c0_i32 = arith.constant 0 : i32
    %c0_i32_0 = arith.constant 0 : i32
    %c0_i32_1 = arith.constant 0 : i32
    return %c0_i32, %c0_i32_0 : i32, i32
  }
  func.func @transform_3(%arg0: i32) -> (i32, i32) {
    %c0_i32 = arith.constant 0 : i32
    %c0_i32_0 = arith.constant 0 : i32
    %c0_i32_1 = arith.constant 0 : i32
    return %c0_i32, %c0_i32_0 : i32, i32
  }
  func.func @transform_4(%arg0: i32) -> (i32, i32) {
    %c0_i32 = arith.constant 0 : i32
    %c0_i32_0 = arith.constant 0 : i32
    %c0_i32_1 = arith.constant 0 : i32
    return %c0_i32, %c0_i32_0 : i32, i32
  }
  func.func @transform_5(%arg0: i32) -> (i32, i32) {
    %c0_i32 = arith.constant 0 : i32
    %c0_i32_0 = arith.constant 0 : i32
    %c0_i32_1 = arith.constant 0 : i32
    return %c0_i32, %c0_i32_0 : i32, i32
  }
  func.func @transform_6(%arg0: i32) -> (i32, i32) {
    %c0_i32 = arith.constant 0 : i32
    %c0_i32_0 = arith.constant 0 : i32
    return %arg0, %c0_i32 : i32, i32
  }
  func.func @transform_7(%arg0: i32) -> (i32, i32) {
    %c0_i32 = arith.constant 0 : i32
    %c0_i32_0 = arith.constant 0 : i32
    return %arg0, %c0_i32 : i32, i32
  }
}

module attributes {stable_mosaic.version = 14 : i64} {
  func.func @_p4_body(%arg0: i32, %arg1: memref<2x1000x64xf32, #tpu.memory_space<vmem>>, %arg2: memref<2x1000x16xf32, #tpu.memory_space<vmem>>, %arg3: memref<1000x64xf32, #tpu.memory_space<vmem>>, %arg4: memref<1000x16xf32, #tpu.memory_space<vmem>>, %arg5: memref<16x64xf32, #tpu.memory_space<vmem>>, %arg6: memref<64x64xf32, #tpu.memory_space<vmem>>, %arg7: memref<8x64xf32, #tpu.memory_space<vmem>>, %arg8: memref<64x384xf32, #tpu.memory_space<vmem>>, %arg9: memref<8x384xf32, #tpu.memory_space<vmem>>, %arg10: memref<1000x384xf32, #tpu.memory_space<vmem>>) attributes {dimension_semantics = [#tpu.dimension_semantics<arbitrary>], iteration_bounds = array<i64: 10>, scalar_prefetch = 0 : i64, scratch_operands = 0 : i64, tpu.core_type = #tpu.core_type<tc>, window_params = [{transform_indices = @transform_0, window_bounds = array<i64: 2, 1000, 64>}, {transform_indices = @transform_1, window_bounds = array<i64: 2, 1000, 16>}, {transform_indices = @transform_2, window_bounds = array<i64: 1000, 64>}, {transform_indices = @transform_3, window_bounds = array<i64: 1000, 16>}, {pipeline_mode = #tpu.pipeline_mode<synchronous>, transform_indices = @transform_4, window_bounds = array<i64: 16, 64>}, {pipeline_mode = #tpu.pipeline_mode<synchronous>, transform_indices = @transform_5, window_bounds = array<i64: 64, 64>}, {pipeline_mode = #tpu.pipeline_mode<synchronous>, transform_indices = @transform_6, window_bounds = array<i64: 8, 64>}, {pipeline_mode = #tpu.pipeline_mode<synchronous>, transform_indices = @transform_7, window_bounds = array<i64: 64, 384>}, {pipeline_mode = #tpu.pipeline_mode<synchronous>, transform_indices = @transform_8, window_bounds = array<i64: 8, 384>}, {transform_indices = @transform_9, window_bounds = array<i64: 1000, 384>}]} {
    %get3A = arith.constant 0 : index
    %get3A_0 = arith.constant 0 : index
    %get3A_1 = arith.constant 0 : index
    %get3A_2 = vector.load %arg1[%get3A, %get3A_0, %get3A_1] : memref<2x1000x64xf32, #tpu.memory_space<vmem>>, vector<1x1000x64xf32>
    %get3A_3 = vector.shape_cast %get3A_2 : vector<1x1000x64xf32> to vector<1000x64xf32>
    %get3A_4 = arith.constant 1 : index
    %get3A_5 = arith.constant 0 : index
    %get3A_6 = arith.constant 0 : index
    %get3A_7 = vector.load %arg1[%get3A_4, %get3A_5, %get3A_6] : memref<2x1000x64xf32, #tpu.memory_space<vmem>>, vector<1x1000x64xf32>
    %get3A_8 = vector.shape_cast %get3A_7 : vector<1x1000x64xf32> to vector<1000x64xf32>
    %add3A = arith.addf %get3A_3, %get3A_8 : vector<1000x64xf32>
    %get3A_9 = arith.constant 0 : index
    %get3A_10 = arith.constant 0 : index
    %get3A_11 = arith.constant 0 : index
    %get3A_12 = vector.load %arg2[%get3A_9, %get3A_10, %get3A_11] : memref<2x1000x16xf32, #tpu.memory_space<vmem>>, vector<1x1000x16xf32>
    %get3A_13 = vector.shape_cast %get3A_12 : vector<1x1000x16xf32> to vector<1000x16xf32>
    %get3A_14 = arith.constant 1 : index
    %get3A_15 = arith.constant 0 : index
    %get3A_16 = arith.constant 0 : index
    %get3A_17 = vector.load %arg2[%get3A_14, %get3A_15, %get3A_16] : memref<2x1000x16xf32, #tpu.memory_space<vmem>>, vector<1x1000x16xf32>
    %get3A_18 = vector.shape_cast %get3A_17 : vector<1x1000x16xf32> to vector<1000x16xf32>
    %add3A_19 = arith.addf %get3A_13, %get3A_18 : vector<1000x16xf32>
    %slice3A = vector.extract_strided_slice %add3A_19 {offsets = [0, 0], sizes = [1000, 1], strides = [1, 1]} : vector<1000x16xf32> to vector<1000x1xf32>
    %slice3A_20 = vector.extract_strided_slice %add3A_19 {offsets = [0, 1], sizes = [1000, 1], strides = [1, 1]} : vector<1000x16xf32> to vector<1000x1xf32>
    %get3A_21 = arith.constant 0 : index
    %get3A_22 = arith.constant 0 : index
    %get3A_23 = vector.load %arg6[%get3A_21, %get3A_22] : memref<64x64xf32, #tpu.memory_space<vmem>>, vector<64x64xf32>
    %dot_general3A = arith.constant dense<0.000000e+00> : vector<1000x64xf32>
    %dot_general3A_24 = tpu.matmul %add3A, %get3A_23, %dot_general3A {dimension_numbers = #tpu.dot_dimension_numbers<[1], [0], [0], [1], [0, 0, 1, 1], [], []>, transpose_lhs_hint = false} : vector<1000x64xf32>, vector<64x64xf32>, vector<1000x64xf32> -> vector<1000x64xf32>
    %get3A_25 = arith.constant 0 : index
    %get3A_26 = arith.constant 0 : index
    %get3A_27 = vector.load %arg7[%get3A_25, %get3A_26] : memref<8x64xf32, #tpu.memory_space<vmem>>, vector<1x64xf32>
    %mul3A = vector.broadcast %slice3A : vector<1000x1xf32> to vector<1000x64xf32>
    %mul3A_28 = vector.broadcast %get3A_27 : vector<1x64xf32> to vector<1000x64xf32>
    %mul3A_29 = arith.mulf %mul3A, %mul3A_28 : vector<1000x64xf32>
    %add3A_30 = arith.addf %dot_general3A_24, %mul3A_29 : vector<1000x64xf32>
    %max3A = arith.constant 1.000000e+00 : f32
    %max3A_31 = vector.broadcast %max3A : f32 to vector<1000x1xf32>
    %max3A_32 = arith.maximumf %slice3A_20, %max3A_31 : vector<1000x1xf32>
    %div3A = vector.broadcast %max3A_32 : vector<1000x1xf32> to vector<1000x64xf32>
    %div3A_33 = arith.divf %add3A_30, %div3A : vector<1000x64xf32>
    %get3A_34 = arith.constant 0 : index
    %get3A_35 = arith.constant 0 : index
    %get3A_36 = vector.load %arg3[%get3A_34, %get3A_35] : memref<1000x64xf32, #tpu.memory_space<vmem>>, vector<1000x64xf32>
    %add3A_37 = arith.addf %get3A_36, %div3A_33 : vector<1000x64xf32>
    %get3A_38 = arith.constant 0 : index
    %get3A_39 = arith.constant 0 : index
    %get3A_40 = vector.load %arg4[%get3A_38, %get3A_39] : memref<1000x16xf32, #tpu.memory_space<vmem>>, vector<1000x16xf32>
    %get3A_41 = arith.constant 0 : index
    %get3A_42 = arith.constant 0 : index
    %get3A_43 = vector.load %arg5[%get3A_41, %get3A_42] : memref<16x64xf32, #tpu.memory_space<vmem>>, vector<16x64xf32>
    %dot_general3A_44 = arith.constant dense<0.000000e+00> : vector<1000x64xf32>
    %dot_general3A_45 = tpu.matmul %get3A_40, %get3A_43, %dot_general3A_44 {dimension_numbers = #tpu.dot_dimension_numbers<[1], [0], [0], [1], [0, 0, 1, 1], [], []>, transpose_lhs_hint = false} : vector<1000x16xf32>, vector<16x64xf32>, vector<1000x64xf32> -> vector<1000x64xf32>
    %add3A_46 = arith.addf %add3A_37, %dot_general3A_45 : vector<1000x64xf32>
    %get3A_47 = arith.constant 1 : index
    %get3A_48 = arith.constant 0 : index
    %get3A_49 = vector.load %arg7[%get3A_47, %get3A_48] : memref<8x64xf32, #tpu.memory_space<vmem>>, vector<1x64xf32>
    %add3A_50 = vector.broadcast %get3A_49 : vector<1x64xf32> to vector<1000x64xf32>
    %add3A_51 = arith.addf %add3A_46, %add3A_50 : vector<1000x64xf32>
    %reduce_sum3A = arith.constant dense<0.000000e+00> : vector<1000xf32>
    %reduce_sum3A_52 = vector.multi_reduction <add>, %add3A_51, %reduce_sum3A [1] : vector<1000x64xf32> to vector<1000xf32>
    %broadcast_in_dim3A = vector.shape_cast %reduce_sum3A_52 : vector<1000xf32> to vector<1000x1xf32>
    %div3A_53 = arith.constant 6.400000e+01 : f32
    %div3A_54 = vector.broadcast %div3A_53 : f32 to vector<1000x1xf32>
    %div3A_55 = arith.divf %broadcast_in_dim3A, %div3A_54 : vector<1000x1xf32>
    %sub3A = vector.broadcast %div3A_55 : vector<1000x1xf32> to vector<1000x64xf32>
    %sub3A_56 = arith.subf %add3A_51, %sub3A : vector<1000x64xf32>
    %integer_pow3A = arith.mulf %sub3A_56, %sub3A_56 : vector<1000x64xf32>
    %reduce_sum3A_57 = arith.constant dense<0.000000e+00> : vector<1000xf32>
    %reduce_sum3A_58 = vector.multi_reduction <add>, %integer_pow3A, %reduce_sum3A_57 [1] : vector<1000x64xf32> to vector<1000xf32>
    %broadcast_in_dim3A_59 = vector.shape_cast %reduce_sum3A_58 : vector<1000xf32> to vector<1000x1xf32>
    %div3A_60 = arith.constant 6.400000e+01 : f32
    %div3A_61 = vector.broadcast %div3A_60 : f32 to vector<1000x1xf32>
    %div3A_62 = arith.divf %broadcast_in_dim3A_59, %div3A_61 : vector<1000x1xf32>
    %sub3A_63 = vector.broadcast %div3A_55 : vector<1000x1xf32> to vector<1000x64xf32>
    %sub3A_64 = arith.subf %add3A_51, %sub3A_63 : vector<1000x64xf32>
    %add3A_65 = arith.constant 9.99999974E-6 : f32
    %add3A_66 = vector.broadcast %add3A_65 : f32 to vector<1000x1xf32>
    %add3A_67 = arith.addf %div3A_62, %add3A_66 : vector<1000x1xf32>
    %rsqrt3A = math.rsqrt %add3A_67 : vector<1000x1xf32>
    %mul3A_68 = vector.broadcast %rsqrt3A : vector<1000x1xf32> to vector<1000x64xf32>
    %mul3A_69 = arith.mulf %sub3A_64, %mul3A_68 : vector<1000x64xf32>
    %get3A_70 = arith.constant 2 : index
    %get3A_71 = arith.constant 0 : index
    %get3A_72 = vector.load %arg7[%get3A_70, %get3A_71] : memref<8x64xf32, #tpu.memory_space<vmem>>, vector<1x64xf32>
    %mul3A_73 = vector.broadcast %get3A_72 : vector<1x64xf32> to vector<1000x64xf32>
    %mul3A_74 = arith.mulf %mul3A_69, %mul3A_73 : vector<1000x64xf32>
    %get3A_75 = arith.constant 3 : index
    %get3A_76 = arith.constant 0 : index
    %get3A_77 = vector.load %arg7[%get3A_75, %get3A_76] : memref<8x64xf32, #tpu.memory_space<vmem>>, vector<1x64xf32>
    %add3A_78 = vector.broadcast %get3A_77 : vector<1x64xf32> to vector<1000x64xf32>
    %add3A_79 = arith.addf %mul3A_74, %add3A_78 : vector<1000x64xf32>
    %max3A_80 = arith.constant 0.000000e+00 : f32
    %max3A_81 = vector.broadcast %max3A_80 : f32 to vector<1000x64xf32>
    %max3A_82 = arith.maximumf %add3A_79, %max3A_81 : vector<1000x64xf32>
    %get3A_83 = arith.constant 0 : index
    %get3A_84 = arith.constant 0 : index
    %get3A_85 = vector.load %arg8[%get3A_83, %get3A_84] : memref<64x384xf32, #tpu.memory_space<vmem>>, vector<64x384xf32>
    %dot_general3A_86 = arith.constant dense<0.000000e+00> : vector<1000x384xf32>
    %dot_general3A_87 = tpu.matmul %max3A_82, %get3A_85, %dot_general3A_86 {dimension_numbers = #tpu.dot_dimension_numbers<[1], [0], [0], [1], [0, 0, 1, 1], [], []>, transpose_lhs_hint = false} : vector<1000x64xf32>, vector<64x384xf32>, vector<1000x384xf32> -> vector<1000x384xf32>
    %get3A_88 = arith.constant 0 : index
    %get3A_89 = arith.constant 0 : index
    %get3A_90 = vector.load %arg9[%get3A_88, %get3A_89] : memref<8x384xf32, #tpu.memory_space<vmem>>, vector<1x384xf32>
    %add3A_91 = vector.broadcast %get3A_90 : vector<1x384xf32> to vector<1000x384xf32>
    %add3A_92 = arith.addf %dot_general3A_87, %add3A_91 : vector<1000x384xf32>
    %swap3A = arith.constant 0 : index
    %swap3A_93 = arith.constant 0 : index
    %swap3A_94 = vector.load %arg10[%swap3A, %swap3A_93] : memref<1000x384xf32, #tpu.memory_space<vmem>>, vector<1000x384xf32>
    tpu.vector_store %arg10[%swap3A, %swap3A_93], %add3A_92 {strides = array<i32>} : memref<1000x384xf32, #tpu.memory_space<vmem>>, vector<1000x384xf32>,
    return
  }
  func.func @transform_0(%arg0: i32) -> (i32, i32, i32) {
    %c0_i32 = arith.constant 0 : i32
    %c0_i32_0 = arith.constant 0 : i32
    %c0_i32_1 = arith.constant 0 : i32
    return %c0_i32, %arg0, %c0_i32_0 : i32, i32, i32
  }
  func.func @transform_1(%arg0: i32) -> (i32, i32, i32) {
    %c0_i32 = arith.constant 0 : i32
    %c0_i32_0 = arith.constant 0 : i32
    %c0_i32_1 = arith.constant 0 : i32
    return %c0_i32, %arg0, %c0_i32_0 : i32, i32, i32
  }
  func.func @transform_2(%arg0: i32) -> (i32, i32) {
    %c0_i32 = arith.constant 0 : i32
    %c0_i32_0 = arith.constant 0 : i32
    return %arg0, %c0_i32 : i32, i32
  }
  func.func @transform_3(%arg0: i32) -> (i32, i32) {
    %c0_i32 = arith.constant 0 : i32
    %c0_i32_0 = arith.constant 0 : i32
    return %arg0, %c0_i32 : i32, i32
  }
  func.func @transform_4(%arg0: i32) -> (i32, i32) {
    %c0_i32 = arith.constant 0 : i32
    %c0_i32_0 = arith.constant 0 : i32
    %c0_i32_1 = arith.constant 0 : i32
    return %c0_i32, %c0_i32_0 : i32, i32
  }
  func.func @transform_5(%arg0: i32) -> (i32, i32) {
    %c0_i32 = arith.constant 0 : i32
    %c0_i32_0 = arith.constant 0 : i32
    %c0_i32_1 = arith.constant 0 : i32
    return %c0_i32, %c0_i32_0 : i32, i32
  }
  func.func @transform_6(%arg0: i32) -> (i32, i32) {
    %c0_i32 = arith.constant 0 : i32
    %c0_i32_0 = arith.constant 0 : i32
    %c0_i32_1 = arith.constant 0 : i32
    return %c0_i32, %c0_i32_0 : i32, i32
  }
  func.func @transform_7(%arg0: i32) -> (i32, i32) {
    %c0_i32 = arith.constant 0 : i32
    %c0_i32_0 = arith.constant 0 : i32
    %c0_i32_1 = arith.constant 0 : i32
    return %c0_i32, %c0_i32_0 : i32, i32
  }
  func.func @transform_8(%arg0: i32) -> (i32, i32) {
    %c0_i32 = arith.constant 0 : i32
    %c0_i32_0 = arith.constant 0 : i32
    %c0_i32_1 = arith.constant 0 : i32
    return %c0_i32, %c0_i32_0 : i32, i32
  }
  func.func @transform_9(%arg0: i32) -> (i32, i32) {
    %c0_i32 = arith.constant 0 : i32
    %c0_i32_0 = arith.constant 0 : i32
    return %arg0, %c0_i32 : i32, i32
  }
}

</mosaic_0001>

<sc_bundles>
// kernel: kernel.10.cloned.1.call-start
scs
__scs_entry_jumppad:
0x0: {  	(pc) =	sbr.rel $0x88, $3  }
0x1: {  	(tag) =	ssettag $0x0;
	lr =	simm.s32 $0x1  }
0x2: {  	[smem:$0x3F8F] =	sst lr;
	_ =	strace $0xD0000000  }
0x3: {  	_ = 	snop  }
0x4: {  	_ = 	snop  }
0x5: {  	_ = 	snop  }
0x6: {  	_ = 	snop  }
0x7: {  	_ = 	snop  }
__scs_overlays_trampoline_lowered:
0x8: {  	[smem:$0x3F9E] =	sst s0  }
0x9: {  	[smem:$0x3F9F] =	sst s1  }
0xa: {  	[smem:$0x3FA0] =	sst s2  }
0xb: {  	[smem:$0x3FA1] =	sst s3  }
0xc: {  	[smem:$0x3FA2] =	sst s4  }
0xd: {  	[smem:$0x3FA3] =	sst s5  }
0xe: {  	[smem:$0x3FA4] =	sst s6  }
0xf: {  	[smem:$0x3FA5] =	sst s7  }
0x10: {  	[smem:$0x3FA6] =	sst s8  }
0x11: {  	[smem:$0x3FA7] =	sst s9;
	s0 =	simm.s32 @!p0 $0x0  }
0x12: {  	s1 =	sld [smem:$0x3F8D];
	s0 =	simm.s32 @p0 $0x1  }
0x13: {  	[smem:$0x3FA8] =	sst s0;
	s0 =	simm.s32 @!p1 $0x0  }
0x14: {  	s2 =	sld [smem:$0x3F8C];
	s0 =	simm.s32 @p1 $0x1  }
0x15: {  	[smem:$0x3FA9] =	sst s0;
	s0 =	simm.s32 @!p2 $0x0  }
0x16: {  	s3 =	sld [smem:$0x3FDB];
	s0 =	simm.s32 @p2 $0x1  }
0x17: {  	s4 =	simm.s32 $0x1BF5;
	[smem:$0x3FAB] =	sst s0  }
0x18: {  	s0 =	sld [smem:$0x3F8E];
	_ =	swait.ge [sflag:s4], $0x0  }
0x19: {  	s7 =	sld [smem:$0x3F8F]  }
0x1a: {  	s8 =	sadd.s32 $0xFFFFE003, lr  }
0x1b: {  	s9 =	sadd.s32 $0xFFFFFEF7, lr;
	s5 =	simm.s32 $0xFFFFFFFF;
	p2 =	slt.u32 s8, $0xFFFFF086  }
0x1c: {  	p1 =	slt.u32 s9, $0xF7A;
	s5 =	simm.s32 @!p2 $0x0  }
0x1d: {  	s5 =	simm.s32 @p1 $0x1;
	p0 =	seq.s32 s7, s2  }
0x1e: {  	s7 =	smul.u32 @!p0 $0xF7A, s2;
	p2 =	seq.s32 @!p0 s5, $0x0  }
0x1f: {  	s9 =	smul.u32 $0xF7A, s1;
	s8 =	simm.s32 @!p0 $0x1BF5;
	p2 =	por !p2, p0  }
0x20: {  	[sflag:s8] =	ssyncset.s32 @!p0 $0xFFFFF086;
	s6 =	sadd.s32 @!p0 s3, s7;
	s7 =	simm.s32 @!p0 $0x108  }
0x21: {  	s3 =	sadd.s32 s3, s9;
	s6 =	sadd.s32 @!p0 $0x88, s6;
	s7 =	simm.s32 @p2 $0x1082  }
0x22: {  	[simem:s7], [sflag:s8] =	dma.local @!p0 [hbm:s6], $0xF7A  }
0x23: {  	s9 =	sor.u32 $0xD0000000, s2;
	s6 =	simm.s32 $0x108;
	_ =	swait.ge @!p0 [sflag:s8], $0x0  }
0x24: {  	s3 =	sadd.s32 $0x88, s3;
	s6 =	simm.s32 @!p1 $0x1082;
	[sflag:s4] =	ssyncset.s32 $0xFFFFF086  }
0x25: {  	[simem:s6], [sflag:s4] =	dma.local [hbm:s3], $0xF7A  }
0x26: {  	[smem:$0x3F8F] =	sst s1;
	(tag) =	ssettag s2;
	_ =	strace s9  }
0x27: {  	s1 =	sld [smem:$0x3F9F]  }
0x28: {  	s2 =	sld [smem:$0x3FA0]  }
0x29: {  	s4 =	sld [smem:$0x3FA2]  }
0x2a: {  	p0 =	seq.s32 s5, $0x0;
	s5 =	sld [smem:$0x3FA3]  }
0x2b: {  	s6 =	sld [smem:$0x3FA4]  }
0x2c: {  	s7 =	sld [smem:$0x3FA5]  }
0x2d: {  	s3 =	simm.s32 $0x108;
	s8 =	sld [smem:$0x3FA6]  }
0x2e: {  	s3 =	simm.s32 @!p0 $0x1082;
	s9 =	sld [smem:$0x3FA7]  }
0x2f: {  	lr =	sadd.s32 s0, s3;
	s0 =	sld [smem:$0x3F9E]  }
0x30: {  	s3 =	sld [smem:$0x3FA1]  }
0x31: {  	[smem:$0x3FAA] =	sst s10  }
0x32: {  	s10 =	sld [smem:$0x3FA8];
	_ =	sdelay $0x3  }
0x33: {  	p0 =	seq.s32 s10, $0x1;
	s10 =	sld [smem:$0x3FAA];
	_ =	sdelay $0x3  }
0x34: {  	[smem:$0x3FAA] =	sst s10  }
0x35: {  	s10 =	sld [smem:$0x3FA9];
	_ =	sdelay $0x3  }
0x36: {  	p1 =	seq.s32 s10, $0x1;
	s10 =	sld [smem:$0x3FAA];
	_ =	sdelay $0x3  }
0x37: {  	[smem:$0x3FAA] =	sst s10  }
0x38: {  	s10 =	sld [smem:$0x3FAB]  }
0x39: {  	_ = 	snop;
	(pc) =	sbr.ind lr, $3  }
0x3a: {  	_ = 	snop  }
0x3b: {  	_ = 	snop  }
0x3c: {  	p2 =	seq.s32 s10, $0x1;
	s10 =	sld [smem:$0x3FAA]  }
0x3d: {  	_ =	shalt  }
0x3e: {  	_ =	shalt  }
0x3f: {  	_ =	shalt  }
0x40: {  	_ =	shalt  }
0x41: {  	_ =	shalt  }
0x42: {  	_ =	shalt  }
0x43: {  	_ =	shalt  }
0x44: {  	_ =	shalt  }
0x45: {  	_ =	shalt  }
0x46: {  	_ =	shalt  }
0x47: {  	_ =	shalt  }
0x48: {  	_ =	shalt  }
0x49: {  	_ =	shalt  }
0x4a: {  	_ =	shalt  }
0x4b: {  	_ =	shalt  }
0x4c: {  	_ =	shalt  }
0x4d: {  	_ =	shalt  }
0x4e: {  	_ =	shalt  }
0x4f: {  	_ =	shalt  }
0x50: {  	_ =	shalt  }
0x51: {  	_ =	shalt  }
0x52: {  	_ =	shalt  }
0x53: {  	_ =	shalt  }
0x54: {  	_ =	shalt  }
0x55: {  	_ =	shalt  }
0x56: {  	_ =	shalt  }
0x57: {  	_ =	shalt  }
0x58: {  	_ =	shalt  }
0x59: {  	_ =	shalt  }
0x5a: {  	_ =	shalt  }
0x5b: {  	_ =	shalt  }
0x5c: {  	_ =	shalt  }
0x5d: {  	_ =	shalt  }
0x5e: {  	_ =	shalt  }
0x5f: {  	_ =	shalt  }
0x60: {  	_ =	shalt  }
0x61: {  	_ =	shalt  }
0x62: {  	_ =	shalt  }
0x63: {  	_ =	shalt  }
0x64: {  	_ =	shalt  }
0x65: {  	_ =	shalt  }
0x66: {  	_ =	shalt  }
0x67: {  	_ =	shalt  }
0x68: {  	_ =	shalt  }
0x69: {  	_ =	shalt  }
0x6a: {  	_ =	shalt  }
0x6b: {  	_ =	shalt  }
0x6c: {  	_ =	shalt  }
0x6d: {  	_ =	shalt  }
0x6e: {  	_ =	shalt  }
0x6f: {  	_ =	shalt  }
0x70: {  	_ =	shalt  }
0x71: {  	_ =	shalt  }
0x72: {  	_ =	shalt  }
0x73: {  	_ =	shalt  }
0x74: {  	_ =	shalt  }
0x75: {  	_ =	shalt  }
0x76: {  	_ =	shalt  }
0x77: {  	_ =	shalt  }
0x78: {  	_ =	shalt  }
0x79: {  	_ =	shalt  }
0x7a: {  	_ =	shalt  }
0x7b: {  	_ =	shalt  }
0x7c: {  	_ =	shalt  }
0x7d: {  	_ =	shalt  }
0x7e: {  	_ =	shalt  }
0x7f: {  	_ =	shalt  }
0x80: {  	_ =	shalt  }
0x81: {  	_ =	shalt  }
0x82: {  	_ =	shalt  }
0x83: {  	_ =	shalt  }
0x84: {  	_ =	shalt  }
0x85: {  	_ =	shalt  }
0x86: {  	_ =	shalt  }
0x87: {  	_ =	shalt  }
.Lfunc_end0:
.L_simem_size_0:
called_computation.1_lowered:
.L_overlay_start_0:
0x88: {  	s2 =	sld [smem:$0x3FD9]  }
0x89: {  	s3 =	sld [smem:$0x3FFE];
	_ =	sdelay $0x1  }
0x8a: {  	s1 =	srdreg.scid  }
0x8b: {  	s0 =	sand.u32 $0x1, s1  }
0x8c: {  	s16 =	sshll.u32 s0, $0xA;
	s2 =	sadd.s32 s3, s2  }
0x8d: {  	s2 =	sadd.s32 s2, s16  }
0x8e: {  	[smem:$0x3FB6] =	sst s2  }
0x8f: {  	_ = 	snop  }
0x90: {  	(tm) =	ssettm $0x1  }
0x91: {  	s17 =	sld [smem:$0x3FFB];
	_ =	sdelay $0x3  }
0x92: {  	_ =	strace s17  }
0x93: {  	s2 =	sld [smem:$0x3FFC];
	_ =	sdelay $0x3  }
0x94: {  	_ =	strace s2  }
0x95: {  	s2 =	sld [smem:$0x3FFD];
	_ =	sdelay $0x3  }
0x96: {  	_ =	strace s2  }
0x97: {  	_ =	strace $0x8FFFFFFF  }
0x98: {  	s18 =	sld [smem:$0x3FDB];
	_ =	sdelay $0x1  }
0x99: {  	s19 =	simm.s32 $_scs_section_size  }
0x9a: {  	s4 =	simm.s32 $_size__tile_overlayer_lowered;
	s5 =	simm.s32 $_tile_overlayer_lowered  }
0x9b: {  	s22 =	simm.s32 $0x1BFF;
	s21 =	sshll.u32 s5, $0x1;
	s2 =	sadd.s32 s19, s18  }
0x9c: {  	s6 =	simm.s32 $0x0;
	s20 =	sshll.u32 s4, $0x1;
	s4 =	sadd.s32 s21, s2  }
0x9d: {  	[timem:s6], [sflag:s22] =	dma.local [hbm:s4], s20  }
0x9e: {  	_ =	swait.ge [sflag:s22], s20  }
0x9f: {  	s3 =	ssub.s32 $0x0, s20;
	[sflag:s22] =	ssyncset.done $0x0  }
0xa0: {  	[sflag:s22] =	ssyncadd.s32 s3;
	_ =	sdelay $0x1  }
0xa1: {  	s23 =	simm.s32 $0x1B8B  }
0xa2: {  	_ =	swait.ge [sflag:s23], $0x1  }
0xa3: {  	[sflag:s23] =	ssyncset.done $0x0  }
0xa4: {  	s25 =	simm.s32 $0x1B8E;
	s24 =	sld [smem:$0x3FFE];
	[sflag:s23] =	ssyncadd.s32 $0xFFFFFFFF  }
0xa5: {  	s26 =	simm.s32 $execute0_lowered;
	[smem:$0x3FD2] =	sst s25  }
0xa6: {  	s4 =	sshll.u32 s26, $0x1;
	_ =	strace $0x80000049;
	[dreg:$0x1] =	wrdreg $0xFFFFFFFF  }
0xa7: {  	s28 =	simm.s32 $_size_execute0_lowered;
	s2 =	sadd.s32 s2, s4;
	[dreg:$0x0] =	wrdreg $0x0  }
0xa8: {  	s4 =	sshll.u32 s28, $0x1;
	[dreg:$0x2] =	wrdreg s2  }
0xa9: {  	[dreg:$0x3] =	wrdreg s4  }
0xaa: {  	[dreg:$0x4] =	wrdreg $0xC0  }
0xab: {  	_ =	task [dreg:s6], $0x5FFFF  }
0xac: {  	[dreg:$0x1] =	wrdreg $0xFFFFFFFF  }
0xad: {  	[dreg:$0x0] =	wrdreg $0x60  }
0xae: {  	[dreg:$0x2] =	wrdreg s24  }
0xaf: {  	[dreg:$0x3] =	wrdreg $0x13C680  }
0xb0: {  	[dreg:$0x4] =	wrdreg $0x1D8A80  }
0xb1: {  	[dreg:$0x5] =	wrdreg $0x9  }
0xb2: {  	_ =	task.clear_ibuf [dreg:s6], $0x6FFFF;
	_ =	strace $0x90000049  }
0xb3: {  	s29 =	simm.s32 $0x9;
	_ =	strace $0x8000004B  }
0xb4: {  	_ =	swait.ge [sflag:s29], $0x1  }
0xb5: {  	[sflag:s29] =	ssyncadd.s32 $0xFFFFFFFF  }
0xb6: {  	_ =	strace $0x9000004B  }
0xb7: {  	_ =	sfence  }
0xb8: {  	s30 =	sld [smem:$0x0];
	_ =	sdelay $0x2  }
0xb9: {  	s31 =	sshll.u32 s1, $0xD;
	s1 =	sshrl.u32 s1, $0x2  }
0xba: {  	s3 =	sand.u32 $0x4000, s31;
	s1 =	sadd.s32 s1, s30  }
0xbb: {  	s0 =	sor.u32 s3, s0;
	s1 =	sshll.u32 s1, $0x11  }
0xbc: {  	s0 =	sor.u32 s1, s0  }
0xbd: {  	s0 =	sadd.s32 $0x8F2B, s0  }
0xbe: {  	[sflag:s0] =	ssyncadd.remote.s32 $0x1  }
0xbf: {  	_ =	sfence.sel $0xFFFF  }
0xc0: {  	[dreg:$0x0] =	wrdreg $0xFFFFFFFF;
	(pc) =	sbr.abs _section_cstart, $3  }
0xc1: {  	[dreg:$0x1] =	wrdreg $0xFFFFFFFF  }
0xc2: {  	_ =	task.clear_ibuf [dreg:s6], $0x2FFFF;
	_ =	strace $0x9FFFFFFF  }
0xc3: {  	(tm) =	ssettm $0x7FFFFFFF  }
tec
execute0_lowered:
.L_overlay_start_1:
0x0: {  	(tag) =	ssettag $0x1  }
0x1: {  	s0 =	srdreg.scid  }
0x2: {  	s11 =	stileid.u32;
	s6 =	rddreg [dreg:$0x0]  }
0x3: {  	s1 =	simm.s32 $0x0;
	s5 =	sand.u32 $0x1, s0;
	s0 =	smul.u32 $0x9C40, s11  }
0x4: {  	s28 =	rddreg [dreg:$0x2];
	s7 =	sadd.s32 $0x35FA00, s6;
	s2 =	smul.u32 $0x2710, s11  }
0x5: {  	[smem:$0x7FF] =	sst s1;
	s3 =	sadd.s32 $0x5D0A00, s6;
	s4 =	smul.u32 $0x9C400, s5  }
0x6: {  	s8 =	smul.u32 $0x27100, s5;
	s10 =	sshll.u32 s5, $0x4;
	s5 =	ssub.s32 $0x2, s5  }
0x7: {  	s9 =	sadd.s32 $0x21600, s6;
	s10 =	sor.u32 s11, s10;
	s22 =	sshrl.u32 s5, $0x1  }
0x8: {  	s4 =	sadd.s32 s0, s4;
	s8 =	sadd.s32 s2, s8;
	s11 =	smul.u32 $0x1388, s10  }
0x9: {  	s10 =	smul.u32 $0x13880, s10;
	s4 =	sshrl.u32 s4, $0x3;
	s8 =	sshrl.u32 s8, $0x3  }
0xa: {  	s4 =	sadd.s32 s4, s6;
	s6 =	sadd.s32 s8, s6;
	s8 =	ssub.s32 s5, s22  }
0xb: {  	s23 =	sshrl.u32 s11, $0x3;
	s12 =	sadd.s32 $0x3E8, s11;
	s5 =	sor.u32 $0x8, s10  }
0xc: {  	s14 =	sadd.s32 s7, s10;
	s25 =	sadd.s32 $0x7D0, s11;
	s26 =	sadd.s32 $0xBB8, s11  }
0xd: {  	s21 =	sadd.s32 $0xFA0, s11;
	s17 =	sadd.s32 $0x274E8, s11;
	s11 =	sadd.s32 $0x27CB8, s11  }
0xe: {  	s18 =	sadd.s32 s9, s23;
	s13 =	sshrl.u32 s12, $0x3;
	[dreg:$0x4] =	wrdreg s14  }
0xf: {  	s24 =	sadd.s32 s7, s5;
	s12 =	sshll.u32 s12, $0x4;
	s19 =	sshrl.u32 s25, $0x3  }
0x10: {  	s16 =	sshrl.u32 s26, $0x3;
	s22 =	sshrl.u32 s21, $0x3;
	s23 =	sshrl.u32 s17, $0x3  }
0x11: {  	s11 =	sshrl.u32 s11, $0x3;
	[dreg:$0x5] =	wrdreg s24;
	s13 =	sadd.s32 s9, s13  }
0x12: {  	s14 =	sshll.u32 s21, $0x4;
	s15 =	sadd.s32 s7, s12;
	[dreg:$0x6] =	wrdreg s13  }
0x13: {  	s4 =	sadd.s32 $0x2B400, s4;
	s20 =	sadd.s32 s9, s16;
	[dreg:$0x7] =	wrdreg s15  }
0x14: {  	s16 =	sadd.s32 s9, s22;
	s22 =	sadd.s32 s7, s14;
	[dreg:$0x9] =	wrdreg s20  }
0x15: {  	s31 =	sadd.s32 s3, s14;
	s15 =	sadd.s32 s9, s19;
	[dreg:$0xa] =	wrdreg s16  }
0x16: {  	s16 =	sadd.s32 s9, s23;
	s9 =	sadd.s32 s9, s11;
	s11 =	sshll.u32 s25, $0x4  }
0x17: {  	s13 =	sshll.u32 s26, $0x4;
	[dreg:$0x12] =	wrdreg s22;
	s23 =	sor.u32 $0x8, s14  }
0x18: {  	s20 =	sadd.s32 s3, s5;
	s5 =	sadd.s32 $0x3E00, s6;
	[dreg:$0x8] =	wrdreg s15  }
0x19: {  	s6 =	smax.u32 s8, $0x1;
	s8 =	sadd.s32 $0x4F1A, s18;
	[dreg:$0xb] =	wrdreg s16  }
0x1a: {  	s14 =	simm.s32 $0x10;
	[dreg:$0xc] =	wrdreg s9;
	s9 =	sor.u32 $0x8, s12  }
0x1b: {  	s25 =	sadd.s32 s7, s11;
	s15 =	sor.u32 $0x8, s11;
	s17 =	sadd.s32 s7, s13  }
0x1c: {  	s19 =	sor.u32 $0x8, s13;
	s29 =	sadd.s32 s3, s13;
	s13 =	simm.s32 $0x40  }
0x1d: {  	s24 =	sadd.s32 s7, s9;
	[dreg:$0xe] =	wrdreg s25;
	s26 =	sadd.s32 s7, s15  }
0x1e: {  	[dreg:$0x10] =	wrdreg s17;
	s21 =	sadd.s32 s7, s19;
	s7 =	sadd.s32 s7, s23  }
0x1f: {  	s22 =	sadd.s32 s3, s9;
	s25 =	sadd.s32 s3, s11;
	[dreg:$0xd] =	wrdreg s24  }
0x20: {  	s30 =	sadd.s32 s3, s19;
	s23 =	sadd.s32 s3, s23;
	[dreg:$0xf] =	wrdreg s26  }
0x21: {  	s19 =	smov.u32 s18;
	s9 =	sadd.s32 $0x5014, s18;
	[dreg:$0x11] =	wrdreg s21  }
0x22: {  	s11 =	simm.s32 $0x1;
	[dreg:$0x13] =	wrdreg s7;
	s26 =	sadd.s32 s3, s10  }
0x23: {  	s21 =	sadd.s32 s3, s12;
	s24 =	rddreg [dreg:$0x1];
	s7 =	sadd.s32 $0x4E20, s18  }
0x24: {  	s10 =	simm.s32 $0x3E8;
	s12 =	simm.s32 $0xFDE8;
	[dreg:$0x14] =	wrdreg s26  }
0x25: {  	s26 =	sadd.s32 s3, s15;
	s0 =	sadd.s32 s0, s24;
	s3 =	sadd.s32 s2, s28  }
0x26: {  	v0 =	vimm.f32 $0.0e+00;
	s2 =	simm.s32 $0x80;
	s15 =	simm.s32 $0x0;
	_ =	strace $0x8000004A  }
.LBB2_1:
0x27: {  	s16 =	simm.s32 $0x408  }
0x28: {  	[tilespmem:s16+$0x0] =	vst v0  }
0x29: {  	[tilespmem:s16+$0xFFFFFFE0] =	vst v0  }
0x2a: {  	[tilespmem:s16+$0x10] =	vst v0  }
0x2b: {  	s17 =	simm.s32 $0x40;
	s18 =	simm.s32 $0x0;
	[tilespmem:s16+$0xFFFFFFF0] =	vst v0  }
.LBB2_2:
0x2c: {  	p0 =	sne.s32 s17, $0x9C00  }
0x2d: {  	[tilespmem:s18+$0xFDE8] =	vst v0;
	s16 =	sadd.s32 $0x40, s16;
	s18 =	smov.u32 s17;
	s17 =	sadd.s32 $0x40, s17  }
.Ltmp0:
0x2e: {  	[tilespmem:s16+$0x0] =	vst v0;
	(pc) =	sbr.rel @p0 .LBB2_2-.Ltmp0, $4  }
0x2f: {  	_ = 	snop  }
0x30: {  	[tilespmem:s16+$0xFFFFFFE0] =	vst v0  }
0x31: {  	[tilespmem:s16+$0x10] =	vst v0  }
0x32: {  	s18 =	sshra.s32 s18, $0x2;
	[tilespmem:s16+$0xFFFFFFF0] =	vst v0  }
0x33: {  	[tilespmem:s18+$0xFDE8] =	vst v0  }
0x34: {  	[spmem:s0] =	stream.linear.scatter [tilespmem:s10], [sflag:$0x1], $0x9C40, $0x38;
	v63 =	vld [tilespmem:$0x0]  }
0x35: {  	_ =	swait.ge [sflag:s11], $0x9C40  }
0x36: {  	[sflag:s11] =	ssyncset.done $0x0  }
0x37: {  	[sflag:s11] =	ssyncadd.s32 $0xFFFF63C0  }
0x38: {  	[spmem:s3] =	stream.linear.scatter [tilespmem:s12], [sflag:$0x1], $0x2710, $0x38;
	v63 =	vld [tilespmem:$0x0]  }
0x39: {  	_ =	swait.ge [sflag:s11], $0x2710  }
0x3a: {  	[sflag:s11] =	ssyncset.done $0x0  }
0x3b: {  	[sflag:s11] =	ssyncadd.s32 $0xFFFFD8F0  }
0x3c: {  	[bflag:$0x0] =	sbarrier.arrive $0xFFFF  }
0x3d: {  	[tilespmem:s1], [sflag:$0x1] =	stream.linear.gather [hbm4b:s19+s1], $0x3E8, $0x38;
	v63 =	vld [tilespmem:$0x0]  }
0x3e: {  	_ =	swait.ge [sflag:s11], $0x3E8  }
0x3f: {  	[sflag:s11] =	ssyncset.done $0x0  }
0x40: {  	s16 =	rddreg [dreg:$0x4];
	[sflag:s11] =	ssyncadd.s32 $0xFFFFFC18  }
0x41: {  	[tilespmem:s10], [sflag:$0x1] =	stream.strided.gather [hbm4b:s16+s13], $0xFA00, s2, s13, $0x38;
	v63 =	vld [tilespmem:$0x0]  }
0x42: {  	_ =	swait.ge [sflag:s11], $0xFA00  }
0x43: {  	[sflag:s11] =	ssyncset.done $0x0  }
0x44: {  	s17 =	rddreg [dreg:$0x5];
	[sflag:s11] =	ssyncadd.s32 $0xFFFF0600  }
0x45: {  	[tilespmem:s12], [sflag:$0x1] =	stream.strided.gather [hbm4b:s17+s14], $0x3E80, s2, s14, $0x38;
	v63 =	vld [tilespmem:$0x0]  }
0x46: {  	_ =	swait.ge [sflag:s11], $0x3E80  }
0x47: {  	[sflag:s11] =	ssyncset.done $0x0  }
0x48: {  	[sflag:s11] =	ssyncadd.s32 $0xFFFFC180  }
0x49: {  	[spmem:s24] =	stream.indirect.scatter.add.f32 [tilespmem:s10], [sflag:$0x1], $0x40, s1, s10, $0xb8;
	v63 =	vld [tilespmem:$0x0]  }
0x4a: {  	_ =	swait.ge [sflag:s11], $0xFA00  }
0x4b: {  	[sflag:s11] =	ssyncset.done $0x0  }
0x4c: {  	[sflag:s11] =	ssyncadd.s32 $0xFFFF0600  }
0x4d: {  	[spmem:s28] =	stream.indirect.scatter.add.f32 [tilespmem:s12], [sflag:$0x1], $0x10, s1, s10, $0xb8;
	v63 =	vld [tilespmem:$0x0]  }
0x4e: {  	_ =	swait.ge [sflag:s11], $0x3E80  }
0x4f: {  	[sflag:s11] =	ssyncset.done $0x0  }
0x50: {  	s18 =	rddreg [dreg:$0x6];
	[sflag:s11] =	ssyncadd.s32 $0xFFFFC180  }
0x51: {  	[tilespmem:s1], [sflag:$0x1] =	stream.linear.gather [hbm4b:s18+s1], $0x3E8, $0x38;
	v63 =	vld [tilespmem:$0x0]  }
0x52: {  	_ =	swait.ge [sflag:s11], $0x3E8  }
0x53: {  	[sflag:s11] =	ssyncset.done $0x0  }
0x54: {  	s17 =	rddreg [dreg:$0x7];
	[sflag:s11] =	ssyncadd.s32 $0xFFFFFC18  }
0x55: {  	[tilespmem:s10], [sflag:$0x1] =	stream.strided.gather [hbm4b:s17+s13], $0xFA00, s2, s13, $0x38;
	v63 =	vld [tilespmem:$0x0]  }
0x56: {  	_ =	swait.ge [sflag:s11], $0xFA00  }
0x57: {  	[sflag:s11] =	ssyncset.done $0x0  }
0x58: {  	s18 =	rddreg [dreg:$0xd];
	[sflag:s11] =	ssyncadd.s32 $0xFFFF0600  }
0x59: {  	[tilespmem:s12], [sflag:$0x1] =	stream.strided.gather [hbm4b:s18+s14], $0x3E80, s2, s14, $0x38;
	v63 =	vld [tilespmem:$0x0]  }
0x5a: {  	_ =	swait.ge [sflag:s11], $0x3E80  }
0x5b: {  	[sflag:s11] =	ssyncset.done $0x0  }
0x5c: {  	[sflag:s11] =	ssyncadd.s32 $0xFFFFC180  }
0x5d: {  	[spmem:s24] =	stream.indirect.scatter.add.f32 [tilespmem:s10], [sflag:$0x1], $0x40, s1, s10, $0xb8;
	v63 =	vld [tilespmem:$0x0]  }
0x5e: {  	_ =	swait.ge [sflag:s11], $0xFA00  }
0x5f: {  	[sflag:s11] =	ssyncset.done $0x0  }
0x60: {  	[sflag:s11] =	ssyncadd.s32 $0xFFFF0600  }
0x61: {  	[spmem:s28] =	stream.indirect.scatter.add.f32 [tilespmem:s12], [sflag:$0x1], $0x10, s1, s10, $0xb8;
	v63 =	vld [tilespmem:$0x0]  }
0x62: {  	_ =	swait.ge [sflag:s11], $0x3E80  }
0x63: {  	[sflag:s11] =	ssyncset.done $0x0  }
0x64: {  	s17 =	rddreg [dreg:$0x8];
	[sflag:s11] =	ssyncadd.s32 $0xFFFFC180  }
0x65: {  	[tilespmem:s1], [sflag:$0x1] =	stream.linear.gather [hbm4b:s17+s1], $0x3E8, $0x38;
	v63 =	vld [tilespmem:$0x0]  }
0x66: {  	_ =	swait.ge [sflag:s11], $0x3E8  }
0x67: {  	[sflag:s11] =	ssyncset.done $0x0  }
0x68: {  	s18 =	rddreg [dreg:$0xe];
	[sflag:s11] =	ssyncadd.s32 $0xFFFFFC18  }
0x69: {  	[tilespmem:s10], [sflag:$0x1] =	stream.strided.gather [hbm4b:s18+s13], $0xFA00, s2, s13, $0x38;
	v63 =	vld [tilespmem:$0x0]  }
0x6a: {  	_ =	swait.ge [sflag:s11], $0xFA00  }
0x6b: {  	[sflag:s11] =	ssyncset.done $0x0  }
0x6c: {  	s17 =	rddreg [dreg:$0xf];
	[sflag:s11] =	ssyncadd.s32 $0xFFFF0600  }
0x6d: {  	[tilespmem:s12], [sflag:$0x1] =	stream.strided.gather [hbm4b:s17+s14], $0x3E80, s2, s14, $0x38;
	v63 =	vld [tilespmem:$0x0]  }
0x6e: {  	_ =	swait.ge [sflag:s11], $0x3E80  }
0x6f: {  	[sflag:s11] =	ssyncset.done $0x0  }
0x70: {  	[sflag:s11] =	ssyncadd.s32 $0xFFFFC180  }
0x71: {  	[spmem:s24] =	stream.indirect.scatter.add.f32 [tilespmem:s10], [sflag:$0x1], $0x40, s1, s10, $0xb8;
	v63 =	vld [tilespmem:$0x0]  }
0x72: {  	_ =	swait.ge [sflag:s11], $0xFA00  }
0x73: {  	[sflag:s11] =	ssyncset.done $0x0  }
0x74: {  	[sflag:s11] =	ssyncadd.s32 $0xFFFF0600  }
0x75: {  	[spmem:s28] =	stream.indirect.scatter.add.f32 [tilespmem:s12], [sflag:$0x1], $0x10, s1, s10, $0xb8;
	v63 =	vld [tilespmem:$0x0]  }
0x76: {  	_ =	swait.ge [sflag:s11], $0x3E80  }
0x77: {  	[sflag:s11] =	ssyncset.done $0x0  }
0x78: {  	s18 =	rddreg [dreg:$0x9];
	[sflag:s11] =	ssyncadd.s32 $0xFFFFC180  }
0x79: {  	[tilespmem:s1], [sflag:$0x1] =	stream.linear.gather [hbm4b:s18+s1], $0x3E8, $0x38;
	v63 =	vld [tilespmem:$0x0]  }
0x7a: {  	_ =	swait.ge [sflag:s11], $0x3E8  }
0x7b: {  	[sflag:s11] =	ssyncset.done $0x0  }
0x7c: {  	s17 =	rddreg [dreg:$0x10];
	[sflag:s11] =	ssyncadd.s32 $0xFFFFFC18  }
0x7d: {  	[tilespmem:s10], [sflag:$0x1] =	stream.strided.gather [hbm4b:s17+s13], $0xFA00, s2, s13, $0x38;
	v63 =	vld [tilespmem:$0x0]  }
0x7e: {  	_ =	swait.ge [sflag:s11], $0xFA00  }
0x7f: {  	[sflag:s11] =	ssyncset.done $0x0  }
0x80: {  	s18 =	rddreg [dreg:$0x11];
	[sflag:s11] =	ssyncadd.s32 $0xFFFF0600  }
0x81: {  	[tilespmem:s12], [sflag:$0x1] =	stream.strided.gather [hbm4b:s18+s14], $0x3E80, s2, s14, $0x38;
	v63 =	vld [tilespmem:$0x0]  }
0x82: {  	_ =	swait.ge [sflag:s11], $0x3E80  }
0x83: {  	[sflag:s11] =	ssyncset.done $0x0  }
0x84: {  	[sflag:s11] =	ssyncadd.s32 $0xFFFFC180  }
0x85: {  	[spmem:s24] =	stream.indirect.scatter.add.f32 [tilespmem:s10], [sflag:$0x1], $0x40, s1, s10, $0xb8;
	v63 =	vld [tilespmem:$0x0]  }
0x86: {  	_ =	swait.ge [sflag:s11], $0xFA00  }
0x87: {  	[sflag:s11] =	ssyncset.done $0x0  }
0x88: {  	[sflag:s11] =	ssyncadd.s32 $0xFFFF0600  }
0x89: {  	[spmem:s28] =	stream.indirect.scatter.add.f32 [tilespmem:s12], [sflag:$0x1], $0x10, s1, s10, $0xb8;
	v63 =	vld [tilespmem:$0x0]  }
0x8a: {  	_ =	swait.ge [sflag:s11], $0x3E80  }
0x8b: {  	[sflag:s11] =	ssyncset.done $0x0  }
0x8c: {  	s17 =	rddreg [dreg:$0xa];
	[sflag:s11] =	ssyncadd.s32 $0xFFFFC180  }
0x8d: {  	[tilespmem:s1], [sflag:$0x1] =	stream.linear.gather [hbm4b:s17+s1], $0x3E8, $0x38;
	v63 =	vld [tilespmem:$0x0]  }
0x8e: {  	_ =	swait.ge [sflag:s11], $0x3E8  }
0x8f: {  	[sflag:s11] =	ssyncset.done $0x0  }
0x90: {  	s18 =	rddreg [dreg:$0x12];
	[sflag:s11] =	ssyncadd.s32 $0xFFFFFC18  }
0x91: {  	[tilespmem:s10], [sflag:$0x1] =	stream.strided.gather [hbm4b:s18+s13], $0xFA00, s2, s13, $0x38;
	v63 =	vld [tilespmem:$0x0]  }
0x92: {  	_ =	swait.ge [sflag:s11], $0xFA00  }
0x93: {  	[sflag:s11] =	ssyncset.done $0x0  }
0x94: {  	s17 =	rddreg [dreg:$0x13];
	[sflag:s11] =	ssyncadd.s32 $0xFFFF0600  }
0x95: {  	[tilespmem:s12], [sflag:$0x1] =	stream.strided.gather [hbm4b:s17+s14], $0x3E80, s2, s14, $0x38;
	v63 =	vld [tilespmem:$0x0]  }
0x96: {  	_ =	swait.ge [sflag:s11], $0x3E80  }
0x97: {  	[sflag:s11] =	ssyncset.done $0x0  }
0x98: {  	[sflag:s11] =	ssyncadd.s32 $0xFFFFC180  }
0x99: {  	[spmem:s24] =	stream.indirect.scatter.add.f32 [tilespmem:s10], [sflag:$0x1], $0x40, s1, s10, $0xb8;
	v63 =	vld [tilespmem:$0x0]  }
0x9a: {  	_ =	swait.ge [sflag:s11], $0xFA00  }
0x9b: {  	[sflag:s11] =	ssyncset.done $0x0  }
0x9c: {  	[sflag:s11] =	ssyncadd.s32 $0xFFFF0600  }
0x9d: {  	[spmem:s28] =	stream.indirect.scatter.add.f32 [tilespmem:s12], [sflag:$0x1], $0x10, s1, s10, $0xb8;
	v63 =	vld [tilespmem:$0x0]  }
0x9e: {  	_ =	swait.ge [sflag:s11], $0x3E80  }
0x9f: {  	[sflag:s11] =	ssyncset.done $0x0  }
0xa0: {  	[sflag:s11] =	ssyncadd.s32 $0xFFFFC180  }
0xa1: {  	[tilespmem:s1], [sflag:$0x1] =	stream.linear.gather [hbm4b:s7+s1], $0x3E8, $0x38;
	v63 =	vld [tilespmem:$0x0]  }
0xa2: {  	_ =	swait.ge [sflag:s11], $0x3E8  }
0xa3: {  	[sflag:s11] =	ssyncset.done $0x0  }
0xa4: {  	s18 =	rddreg [dreg:$0x14];
	[sflag:s11] =	ssyncadd.s32 $0xFFFFFC18  }
0xa5: {  	[tilespmem:s10], [sflag:$0x1] =	stream.strided.gather [hbm4b:s18+s13], $0xFA00, s2, s13, $0x38;
	v63 =	vld [tilespmem:$0x0]  }
0xa6: {  	_ =	swait.ge [sflag:s11], $0xFA00  }
0xa7: {  	[sflag:s11] =	ssyncset.done $0x0  }
0xa8: {  	[sflag:s11] =	ssyncadd.s32 $0xFFFF0600  }
0xa9: {  	[tilespmem:s12], [sflag:$0x1] =	stream.strided.gather [hbm4b:s20+s14], $0x3E80, s2, s14, $0x38;
	v63 =	vld [tilespmem:$0x0]  }
0xaa: {  	_ =	swait.ge [sflag:s11], $0x3E80  }
0xab: {  	[sflag:s11] =	ssyncset.done $0x0  }
0xac: {  	[sflag:s11] =	ssyncadd.s32 $0xFFFFC180  }
0xad: {  	[spmem:s24] =	stream.indirect.scatter.add.f32 [tilespmem:s10], [sflag:$0x1], $0x40, s1, s10, $0xb8;
	v63 =	vld [tilespmem:$0x0]  }
0xae: {  	_ =	swait.ge [sflag:s11], $0xFA00  }
0xaf: {  	[sflag:s11] =	ssyncset.done $0x0  }
0xb0: {  	[sflag:s11] =	ssyncadd.s32 $0xFFFF0600  }
0xb1: {  	[spmem:s28] =	stream.indirect.scatter.add.f32 [tilespmem:s12], [sflag:$0x1], $0x10, s1, s10, $0xb8;
	v63 =	vld [tilespmem:$0x0]  }
0xb2: {  	_ =	swait.ge [sflag:s11], $0x3E80  }
0xb3: {  	[sflag:s11] =	ssyncset.done $0x0  }
0xb4: {  	s17 =	rddreg [dreg:$0xb];
	[sflag:s11] =	ssyncadd.s32 $0xFFFFC180  }
0xb5: {  	[tilespmem:s1], [sflag:$0x1] =	stream.linear.gather [hbm4b:s17+s1], $0x3E8, $0x38;
	v63 =	vld [tilespmem:$0x0]  }
0xb6: {  	_ =	swait.ge [sflag:s11], $0x3E8  }
0xb7: {  	[sflag:s11] =	ssyncset.done $0x0  }
0xb8: {  	[sflag:s11] =	ssyncadd.s32 $0xFFFFFC18  }
0xb9: {  	[tilespmem:s10], [sflag:$0x1] =	stream.strided.gather [hbm4b:s21+s13], $0xFA00, s2, s13, $0x38;
	v63 =	vld [tilespmem:$0x0]  }
0xba: {  	_ =	swait.ge [sflag:s11], $0xFA00  }
0xbb: {  	[sflag:s11] =	ssyncset.done $0x0  }
0xbc: {  	[sflag:s11] =	ssyncadd.s32 $0xFFFF0600  }
0xbd: {  	[tilespmem:s12], [sflag:$0x1] =	stream.strided.gather [hbm4b:s22+s14], $0x3E80, s2, s14, $0x38;
	v63 =	vld [tilespmem:$0x0]  }
0xbe: {  	_ =	swait.ge [sflag:s11], $0x3E80  }
0xbf: {  	[sflag:s11] =	ssyncset.done $0x0  }
0xc0: {  	[sflag:s11] =	ssyncadd.s32 $0xFFFFC180  }
0xc1: {  	[spmem:s24] =	stream.indirect.scatter.add.f32 [tilespmem:s10], [sflag:$0x1], $0x40, s1, s10, $0xb8;
	v63 =	vld [tilespmem:$0x0]  }
0xc2: {  	_ =	swait.ge [sflag:s11], $0xFA00  }
0xc3: {  	[sflag:s11] =	ssyncset.done $0x0  }
0xc4: {  	[sflag:s11] =	ssyncadd.s32 $0xFFFF0600  }
0xc5: {  	[spmem:s28] =	stream.indirect.scatter.add.f32 [tilespmem:s12], [sflag:$0x1], $0x10, s1, s10, $0xb8;
	v63 =	vld [tilespmem:$0x0]  }
0xc6: {  	_ =	swait.ge [sflag:s11], $0x3E80  }
0xc7: {  	[sflag:s11] =	ssyncset.done $0x0  }
0xc8: {  	[sflag:s11] =	ssyncadd.s32 $0xFFFFC180  }
0xc9: {  	[tilespmem:s1], [sflag:$0x1] =	stream.linear.gather [hbm4b:s8+s1], $0x3E8, $0x38;
	v63 =	vld [tilespmem:$0x0]  }
0xca: {  	_ =	swait.ge [sflag:s11], $0x3E8  }
0xcb: {  	[sflag:s11] =	ssyncset.done $0x0  }
0xcc: {  	[sflag:s11] =	ssyncadd.s32 $0xFFFFFC18  }
0xcd: {  	[tilespmem:s10], [sflag:$0x1] =	stream.strided.gather [hbm4b:s25+s13], $0xFA00, s2, s13, $0x38;
	v63 =	vld [tilespmem:$0x0]  }
0xce: {  	_ =	swait.ge [sflag:s11], $0xFA00  }
0xcf: {  	[sflag:s11] =	ssyncset.done $0x0  }
0xd0: {  	[sflag:s11] =	ssyncadd.s32 $0xFFFF0600  }
0xd1: {  	[tilespmem:s12], [sflag:$0x1] =	stream.strided.gather [hbm4b:s26+s14], $0x3E80, s2, s14, $0x38;
	v63 =	vld [tilespmem:$0x0]  }
0xd2: {  	_ =	swait.ge [sflag:s11], $0x3E80  }
0xd3: {  	[sflag:s11] =	ssyncset.done $0x0  }
0xd4: {  	[sflag:s11] =	ssyncadd.s32 $0xFFFFC180  }
0xd5: {  	[spmem:s24] =	stream.indirect.scatter.add.f32 [tilespmem:s10], [sflag:$0x1], $0x40, s1, s10, $0xb8;
	v63 =	vld [tilespmem:$0x0]  }
0xd6: {  	_ =	swait.ge [sflag:s11], $0xFA00  }
0xd7: {  	[sflag:s11] =	ssyncset.done $0x0  }
0xd8: {  	[sflag:s11] =	ssyncadd.s32 $0xFFFF0600  }
0xd9: {  	[spmem:s28] =	stream.indirect.scatter.add.f32 [tilespmem:s12], [sflag:$0x1], $0x10, s1, s10, $0xb8;
	v63 =	vld [tilespmem:$0x0]  }
0xda: {  	_ =	swait.ge [sflag:s11], $0x3E80  }
0xdb: {  	[sflag:s11] =	ssyncset.done $0x0  }
0xdc: {  	s18 =	rddreg [dreg:$0xc];
	[sflag:s11] =	ssyncadd.s32 $0xFFFFC180  }
0xdd: {  	[tilespmem:s1], [sflag:$0x1] =	stream.linear.gather [hbm4b:s18+s1], $0x3E8, $0x38;
	v63 =	vld [tilespmem:$0x0]  }
0xde: {  	_ =	swait.ge [sflag:s11], $0x3E8  }
0xdf: {  	[sflag:s11] =	ssyncset.done $0x0  }
0xe0: {  	[sflag:s11] =	ssyncadd.s32 $0xFFFFFC18  }
0xe1: {  	[tilespmem:s10], [sflag:$0x1] =	stream.strided.gather [hbm4b:s29+s13], $0xFA00, s2, s13, $0x38;
	v63 =	vld [tilespmem:$0x0]  }
0xe2: {  	_ =	swait.ge [sflag:s11], $0xFA00  }
0xe3: {  	[sflag:s11] =	ssyncset.done $0x0  }
0xe4: {  	[sflag:s11] =	ssyncadd.s32 $0xFFFF0600  }
0xe5: {  	[tilespmem:s12], [sflag:$0x1] =	stream.strided.gather [hbm4b:s30+s14], $0x3E80, s2, s14, $0x38;
	v63 =	vld [tilespmem:$0x0]  }
0xe6: {  	_ =	swait.ge [sflag:s11], $0x3E80  }
0xe7: {  	[sflag:s11] =	ssyncset.done $0x0  }
0xe8: {  	[sflag:s11] =	ssyncadd.s32 $0xFFFFC180  }
0xe9: {  	[spmem:s24] =	stream.indirect.scatter.add.f32 [tilespmem:s10], [sflag:$0x1], $0x40, s1, s10, $0xb8;
	v63 =	vld [tilespmem:$0x0]  }
0xea: {  	_ =	swait.ge [sflag:s11], $0xFA00  }
0xeb: {  	[sflag:s11] =	ssyncset.done $0x0  }
0xec: {  	[sflag:s11] =	ssyncadd.s32 $0xFFFF0600  }
0xed: {  	[spmem:s28] =	stream.indirect.scatter.add.f32 [tilespmem:s12], [sflag:$0x1], $0x10, s1, s10, $0xb8;
	v63 =	vld [tilespmem:$0x0]  }
0xee: {  	_ =	swait.ge [sflag:s11], $0x3E80  }
0xef: {  	[sflag:s11] =	ssyncset.done $0x0  }
0xf0: {  	[sflag:s11] =	ssyncadd.s32 $0xFFFFC180  }
0xf1: {  	[tilespmem:s1], [sflag:$0x1] =	stream.linear.gather [hbm4b:s9+s1], $0x3E8, $0x38;
	v63 =	vld [tilespmem:$0x0]  }
0xf2: {  	_ =	swait.ge [sflag:s11], $0x3E8  }
0xf3: {  	[sflag:s11] =	ssyncset.done $0x0  }
0xf4: {  	[sflag:s11] =	ssyncadd.s32 $0xFFFFFC18  }
0xf5: {  	[tilespmem:s10], [sflag:$0x1] =	stream.strided.gather [hbm4b:s31+s13], $0xFA00, s2, s13, $0x38;
	v63 =	vld [tilespmem:$0x0]  }
0xf6: {  	_ =	swait.ge [sflag:s11], $0xFA00  }
0xf7: {  	[sflag:s11] =	ssyncset.done $0x0  }
0xf8: {  	[sflag:s11] =	ssyncadd.s32 $0xFFFF0600  }
0xf9: {  	[tilespmem:s12], [sflag:$0x1] =	stream.strided.gather [hbm4b:s23+s14], $0x3E80, s2, s14, $0x38;
	v63 =	vld [tilespmem:$0x0]  }
0xfa: {  	_ =	swait.ge [sflag:s11], $0x3E80  }
0xfb: {  	[sflag:s11] =	ssyncset.done $0x0  }
0xfc: {  	[sflag:s11] =	ssyncadd.s32 $0xFFFFC180  }
0xfd: {  	[spmem:s24] =	stream.indirect.scatter.add.f32 [tilespmem:s10], [sflag:$0x1], $0x40, s1, s10, $0xb8;
	v63 =	vld [tilespmem:$0x0]  }
0xfe: {  	_ =	swait.ge [sflag:s11], $0xFA00  }
0xff: {  	[sflag:s11] =	ssyncset.done $0x0  }
0x100: {  	[sflag:s11] =	ssyncadd.s32 $0xFFFF0600  }
0x101: {  	[spmem:s28] =	stream.indirect.scatter.add.f32 [tilespmem:s12], [sflag:$0x1], $0x10, s1, s10, $0xb8;
	v63 =	vld [tilespmem:$0x0]  }
0x102: {  	_ =	swait.ge [sflag:s11], $0x3E80  }
0x103: {  	s17 =	stileid.u32;
	[sflag:s11] =	ssyncset.done $0x0  }
0x104: {  	s16 =	sshll.u32 s17, $0x6;
	[sflag:s11] =	ssyncadd.s32 $0xFFFFC180  }
0x105: {  	s17 =	sshrl.u32 s0, $0x3;
	s16 =	sor.u32 $0x1C01, s16;
	[bflag:$0x0] =	sbarrier.arrive $0xFFFF  }
0x106: {  	[hbm:s4], [sflag:s16] =	dma.local [spmem:s17], $0x1388  }
0x107: {  	s15 =	sadd.s32 $0x1, s15;
	_ =	swait.ge [sflag:s11], $0x1388  }
0x108: {  	p0 =	sne.s32 s15, s6;
	[sflag:s11] =	ssyncset.done $0x0  }
.Ltmp1:
0x109: {  	s18 =	sshrl.u32 s3, $0x3;
	[sflag:s11] =	ssyncadd.s32 $0xFFFFEC78;
	(pc) =	sbr.rel @p0 .LBB2_1-.Ltmp1, $4  }
0x10a: {  	[hbm:s5], [sflag:s16] =	dma.local [spmem:s18], $0x4E2  }
0x10b: {  	_ =	swait.ge [sflag:s11], $0x4E2  }
0x10c: {  	[sflag:s11] =	ssyncset.done $0x0  }
0x10d: {  	[sflag:s11] =	ssyncadd.s32 $0xFFFFFB1E  }
0x10e: {  	_ =	sfence.sel $0x180000  }
0x10f: {  	[bflag:$0x0] =	sbarrier.arrive $0xFFFF  }
0x110: {  	_ =	strace $0x9000004A  }
0x111: {  	s0 =	stileid.u32;
	[bflag:$0x2] =	sbarrier.arrive $0xFFFF  }
0x112: {  	p0 =	sne.s32 s0, $0x0;
	s0 =	rddreg [dreg:$0x3]  }
0x113: {  	s0 =	sadd.s32 @!p0 $0x100000, s0  }
0x114: {  	[sflag:s0] =	ssyncadd.tile.s32 @!p0 $0x1;
	_ =	shalt  }
.Lfunc_end2:
_tile_overlayer_lowered:
.L_overlay_start_2:
0x115: {  	(tag) =	ssettag $0x2  }
0x116: {  	s0 =	rddreg [dreg:$0x0];
	s2 =	stileid.u32  }
0x117: {  	s1 =	rddreg [dreg:$0x1];
	p0 =	sne.s32 s2, $0x0  }
0x118: {  	s3 =	rddreg [dreg:$0x2];
	[bflag:$0x3] =	sbarrier.arrive $0xFFFF;
	s2 =	simm.s32 @!p0 $0x1C01  }
0x119: {  	[timem:s3], [sflag:s2] =	dma.local @!p0 [hbm:s0], s1  }
0x11a: {  	s0 =	simm.s32 @!p0 $0x1  }
0x11b: {  	_ =	swait.ge @!p0 [sflag:s0], s1  }
0x11c: {  	s1 =	ssub.s32 @!p0 $0x0, s1;
	[sflag:s0] =	ssyncset.done @!p0 $0x0  }
0x11d: {  	[sflag:s0] =	ssyncadd.s32 @!p0 s1  }
0x11e: {  	[bflag:$0x3] =	sbarrier.arrive $0xFFFF  }
0x11f: {  	_ =	shalt  }

// kernel: kernel.7.cloned.1.call-start
scs
__scs_entry_jumppad:
0x0: {  	(pc) =	sbr.rel $0x88, $3  }
0x1: {  	(tag) =	ssettag $0x0;
	lr =	simm.s32 $0x1  }
0x2: {  	[smem:$0x3F8F] =	sst lr;
	_ =	strace $0xD0000000  }
0x3: {  	_ = 	snop  }
0x4: {  	_ = 	snop  }
0x5: {  	_ = 	snop  }
0x6: {  	_ = 	snop  }
0x7: {  	_ = 	snop  }
__scs_overlays_trampoline_lowered:
0x8: {  	[smem:$0x3F9E] =	sst s0  }
0x9: {  	[smem:$0x3F9F] =	sst s1  }
0xa: {  	[smem:$0x3FA0] =	sst s2  }
0xb: {  	[smem:$0x3FA1] =	sst s3  }
0xc: {  	[smem:$0x3FA2] =	sst s4  }
0xd: {  	[smem:$0x3FA3] =	sst s5  }
0xe: {  	[smem:$0x3FA4] =	sst s6  }
0xf: {  	[smem:$0x3FA5] =	sst s7  }
0x10: {  	[smem:$0x3FA6] =	sst s8  }
0x11: {  	[smem:$0x3FA7] =	sst s9;
	s0 =	simm.s32 @!p0 $0x0  }
0x12: {  	s1 =	sld [smem:$0x3F8D];
	s0 =	simm.s32 @p0 $0x1  }
0x13: {  	[smem:$0x3FA8] =	sst s0;
	s0 =	simm.s32 @!p1 $0x0  }
0x14: {  	s2 =	sld [smem:$0x3F8C];
	s0 =	simm.s32 @p1 $0x1  }
0x15: {  	[smem:$0x3FA9] =	sst s0;
	s0 =	simm.s32 @!p2 $0x0  }
0x16: {  	s3 =	sld [smem:$0x3FDB];
	s0 =	simm.s32 @p2 $0x1  }
0x17: {  	s4 =	simm.s32 $0x1BF5;
	[smem:$0x3FAB] =	sst s0  }
0x18: {  	s0 =	sld [smem:$0x3F8E];
	_ =	swait.ge [sflag:s4], $0x0  }
0x19: {  	s7 =	sld [smem:$0x3F8F]  }
0x1a: {  	s8 =	sadd.s32 $0xFFFFE003, lr  }
0x1b: {  	s9 =	sadd.s32 $0xFFFFFEF7, lr;
	s5 =	simm.s32 $0xFFFFFFFF;
	p2 =	slt.u32 s8, $0xFFFFF086  }
0x1c: {  	p1 =	slt.u32 s9, $0xF7A;
	s5 =	simm.s32 @!p2 $0x0  }
0x1d: {  	s5 =	simm.s32 @p1 $0x1;
	p0 =	seq.s32 s7, s2  }
0x1e: {  	s7 =	smul.u32 @!p0 $0xF7A, s2;
	p2 =	seq.s32 @!p0 s5, $0x0  }
0x1f: {  	s9 =	smul.u32 $0xF7A, s1;
	s8 =	simm.s32 @!p0 $0x1BF5;
	p2 =	por !p2, p0  }
0x20: {  	[sflag:s8] =	ssyncset.s32 @!p0 $0xFFFFF086;
	s6 =	sadd.s32 @!p0 s3, s7;
	s7 =	simm.s32 @!p0 $0x108  }
0x21: {  	s3 =	sadd.s32 s3, s9;
	s6 =	sadd.s32 @!p0 $0x88, s6;
	s7 =	simm.s32 @p2 $0x1082  }
0x22: {  	[simem:s7], [sflag:s8] =	dma.local @!p0 [hbm:s6], $0xF7A  }
0x23: {  	s9 =	sor.u32 $0xD0000000, s2;
	s6 =	simm.s32 $0x108;
	_ =	swait.ge @!p0 [sflag:s8], $0x0  }
0x24: {  	s3 =	sadd.s32 $0x88, s3;
	s6 =	simm.s32 @!p1 $0x1082;
	[sflag:s4] =	ssyncset.s32 $0xFFFFF086  }
0x25: {  	[simem:s6], [sflag:s4] =	dma.local [hbm:s3], $0xF7A  }
0x26: {  	[smem:$0x3F8F] =	sst s1;
	(tag) =	ssettag s2;
	_ =	strace s9  }
0x27: {  	s1 =	sld [smem:$0x3F9F]  }
0x28: {  	s2 =	sld [smem:$0x3FA0]  }
0x29: {  	s4 =	sld [smem:$0x3FA2]  }
0x2a: {  	p0 =	seq.s32 s5, $0x0;
	s5 =	sld [smem:$0x3FA3]  }
0x2b: {  	s6 =	sld [smem:$0x3FA4]  }
0x2c: {  	s7 =	sld [smem:$0x3FA5]  }
0x2d: {  	s3 =	simm.s32 $0x108;
	s8 =	sld [smem:$0x3FA6]  }
0x2e: {  	s3 =	simm.s32 @!p0 $0x1082;
	s9 =	sld [smem:$0x3FA7]  }
0x2f: {  	lr =	sadd.s32 s0, s3;
	s0 =	sld [smem:$0x3F9E]  }
0x30: {  	s3 =	sld [smem:$0x3FA1]  }
0x31: {  	[smem:$0x3FAA] =	sst s10  }
0x32: {  	s10 =	sld [smem:$0x3FA8];
	_ =	sdelay $0x3  }
0x33: {  	p0 =	seq.s32 s10, $0x1;
	s10 =	sld [smem:$0x3FAA];
	_ =	sdelay $0x3  }
0x34: {  	[smem:$0x3FAA] =	sst s10  }
0x35: {  	s10 =	sld [smem:$0x3FA9];
	_ =	sdelay $0x3  }
0x36: {  	p1 =	seq.s32 s10, $0x1;
	s10 =	sld [smem:$0x3FAA];
	_ =	sdelay $0x3  }
0x37: {  	[smem:$0x3FAA] =	sst s10  }
0x38: {  	s10 =	sld [smem:$0x3FAB]  }
0x39: {  	_ = 	snop;
	(pc) =	sbr.ind lr, $3  }
0x3a: {  	_ = 	snop  }
0x3b: {  	_ = 	snop  }
0x3c: {  	p2 =	seq.s32 s10, $0x1;
	s10 =	sld [smem:$0x3FAA]  }
0x3d: {  	_ =	shalt  }
0x3e: {  	_ =	shalt  }
0x3f: {  	_ =	shalt  }
0x40: {  	_ =	shalt  }
0x41: {  	_ =	shalt  }
0x42: {  	_ =	shalt  }
0x43: {  	_ =	shalt  }
0x44: {  	_ =	shalt  }
0x45: {  	_ =	shalt  }
0x46: {  	_ =	shalt  }
0x47: {  	_ =	shalt  }
0x48: {  	_ =	shalt  }
0x49: {  	_ =	shalt  }
0x4a: {  	_ =	shalt  }
0x4b: {  	_ =	shalt  }
0x4c: {  	_ =	shalt  }
0x4d: {  	_ =	shalt  }
0x4e: {  	_ =	shalt  }
0x4f: {  	_ =	shalt  }
0x50: {  	_ =	shalt  }
0x51: {  	_ =	shalt  }
0x52: {  	_ =	shalt  }
0x53: {  	_ =	shalt  }
0x54: {  	_ =	shalt  }
0x55: {  	_ =	shalt  }
0x56: {  	_ =	shalt  }
0x57: {  	_ =	shalt  }
0x58: {  	_ =	shalt  }
0x59: {  	_ =	shalt  }
0x5a: {  	_ =	shalt  }
0x5b: {  	_ =	shalt  }
0x5c: {  	_ =	shalt  }
0x5d: {  	_ =	shalt  }
0x5e: {  	_ =	shalt  }
0x5f: {  	_ =	shalt  }
0x60: {  	_ =	shalt  }
0x61: {  	_ =	shalt  }
0x62: {  	_ =	shalt  }
0x63: {  	_ =	shalt  }
0x64: {  	_ =	shalt  }
0x65: {  	_ =	shalt  }
0x66: {  	_ =	shalt  }
0x67: {  	_ =	shalt  }
0x68: {  	_ =	shalt  }
0x69: {  	_ =	shalt  }
0x6a: {  	_ =	shalt  }
0x6b: {  	_ =	shalt  }
0x6c: {  	_ =	shalt  }
0x6d: {  	_ =	shalt  }
0x6e: {  	_ =	shalt  }
0x6f: {  	_ =	shalt  }
0x70: {  	_ =	shalt  }
0x71: {  	_ =	shalt  }
0x72: {  	_ =	shalt  }
0x73: {  	_ =	shalt  }
0x74: {  	_ =	shalt  }
0x75: {  	_ =	shalt  }
0x76: {  	_ =	shalt  }
0x77: {  	_ =	shalt  }
0x78: {  	_ =	shalt  }
0x79: {  	_ =	shalt  }
0x7a: {  	_ =	shalt  }
0x7b: {  	_ =	shalt  }
0x7c: {  	_ =	shalt  }
0x7d: {  	_ =	shalt  }
0x7e: {  	_ =	shalt  }
0x7f: {  	_ =	shalt  }
0x80: {  	_ =	shalt  }
0x81: {  	_ =	shalt  }
0x82: {  	_ =	shalt  }
0x83: {  	_ =	shalt  }
0x84: {  	_ =	shalt  }
0x85: {  	_ =	shalt  }
0x86: {  	_ =	shalt  }
0x87: {  	_ =	shalt  }
.Lfunc_end0:
.L_simem_size_0:
called_computation_lowered:
.L_overlay_start_0:
0x88: {  	s2 =	sld [smem:$0x3FD9]  }
0x89: {  	s3 =	sld [smem:$0x3FFE];
	_ =	sdelay $0x1  }
0x8a: {  	s1 =	srdreg.scid  }
0x8b: {  	s0 =	sand.u32 $0x1, s1  }
0x8c: {  	s16 =	sshll.u32 s0, $0xA;
	s2 =	sadd.s32 s3, s2  }
0x8d: {  	s2 =	sadd.s32 s2, s16  }
0x8e: {  	[smem:$0x3FB6] =	sst s2  }
0x8f: {  	_ = 	snop  }
0x90: {  	(tm) =	ssettm $0x1  }
0x91: {  	s17 =	sld [smem:$0x3FFB];
	_ =	sdelay $0x3  }
0x92: {  	_ =	strace s17  }
0x93: {  	s2 =	sld [smem:$0x3FFC];
	_ =	sdelay $0x3  }
0x94: {  	_ =	strace s2  }
0x95: {  	s2 =	sld [smem:$0x3FFD];
	_ =	sdelay $0x3  }
0x96: {  	_ =	strace s2  }
0x97: {  	_ =	strace $0x8FFFFFFF  }
0x98: {  	s18 =	sld [smem:$0x3FDB];
	_ =	sdelay $0x1  }
0x99: {  	s19 =	simm.s32 $_scs_section_size  }
0x9a: {  	s4 =	simm.s32 $_size__tile_overlayer_lowered;
	s5 =	simm.s32 $_tile_overlayer_lowered  }
0x9b: {  	s22 =	simm.s32 $0x1BFF;
	s21 =	sshll.u32 s5, $0x1;
	s2 =	sadd.s32 s19, s18  }
0x9c: {  	s6 =	simm.s32 $0x0;
	s20 =	sshll.u32 s4, $0x1;
	s4 =	sadd.s32 s21, s2  }
0x9d: {  	[timem:s6], [sflag:s22] =	dma.local [hbm:s4], s20  }
0x9e: {  	_ =	swait.ge [sflag:s22], s20  }
0x9f: {  	s3 =	ssub.s32 $0x0, s20;
	[sflag:s22] =	ssyncset.done $0x0  }
0xa0: {  	[sflag:s22] =	ssyncadd.s32 s3;
	_ =	sdelay $0x1  }
0xa1: {  	s23 =	simm.s32 $0x1B8B  }
0xa2: {  	_ =	swait.ge [sflag:s23], $0x1  }
0xa3: {  	[sflag:s23] =	ssyncset.done $0x0  }
0xa4: {  	s25 =	simm.s32 $0x1B8E;
	s24 =	sld [smem:$0x3FFE];
	[sflag:s23] =	ssyncadd.s32 $0xFFFFFFFF  }
0xa5: {  	s26 =	simm.s32 $execute0_lowered;
	[smem:$0x3FD2] =	sst s25  }
0xa6: {  	s4 =	sshll.u32 s26, $0x1;
	_ =	strace $0x80000046;
	[dreg:$0x1] =	wrdreg $0xFFFFFFFF  }
0xa7: {  	s28 =	simm.s32 $_size_execute0_lowered;
	s2 =	sadd.s32 s2, s4;
	[dreg:$0x0] =	wrdreg $0x0  }
0xa8: {  	s4 =	sshll.u32 s28, $0x1;
	[dreg:$0x2] =	wrdreg s2  }
0xa9: {  	[dreg:$0x3] =	wrdreg s4  }
0xaa: {  	[dreg:$0x4] =	wrdreg $0xC0  }
0xab: {  	_ =	task [dreg:s6], $0x5FFFF  }
0xac: {  	[dreg:$0x1] =	wrdreg $0xFFFFFFFF  }
0xad: {  	[dreg:$0x0] =	wrdreg $0x60  }
0xae: {  	[dreg:$0x2] =	wrdreg s24  }
0xaf: {  	[dreg:$0x3] =	wrdreg $0x9  }
0xb0: {  	_ =	task.clear_ibuf [dreg:s6], $0x4FFFF;
	_ =	strace $0x90000046  }
0xb1: {  	s29 =	simm.s32 $0x9;
	_ =	strace $0x80000048  }
0xb2: {  	_ =	swait.ge [sflag:s29], $0x1  }
0xb3: {  	[sflag:s29] =	ssyncadd.s32 $0xFFFFFFFF  }
0xb4: {  	_ =	strace $0x90000048  }
0xb5: {  	_ =	sfence  }
0xb6: {  	s30 =	sld [smem:$0x0];
	_ =	sdelay $0x2  }
0xb7: {  	s31 =	sshll.u32 s1, $0xD;
	s1 =	sshrl.u32 s1, $0x2  }
0xb8: {  	s3 =	sand.u32 $0x4000, s31;
	s1 =	sadd.s32 s1, s30  }
0xb9: {  	s0 =	sor.u32 s3, s0;
	s1 =	sshll.u32 s1, $0x11  }
0xba: {  	s0 =	sor.u32 s1, s0  }
0xbb: {  	s0 =	sadd.s32 $0x8F2B, s0  }
0xbc: {  	[sflag:s0] =	ssyncadd.remote.s32 $0x1  }
0xbd: {  	_ =	sfence.sel $0xFFFF  }
0xbe: {  	[dreg:$0x0] =	wrdreg $0xFFFFFFFF;
	(pc) =	sbr.abs _section_cstart, $3  }
0xbf: {  	[dreg:$0x1] =	wrdreg $0xFFFFFFFF  }
0xc0: {  	_ =	task.clear_ibuf [dreg:s6], $0x2FFFF;
	_ =	strace $0x9FFFFFFF  }
0xc1: {  	(tm) =	ssettm $0x7FFFFFFF  }
tec
execute0_lowered:
.L_overlay_start_1:
0x0: {  	(tag) =	ssettag $0x1  }
0x1: {  	s0 =	srdreg.scid  }
0x2: {  	s1 =	sand.u32 $0x1, s0  }
0x3: {  	s22 =	stileid.u32;
	s2 =	sshll.u32 s1, $0x4  }
0x4: {  	s4 =	sor.u32 s22, s2  }
0x5: {  	s14 =	rddreg [dreg:$0x0];
	s2 =	simm.s32 $0x0;
	s28 =	smul.u32 $0x1388, s4  }
0x6: {  	s26 =	sadd.s32 $0x17800, s14;
	[smem:$0x7FF] =	sst s2;
	s15 =	smul.u32 $0x13880, s4  }
0x7: {  	s30 =	sadd.s32 $0x2B400, s14;
	_ =	strace $0x80000047;
	s3 =	sshrl.u32 s28, $0x3  }
0x8: {  	s17 =	sadd.s32 $0x3E8, s28;
	s24 =	sadd.s32 s30, s15;
	s3 =	sadd.s32 s26, s3  }
0x9: {  	s5 =	sshrl.u32 s17, $0x3;
	[dreg:$0x3] =	wrdreg s24;
	s23 =	sadd.s32 $0x4E20, s3  }
0xa: {  	[tilespmem:s2], [sflag:$0x5] =	stream.linear.gather [hbm4b:s3+s2], $0x3E8, $0x38;
	[tilespmem:$0x1FBD0] =	vst v63  }
0xb: {  	s25 =	sadd.s32 s26, s5;
	[dreg:$0x2] =	wrdreg s23  }
0xc: {  	s4 =	simm.s32 $0x5;
	[dreg:$0x4] =	wrdreg s25  }
0xd: {  	_ =	swait.ge [sflag:s4], $0x3E8  }
0xe: {  	s6 =	simm.s32 $0x3E8;
	[sflag:s4] =	ssyncset.done $0x0  }
0xf: {  	s7 =	simm.s32 $0x7D0;
	s5 =	sadd.s32 $0x3E00, s14;
	[sflag:s4] =	ssyncadd.s32 $0xFFFFFC18  }
0x10: {  	[tilespmem:s7], [sflag:$0x1] =	stream.indirect.gather [hbm4b:s5+s6], $0x40, s2, s6, $0xb8;
	[tilespmem:$0x1FBD0] =	vst v63  }
0x11: {  	s8 =	rddreg [dreg:$0x2]  }
0x12: {  	[tilespmem:s6], [sflag:$0x5] =	stream.linear.gather [hbm4b:s8+s2], $0x3E8, $0x38;
	[tilespmem:$0x1FBD0] =	vst v63  }
0x13: {  	_ =	swait.ge [sflag:s4], $0x3E8  }
0x14: {  	[sflag:s4] =	ssyncset.done $0x0  }
0x15: {  	s9 =	simm.s32 $0x1;
	s8 =	simm.s32 $0x101D0;
	[sflag:s4] =	ssyncadd.s32 $0xFFFFFC18  }
0x16: {  	[tilespmem:s8], [sflag:$0x2] =	stream.indirect.gather [hbm4b:s5+s6], $0x40, s6, s6, $0xb8;
	[tilespmem:$0x1FBD0] =	vst v63  }
0x17: {  	_ =	swait.ge [sflag:s9], $0xFA00  }
0x18: {  	s10 =	simm.s32 $0x40;
	s11 =	simm.s32 $0x80;
	[sflag:s9] =	ssyncset.done $0x0  }
0x19: {  	s12 =	simm.s32 $0x3;
	s13 =	rddreg [dreg:$0x3];
	[sflag:s9] =	ssyncadd.s32 $0xFFFF0600  }
0x1a: {  	[hbm4b:s13+s10] =	stream.strided.scatter [tilespmem:s7], [sflag:$0x3], $0xFA00, s11, s10, $0x38;
	[tilespmem:$0x1FBD0] =	vst v63  }
0x1b: {  	_ =	swait.ge [sflag:s12], $0xFA00  }
0x1c: {  	[sflag:s12] =	ssyncset.done $0x0  }
0x1d: {  	s0 =	rddreg [dreg:$0x4];
	[sflag:s12] =	ssyncadd.s32 $0xFFFF0600  }
0x1e: {  	[tilespmem:s2], [sflag:$0x5] =	stream.linear.gather [hbm4b:s0+s2], $0x3E8, $0x38;
	[tilespmem:$0x1FBD0] =	vst v63  }
0x1f: {  	_ =	swait.ge [sflag:s4], $0x3E8  }
0x20: {  	[sflag:s4] =	ssyncset.done $0x0  }
0x21: {  	s13 =	simm.s32 $0x2;
	[sflag:s4] =	ssyncadd.s32 $0xFFFFFC18  }
0x22: {  	[tilespmem:s7], [sflag:$0x1] =	stream.indirect.gather [hbm4b:s5+s6], $0x40, s2, s6, $0xb8;
	[tilespmem:$0x1FBD0] =	vst v63  }
0x23: {  	_ =	swait.ge [sflag:s13], $0xFA00  }
0x24: {  	s31 =	sadd.s32 $0x2B408, s14;
	[sflag:s13] =	ssyncset.done $0x0  }
0x25: {  	s15 =	sadd.s32 s15, s31;
	s14 =	simm.s32 $0x4;
	[sflag:s13] =	ssyncadd.s32 $0xFFFF0600  }
0x26: {  	[hbm4b:s15+s10] =	stream.strided.scatter [tilespmem:s8], [sflag:$0x4], $0xFA00, s11, s10, $0x38;
	[tilespmem:$0x1FBD0] =	vst v63  }
0x27: {  	s16 =	sadd.s32 $0x274E8, s28;
	_ =	swait.ge [sflag:s14], $0xFA00  }
0x28: {  	s16 =	sshrl.u32 s16, $0x3;
	[sflag:s14] =	ssyncset.done $0x0  }
0x29: {  	s16 =	sadd.s32 s26, s16;
	[sflag:s14] =	ssyncadd.s32 $0xFFFF0600  }
0x2a: {  	[tilespmem:s6], [sflag:$0x5] =	stream.linear.gather [hbm4b:s16+s2], $0x3E8, $0x38;
	[tilespmem:$0x1FBD0] =	vst v63  }
0x2b: {  	_ =	swait.ge [sflag:s4], $0x3E8  }
0x2c: {  	[sflag:s4] =	ssyncset.done $0x0  }
0x2d: {  	[sflag:s4] =	ssyncadd.s32 $0xFFFFFC18  }
0x2e: {  	[tilespmem:s8], [sflag:$0x2] =	stream.indirect.gather [hbm4b:s5+s6], $0x40, s6, s6, $0xb8;
	[tilespmem:$0x1FBD0] =	vst v63  }
0x2f: {  	_ =	swait.ge [sflag:s9], $0xFA00  }
0x30: {  	s19 =	sshll.u32 s17, $0x4;
	[sflag:s9] =	ssyncset.done $0x0  }
0x31: {  	s17 =	sadd.s32 s30, s19;
	[sflag:s9] =	ssyncadd.s32 $0xFFFF0600  }
0x32: {  	[hbm4b:s17+s10] =	stream.strided.scatter [tilespmem:s7], [sflag:$0x3], $0xFA00, s11, s10, $0x38;
	[tilespmem:$0x1FBD0] =	vst v63  }
0x33: {  	s21 =	sadd.s32 $0x7D0, s28;
	_ =	swait.ge [sflag:s12], $0xFA00  }
0x34: {  	s18 =	sshrl.u32 s21, $0x3;
	[sflag:s12] =	ssyncset.done $0x0  }
0x35: {  	s18 =	sadd.s32 s26, s18;
	[sflag:s12] =	ssyncadd.s32 $0xFFFF0600  }
0x36: {  	[tilespmem:s2], [sflag:$0x5] =	stream.linear.gather [hbm4b:s18+s2], $0x3E8, $0x38;
	[tilespmem:$0x1FBD0] =	vst v63  }
0x37: {  	_ =	swait.ge [sflag:s4], $0x3E8  }
0x38: {  	[sflag:s4] =	ssyncset.done $0x0  }
0x39: {  	[sflag:s4] =	ssyncadd.s32 $0xFFFFFC18  }
0x3a: {  	[tilespmem:s7], [sflag:$0x1] =	stream.indirect.gather [hbm4b:s5+s6], $0x40, s2, s6, $0xb8;
	[tilespmem:$0x1FBD0] =	vst v63  }
0x3b: {  	_ =	swait.ge [sflag:s13], $0xFA00  }
0x3c: {  	[sflag:s13] =	ssyncset.done $0x0  }
0x3d: {  	s19 =	sadd.s32 s19, s31;
	[sflag:s13] =	ssyncadd.s32 $0xFFFF0600  }
0x3e: {  	[hbm4b:s19+s10] =	stream.strided.scatter [tilespmem:s8], [sflag:$0x4], $0xFA00, s11, s10, $0x38;
	[tilespmem:$0x1FBD0] =	vst v63  }
0x3f: {  	_ =	swait.ge [sflag:s14], $0xFA00  }
0x40: {  	[sflag:s14] =	ssyncset.done $0x0  }
0x41: {  	s20 =	sadd.s32 $0x4F1A, s3;
	[sflag:s14] =	ssyncadd.s32 $0xFFFF0600  }
0x42: {  	[tilespmem:s6], [sflag:$0x5] =	stream.linear.gather [hbm4b:s20+s2], $0x3E8, $0x38;
	[tilespmem:$0x1FBD0] =	vst v63  }
0x43: {  	_ =	swait.ge [sflag:s4], $0x3E8  }
0x44: {  	[sflag:s4] =	ssyncset.done $0x0  }
0x45: {  	[sflag:s4] =	ssyncadd.s32 $0xFFFFFC18  }
0x46: {  	[tilespmem:s8], [sflag:$0x2] =	stream.indirect.gather [hbm4b:s5+s6], $0x40, s6, s6, $0xb8;
	[tilespmem:$0x1FBD0] =	vst v63  }
0x47: {  	_ =	swait.ge [sflag:s9], $0xFA00  }
0x48: {  	s23 =	sshll.u32 s21, $0x4;
	[sflag:s9] =	ssyncset.done $0x0  }
0x49: {  	s21 =	sadd.s32 s30, s23;
	[sflag:s9] =	ssyncadd.s32 $0xFFFF0600  }
0x4a: {  	[hbm4b:s21+s10] =	stream.strided.scatter [tilespmem:s7], [sflag:$0x3], $0xFA00, s11, s10, $0x38;
	[tilespmem:$0x1FBD0] =	vst v63  }
0x4b: {  	s25 =	sadd.s32 $0xBB8, s28;
	_ =	swait.ge [sflag:s12], $0xFA00  }
0x4c: {  	s22 =	sshrl.u32 s25, $0x3;
	[sflag:s12] =	ssyncset.done $0x0  }
0x4d: {  	s22 =	sadd.s32 s26, s22;
	[sflag:s12] =	ssyncadd.s32 $0xFFFF0600  }
0x4e: {  	[tilespmem:s2], [sflag:$0x5] =	stream.linear.gather [hbm4b:s22+s2], $0x3E8, $0x38;
	[tilespmem:$0x1FBD0] =	vst v63  }
0x4f: {  	_ =	swait.ge [sflag:s4], $0x3E8  }
0x50: {  	[sflag:s4] =	ssyncset.done $0x0  }
0x51: {  	[sflag:s4] =	ssyncadd.s32 $0xFFFFFC18  }
0x52: {  	[tilespmem:s7], [sflag:$0x1] =	stream.indirect.gather [hbm4b:s5+s6], $0x40, s2, s6, $0xb8;
	[tilespmem:$0x1FBD0] =	vst v63  }
0x53: {  	_ =	swait.ge [sflag:s13], $0xFA00  }
0x54: {  	[sflag:s13] =	ssyncset.done $0x0  }
0x55: {  	s23 =	sadd.s32 s23, s31;
	[dreg:$0x5] =	wrdreg s31;
	[sflag:s13] =	ssyncadd.s32 $0xFFFF0600  }
0x56: {  	[hbm4b:s23+s10] =	stream.strided.scatter [tilespmem:s8], [sflag:$0x4], $0xFA00, s11, s10, $0x38;
	[tilespmem:$0x1FBD0] =	vst v63  }
0x57: {  	s24 =	sadd.s32 $0x27CB8, s28;
	_ =	swait.ge [sflag:s14], $0xFA00  }
0x58: {  	s24 =	sshrl.u32 s24, $0x3;
	[sflag:s14] =	ssyncset.done $0x0  }
0x59: {  	s24 =	sadd.s32 s26, s24;
	[sflag:s14] =	ssyncadd.s32 $0xFFFF0600  }
0x5a: {  	[tilespmem:s6], [sflag:$0x5] =	stream.linear.gather [hbm4b:s24+s2], $0x3E8, $0x38;
	[tilespmem:$0x1FBD0] =	vst v63  }
0x5b: {  	_ =	swait.ge [sflag:s4], $0x3E8  }
0x5c: {  	[sflag:s4] =	ssyncset.done $0x0  }
0x5d: {  	[sflag:s4] =	ssyncadd.s32 $0xFFFFFC18  }
0x5e: {  	[tilespmem:s8], [sflag:$0x2] =	stream.indirect.gather [hbm4b:s5+s6], $0x40, s6, s6, $0xb8;
	[tilespmem:$0x1FBD0] =	vst v63  }
0x5f: {  	_ =	swait.ge [sflag:s9], $0xFA00  }
0x60: {  	s29 =	sshll.u32 s25, $0x4;
	[sflag:s9] =	ssyncset.done $0x0  }
0x61: {  	s25 =	sadd.s32 s30, s29;
	[sflag:s9] =	ssyncadd.s32 $0xFFFF0600  }
0x62: {  	[hbm4b:s25+s10] =	stream.strided.scatter [tilespmem:s7], [sflag:$0x3], $0xFA00, s11, s10, $0x38;
	[tilespmem:$0x1FBD0] =	vst v63  }
0x63: {  	s0 =	sadd.s32 $0xFA0, s28;
	_ =	swait.ge [sflag:s12], $0xFA00  }
0x64: {  	s28 =	sshrl.u32 s0, $0x3;
	[sflag:s12] =	ssyncset.done $0x0  }
0x65: {  	s26 =	sadd.s32 s26, s28;
	[sflag:s12] =	ssyncadd.s32 $0xFFFF0600  }
0x66: {  	[tilespmem:s2], [sflag:$0x5] =	stream.linear.gather [hbm4b:s26+s2], $0x3E8, $0x38;
	[tilespmem:$0x1FBD0] =	vst v63  }
0x67: {  	_ =	swait.ge [sflag:s4], $0x3E8  }
0x68: {  	[sflag:s4] =	ssyncset.done $0x0  }
0x69: {  	[sflag:s4] =	ssyncadd.s32 $0xFFFFFC18  }
0x6a: {  	[tilespmem:s7], [sflag:$0x1] =	stream.indirect.gather [hbm4b:s5+s6], $0x40, s2, s6, $0xb8;
	[tilespmem:$0x1FBD0] =	vst v63  }
0x6b: {  	_ =	swait.ge [sflag:s13], $0xFA00  }
0x6c: {  	[sflag:s13] =	ssyncset.done $0x0  }
0x6d: {  	s28 =	sadd.s32 s29, s31;
	[sflag:s13] =	ssyncadd.s32 $0xFFFF0600  }
0x6e: {  	[hbm4b:s28+s10] =	stream.strided.scatter [tilespmem:s8], [sflag:$0x4], $0xFA00, s11, s10, $0x38;
	[tilespmem:$0x1FBD0] =	vst v63  }
0x6f: {  	_ =	swait.ge [sflag:s14], $0xFA00  }
0x70: {  	[sflag:s14] =	ssyncset.done $0x0  }
0x71: {  	s29 =	sadd.s32 $0x5014, s3;
	[sflag:s14] =	ssyncadd.s32 $0xFFFF0600  }
0x72: {  	[tilespmem:s6], [sflag:$0x5] =	stream.linear.gather [hbm4b:s29+s2], $0x3E8, $0x38;
	[tilespmem:$0x1FBD0] =	vst v63  }
0x73: {  	_ =	swait.ge [sflag:s4], $0x3E8  }
0x74: {  	[sflag:s4] =	ssyncset.done $0x0  }
0x75: {  	s1 =	ssub.s32 $0x2, s1;
	[sflag:s4] =	ssyncadd.s32 $0xFFFFFC18  }
0x76: {  	[tilespmem:s8], [sflag:$0x2] =	stream.indirect.gather [hbm4b:s5+s6], $0x40, s6, s6, $0xb8;
	[tilespmem:$0x1FBD0] =	vst v63  }
0x77: {  	s31 =	sshrl.u32 s1, $0x1;
	_ =	swait.ge [sflag:s9], $0xFA00  }
0x78: {  	s0 =	sshll.u32 s0, $0x4;
	s1 =	ssub.s32 s1, s31;
	[sflag:s9] =	ssyncset.done $0x0  }
0x79: {  	s30 =	sadd.s32 s30, s0;
	s1 =	smax.u32 s1, $0x1;
	[sflag:s9] =	ssyncadd.s32 $0xFFFF0600  }
0x7a: {  	[hbm4b:s30+s10] =	stream.strided.scatter [tilespmem:s7], [sflag:$0x3], $0xFA00, s11, s10, $0x38;
	[tilespmem:$0x1FBD0] =	vst v63  }
0x7b: {  	p0 =	sne.s32 s1, $0x1;
	_ =	swait.ge [sflag:s13], $0xFA00  }
.Ltmp0:
0x7c: {  	[sflag:s13] =	ssyncset.done $0x0;
	s31 =	rddreg [dreg:$0x5];
	(pc) =	sbr.rel @!p0 .LBB2_2-.Ltmp0, $4  }
0x7d: {  	s31 =	sadd.s32 s0, s31;
	[sflag:s13] =	ssyncadd.s32 $0xFFFF0600  }
0x7e: {  	[hbm4b:s31+s10] =	stream.strided.scatter [tilespmem:s8], [sflag:$0x4], $0xFA00, s11, s10, $0x38;
	[tilespmem:$0x1FBD0] =	vst v63  }
0x7f: {  	_ =	swait.ge [sflag:s14], $0xFA00  }
0x80: {  	s1 =	sadd.s32 $0xFFFFFFFF, s1;
	[sflag:s14] =	ssyncset.done $0x0  }
.LBB2_1:
0x81: {  	[sflag:s14] =	ssyncadd.s32 $0xFFFF0600  }
0x82: {  	[tilespmem:s2], [sflag:$0x5] =	stream.linear.gather [hbm4b:s3+s2], $0x3E8, $0x38;
	[tilespmem:$0x1FBD0] =	vst v63  }
0x83: {  	_ =	swait.ge [sflag:s4], $0x3E8  }
0x84: {  	[sflag:s4] =	ssyncset.done $0x0  }
0x85: {  	[sflag:s4] =	ssyncadd.s32 $0xFFFFFC18  }
0x86: {  	[tilespmem:s7], [sflag:$0x1] =	stream.indirect.gather [hbm4b:s5+s6], $0x40, s2, s6, $0xb8;
	[tilespmem:$0x1FBD0] =	vst v63  }
0x87: {  	s0 =	rddreg [dreg:$0x2]  }
0x88: {  	[tilespmem:s6], [sflag:$0x5] =	stream.linear.gather [hbm4b:s0+s2], $0x3E8, $0x38;
	[tilespmem:$0x1FBD0] =	vst v63  }
0x89: {  	_ =	swait.ge [sflag:s4], $0x3E8  }
0x8a: {  	[sflag:s4] =	ssyncset.done $0x0  }
0x8b: {  	[sflag:s4] =	ssyncadd.s32 $0xFFFFFC18  }
0x8c: {  	[tilespmem:s8], [sflag:$0x2] =	stream.indirect.gather [hbm4b:s5+s6], $0x40, s6, s6, $0xb8;
	[tilespmem:$0x1FBD0] =	vst v63  }
0x8d: {  	_ =	swait.ge [sflag:s9], $0xFA00  }
0x8e: {  	[sflag:s9] =	ssyncset.done $0x0  }
0x8f: {  	s0 =	rddreg [dreg:$0x3];
	[sflag:s9] =	ssyncadd.s32 $0xFFFF0600  }
0x90: {  	[hbm4b:s0+s10] =	stream.strided.scatter [tilespmem:s7], [sflag:$0x3], $0xFA00, s11, s10, $0x38;
	[tilespmem:$0x1FBD0] =	vst v63  }
0x91: {  	_ =	swait.ge [sflag:s12], $0xFA00  }
0x92: {  	[sflag:s12] =	ssyncset.done $0x0  }
0x93: {  	s0 =	rddreg [dreg:$0x4];
	[sflag:s12] =	ssyncadd.s32 $0xFFFF0600  }
0x94: {  	[tilespmem:s2], [sflag:$0x5] =	stream.linear.gather [hbm4b:s0+s2], $0x3E8, $0x38;
	[tilespmem:$0x1FBD0] =	vst v63  }
0x95: {  	_ =	swait.ge [sflag:s4], $0x3E8  }
0x96: {  	[sflag:s4] =	ssyncset.done $0x0  }
0x97: {  	[sflag:s4] =	ssyncadd.s32 $0xFFFFFC18  }
0x98: {  	[tilespmem:s7], [sflag:$0x1] =	stream.indirect.gather [hbm4b:s5+s6], $0x40, s2, s6, $0xb8;
	[tilespmem:$0x1FBD0] =	vst v63  }
0x99: {  	_ =	swait.ge [sflag:s13], $0xFA00  }
0x9a: {  	[sflag:s13] =	ssyncset.done $0x0  }
0x9b: {  	[sflag:s13] =	ssyncadd.s32 $0xFFFF0600  }
0x9c: {  	[hbm4b:s15+s10] =	stream.strided.scatter [tilespmem:s8], [sflag:$0x4], $0xFA00, s11, s10, $0x38;
	[tilespmem:$0x1FBD0] =	vst v63  }
0x9d: {  	_ =	swait.ge [sflag:s14], $0xFA00  }
0x9e: {  	[sflag:s14] =	ssyncset.done $0x0  }
0x9f: {  	[sflag:s14] =	ssyncadd.s32 $0xFFFF0600  }
0xa0: {  	[tilespmem:s6], [sflag:$0x5] =	stream.linear.gather [hbm4b:s16+s2], $0x3E8, $0x38;
	[tilespmem:$0x1FBD0] =	vst v63  }
0xa1: {  	_ =	swait.ge [sflag:s4], $0x3E8  }
0xa2: {  	[sflag:s4] =	ssyncset.done $0x0  }
0xa3: {  	[sflag:s4] =	ssyncadd.s32 $0xFFFFFC18  }
0xa4: {  	[tilespmem:s8], [sflag:$0x2] =	stream.indirect.gather [hbm4b:s5+s6], $0x40, s6, s6, $0xb8;
	[tilespmem:$0x1FBD0] =	vst v63  }
0xa5: {  	_ =	swait.ge [sflag:s9], $0xFA00  }
0xa6: {  	[sflag:s9] =	ssyncset.done $0x0  }
0xa7: {  	[sflag:s9] =	ssyncadd.s32 $0xFFFF0600  }
0xa8: {  	[hbm4b:s17+s10] =	stream.strided.scatter [tilespmem:s7], [sflag:$0x3], $0xFA00, s11, s10, $0x38;
	[tilespmem:$0x1FBD0] =	vst v63  }
0xa9: {  	_ =	swait.ge [sflag:s12], $0xFA00  }
0xaa: {  	[sflag:s12] =	ssyncset.done $0x0  }
0xab: {  	[sflag:s12] =	ssyncadd.s32 $0xFFFF0600  }
0xac: {  	[tilespmem:s2], [sflag:$0x5] =	stream.linear.gather [hbm4b:s18+s2], $0x3E8, $0x38;
	[tilespmem:$0x1FBD0] =	vst v63  }
0xad: {  	_ =	swait.ge [sflag:s4], $0x3E8  }
0xae: {  	[sflag:s4] =	ssyncset.done $0x0  }
0xaf: {  	[sflag:s4] =	ssyncadd.s32 $0xFFFFFC18  }
0xb0: {  	[tilespmem:s7], [sflag:$0x1] =	stream.indirect.gather [hbm4b:s5+s6], $0x40, s2, s6, $0xb8;
	[tilespmem:$0x1FBD0] =	vst v63  }
0xb1: {  	_ =	swait.ge [sflag:s13], $0xFA00  }
0xb2: {  	[sflag:s13] =	ssyncset.done $0x0  }
0xb3: {  	[sflag:s13] =	ssyncadd.s32 $0xFFFF0600  }
0xb4: {  	[hbm4b:s19+s10] =	stream.strided.scatter [tilespmem:s8], [sflag:$0x4], $0xFA00, s11, s10, $0x38;
	[tilespmem:$0x1FBD0] =	vst v63  }
0xb5: {  	_ =	swait.ge [sflag:s14], $0xFA00  }
0xb6: {  	[sflag:s14] =	ssyncset.done $0x0  }
0xb7: {  	[sflag:s14] =	ssyncadd.s32 $0xFFFF0600  }
0xb8: {  	[tilespmem:s6], [sflag:$0x5] =	stream.linear.gather [hbm4b:s20+s2], $0x3E8, $0x38;
	[tilespmem:$0x1FBD0] =	vst v63  }
0xb9: {  	_ =	swait.ge [sflag:s4], $0x3E8  }
0xba: {  	[sflag:s4] =	ssyncset.done $0x0  }
0xbb: {  	[sflag:s4] =	ssyncadd.s32 $0xFFFFFC18  }
0xbc: {  	[tilespmem:s8], [sflag:$0x2] =	stream.indirect.gather [hbm4b:s5+s6], $0x40, s6, s6, $0xb8;
	[tilespmem:$0x1FBD0] =	vst v63  }
0xbd: {  	_ =	swait.ge [sflag:s9], $0xFA00  }
0xbe: {  	[sflag:s9] =	ssyncset.done $0x0  }
0xbf: {  	[sflag:s9] =	ssyncadd.s32 $0xFFFF0600  }
0xc0: {  	[hbm4b:s21+s10] =	stream.strided.scatter [tilespmem:s7], [sflag:$0x3], $0xFA00, s11, s10, $0x38;
	[tilespmem:$0x1FBD0] =	vst v63  }
0xc1: {  	_ =	swait.ge [sflag:s12], $0xFA00  }
0xc2: {  	[sflag:s12] =	ssyncset.done $0x0  }
0xc3: {  	[sflag:s12] =	ssyncadd.s32 $0xFFFF0600  }
0xc4: {  	[tilespmem:s2], [sflag:$0x5] =	stream.linear.gather [hbm4b:s22+s2], $0x3E8, $0x38;
	[tilespmem:$0x1FBD0] =	vst v63  }
0xc5: {  	_ =	swait.ge [sflag:s4], $0x3E8  }
0xc6: {  	[sflag:s4] =	ssyncset.done $0x0  }
0xc7: {  	[sflag:s4] =	ssyncadd.s32 $0xFFFFFC18  }
0xc8: {  	[tilespmem:s7], [sflag:$0x1] =	stream.indirect.gather [hbm4b:s5+s6], $0x40, s2, s6, $0xb8;
	[tilespmem:$0x1FBD0] =	vst v63  }
0xc9: {  	_ =	swait.ge [sflag:s13], $0xFA00  }
0xca: {  	[sflag:s13] =	ssyncset.done $0x0  }
0xcb: {  	[sflag:s13] =	ssyncadd.s32 $0xFFFF0600  }
0xcc: {  	[hbm4b:s23+s10] =	stream.strided.scatter [tilespmem:s8], [sflag:$0x4], $0xFA00, s11, s10, $0x38;
	[tilespmem:$0x1FBD0] =	vst v63  }
0xcd: {  	_ =	swait.ge [sflag:s14], $0xFA00  }
0xce: {  	[sflag:s14] =	ssyncset.done $0x0  }
0xcf: {  	[sflag:s14] =	ssyncadd.s32 $0xFFFF0600  }
0xd0: {  	[tilespmem:s6], [sflag:$0x5] =	stream.linear.gather [hbm4b:s24+s2], $0x3E8, $0x38;
	[tilespmem:$0x1FBD0] =	vst v63  }
0xd1: {  	_ =	swait.ge [sflag:s4], $0x3E8  }
0xd2: {  	[sflag:s4] =	ssyncset.done $0x0  }
0xd3: {  	[sflag:s4] =	ssyncadd.s32 $0xFFFFFC18  }
0xd4: {  	[tilespmem:s8], [sflag:$0x2] =	stream.indirect.gather [hbm4b:s5+s6], $0x40, s6, s6, $0xb8;
	[tilespmem:$0x1FBD0] =	vst v63  }
0xd5: {  	_ =	swait.ge [sflag:s9], $0xFA00  }
0xd6: {  	[sflag:s9] =	ssyncset.done $0x0  }
0xd7: {  	[sflag:s9] =	ssyncadd.s32 $0xFFFF0600  }
0xd8: {  	[hbm4b:s25+s10] =	stream.strided.scatter [tilespmem:s7], [sflag:$0x3], $0xFA00, s11, s10, $0x38;
	[tilespmem:$0x1FBD0] =	vst v63  }
0xd9: {  	_ =	swait.ge [sflag:s12], $0xFA00  }
0xda: {  	[sflag:s12] =	ssyncset.done $0x0  }
0xdb: {  	[sflag:s12] =	ssyncadd.s32 $0xFFFF0600  }
0xdc: {  	[tilespmem:s2], [sflag:$0x5] =	stream.linear.gather [hbm4b:s26+s2], $0x3E8, $0x38;
	[tilespmem:$0x1FBD0] =	vst v63  }
0xdd: {  	_ =	swait.ge [sflag:s4], $0x3E8  }
0xde: {  	[sflag:s4] =	ssyncset.done $0x0  }
0xdf: {  	[sflag:s4] =	ssyncadd.s32 $0xFFFFFC18  }
0xe0: {  	[tilespmem:s7], [sflag:$0x1] =	stream.indirect.gather [hbm4b:s5+s6], $0x40, s2, s6, $0xb8;
	[tilespmem:$0x1FBD0] =	vst v63  }
0xe1: {  	_ =	swait.ge [sflag:s13], $0xFA00  }
0xe2: {  	[sflag:s13] =	ssyncset.done $0x0  }
0xe3: {  	[sflag:s13] =	ssyncadd.s32 $0xFFFF0600  }
0xe4: {  	[hbm4b:s28+s10] =	stream.strided.scatter [tilespmem:s8], [sflag:$0x4], $0xFA00, s11, s10, $0x38;
	[tilespmem:$0x1FBD0] =	vst v63  }
0xe5: {  	_ =	swait.ge [sflag:s14], $0xFA00  }
0xe6: {  	[sflag:s14] =	ssyncset.done $0x0  }
0xe7: {  	[sflag:s14] =	ssyncadd.s32 $0xFFFF0600  }
0xe8: {  	[tilespmem:s6], [sflag:$0x5] =	stream.linear.gather [hbm4b:s29+s2], $0x3E8, $0x38;
	[tilespmem:$0x1FBD0] =	vst v63  }
0xe9: {  	_ =	swait.ge [sflag:s4], $0x3E8  }
0xea: {  	[sflag:s4] =	ssyncset.done $0x0  }
0xeb: {  	[sflag:s4] =	ssyncadd.s32 $0xFFFFFC18  }
0xec: {  	[tilespmem:s8], [sflag:$0x2] =	stream.indirect.gather [hbm4b:s5+s6], $0x40, s6, s6, $0xb8;
	[tilespmem:$0x1FBD0] =	vst v63  }
0xed: {  	_ =	swait.ge [sflag:s9], $0xFA00  }
0xee: {  	[sflag:s9] =	ssyncset.done $0x0  }
0xef: {  	[sflag:s9] =	ssyncadd.s32 $0xFFFF0600  }
0xf0: {  	[hbm4b:s30+s10] =	stream.strided.scatter [tilespmem:s7], [sflag:$0x3], $0xFA00, s11, s10, $0x38;
	[tilespmem:$0x1FBD0] =	vst v63  }
0xf1: {  	p0 =	sne.s32 s1, $0x1;
	_ =	swait.ge [sflag:s13], $0xFA00  }
.Ltmp1:
0xf2: {  	[sflag:s13] =	ssyncset.done $0x0;
	(pc) =	sbr.rel @p0 .LBB2_1-.Ltmp1, $4  }
0xf3: {  	[sflag:s13] =	ssyncadd.s32 $0xFFFF0600  }
0xf4: {  	[hbm4b:s31+s10] =	stream.strided.scatter [tilespmem:s8], [sflag:$0x4], $0xFA00, s11, s10, $0x38;
	[tilespmem:$0x1FBD0] =	vst v63  }
0xf5: {  	_ =	swait.ge [sflag:s14], $0xFA00  }
0xf6: {  	s1 =	sadd.s32 $0xFFFFFFFF, s1;
	[sflag:s14] =	ssyncset.done $0x0  }
.LBB2_2:
0xf7: {  	[sflag:s14] =	ssyncadd.s32 $0xFFFF0600  }
0xf8: {  	_ =	sfence.sel $0x180000  }
0xf9: {  	[bflag:$0x0] =	sbarrier.arrive $0xFFFF  }
0xfa: {  	_ =	strace $0x90000047  }
0xfb: {  	s0 =	stileid.u32;
	[bflag:$0x2] =	sbarrier.arrive $0xFFFF  }
0xfc: {  	p0 =	sne.s32 s0, $0x0;
	s0 =	rddreg [dreg:$0x1]  }
0xfd: {  	s0 =	sadd.s32 @!p0 $0x100000, s0  }
0xfe: {  	[sflag:s0] =	ssyncadd.tile.s32 @!p0 $0x1;
	_ =	shalt  }
.Lfunc_end2:
_tile_overlayer_lowered:
.L_overlay_start_2:
0xff: {  	(tag) =	ssettag $0x2  }
0x100: {  	s0 =	rddreg [dreg:$0x0];
	s2 =	stileid.u32  }
0x101: {  	s1 =	rddreg [dreg:$0x1];
	p0 =	sne.s32 s2, $0x0  }
0x102: {  	s3 =	rddreg [dreg:$0x2];
	[bflag:$0x3] =	sbarrier.arrive $0xFFFF;
	s2 =	simm.s32 @!p0 $0x1C05  }
0x103: {  	[timem:s3], [sflag:s2] =	dma.local @!p0 [hbm:s0], s1  }
0x104: {  	s0 =	simm.s32 @!p0 $0x5  }
0x105: {  	_ =	swait.ge @!p0 [sflag:s0], s1  }
0x106: {  	s1 =	ssub.s32 @!p0 $0x0, s1;
	[sflag:s0] =	ssyncset.done @!p0 $0x0  }
0x107: {  	[sflag:s0] =	ssyncadd.s32 @!p0 s1  }
0x108: {  	[bflag:$0x3] =	sbarrier.arrive $0xFFFF  }
0x109: {  	_ =	shalt  }

</sc_bundles>
